<compile_context>
chip_gen: v7x
topology: tpu7x:2x2x1
jax: 0.10.2.dev20260603
libtpu: 0.0.44.dev20260713+nightly
codegen_flags: <defaults>
</compile_context>

<pallas_src>
import functools

import jax
import jax.numpy as jnp
from jax import lax
from jax.experimental import pallas as pl
from jax.experimental.pallas import tpu as pltpu
from jax.experimental.pallas import tpu_sc as plsc

N = 10000
E = 320000
NB = 20
NBP = 24
CUTOFF = 5.0
NUM_EL = 120
F = 128

NC = 2
NS = 16
NW = NC * NS
EPW = E // NW
NPIECE = 2
EP = E // NPIECE
EPWS = EP // NW
NPSA = 624
NTAIL = N - NS * NPSA
STG = 48
NSTG = NPSA // STG
CHUNK = 104
NCHUNK = EPWS // CHUNK
TAILC = EPWS - NCHUNK * CHUNK
RING = 3

BE = 16000
NBLK = EP // BE

BN = 1000
NNBLK = N // BN


def _sigmoid(x):
    return 1.0 / (1.0 + jnp.exp(-x))


def _silu(x):
    return x * _sigmoid(x)


def _silu_t(x):
    return 0.5 * x * (1.0 + jnp.tanh(0.5 * x))


def _precompute_body(emb_ref, sW1_ref, sb1_ref, sW2_ref, sb2_ref,
                     tW1_ref, tb1_ref, tW2_ref, tb2_ref,
                     dW2_ref, db2_ref, eW1_ref, eb1_ref,
                     S2_ref, T2_ref, Wd_ref, cvec_ref):
    emb = emb_ref[...]
    S = _silu(jnp.dot(emb, sW1_ref[...], preferred_element_type=jnp.float32)
              + sb1_ref[...])
    S = jnp.dot(S, sW2_ref[...], preferred_element_type=jnp.float32) + sb2_ref[...]
    T = _silu(jnp.dot(emb, tW1_ref[...], preferred_element_type=jnp.float32)
              + tb1_ref[...])
    T = jnp.dot(T, tW2_ref[...], preferred_element_type=jnp.float32) + tb2_ref[...]
    eW1_d = eW1_ref[0:128, :]
    eW1_s = eW1_ref[128:256, :]
    eW1_t = eW1_ref[256:384, :]
    S2_ref[...] = jnp.dot(S, eW1_s, preferred_element_type=jnp.float32)
    T2_ref[...] = jnp.dot(T, eW1_t, preferred_element_type=jnp.float32)
    Wd_ref[...] = jnp.dot(dW2_ref[...], eW1_d, preferred_element_type=jnp.float32)
    cvec_ref[...] = jnp.dot(db2_ref[...], eW1_d,
                            preferred_element_type=jnp.float32) + eb1_ref[...]


def _precompute(emb, sW1, sb1, sW2, sb2, tW1, tb1, tW2, tb2, dW2, db2, eW1, eb1):
    full = lambda shape: pl.BlockSpec(shape, lambda: tuple(0 for _ in shape))
    return pl.pallas_call(
        _precompute_body,
        grid=(),
        in_specs=[full((NUM_EL, F)), full((F, F)), full((1, F)), full((F, F)),
                  full((1, F)), full((F, F)), full((1, F)), full((F, F)),
                  full((1, F)), full((F, F)), full((1, F)), full((3 * F, F)),
                  full((1, F))],
        out_specs=[full((NUM_EL, F)), full((NUM_EL, F)), full((F, F)),
                   full((1, F))],
        out_shape=[jax.ShapeDtypeStruct((NUM_EL, F), jnp.float32),
                   jax.ShapeDtypeStruct((NUM_EL, F), jnp.float32),
                   jax.ShapeDtypeStruct((F, F), jnp.float32),
                   jax.ShapeDtypeStruct((1, F), jnp.float32)],
    )(emb, sW1, sb1, sW2, sb2, tW1, tb1, tW2, tb2, dW2, db2, eW1, eb1)


def _zgather_body(z_hbm, row_hbm, col_hbm, zr_hbm, zc_hbm,
                  z_v, row_v, col_v, zr_v, zc_v):
    c = lax.axis_index("c")
    s = lax.axis_index("s")
    wid = s * NC + c
    base = wid * EPW
    pltpu.sync_copy(z_hbm, z_v)
    pltpu.sync_copy(row_hbm.at[pl.ds(base, EPW)], row_v)
    pltpu.sync_copy(col_hbm.at[pl.ds(base, EPW)], col_v)

    def body(i, carry):
        off = i * 16
        idx_r = row_v[pl.ds(off, 16)]
        zr_v[pl.ds(off, 16)] = plsc.load_gather(z_v, [idx_r])
        idx_c = col_v[pl.ds(off, 16)]
        zc_v[pl.ds(off, 16)] = plsc.load_gather(z_v, [idx_c])
        return carry

    lax.fori_loop(0, EPW // 16, body, 0)
    pltpu.sync_copy(zr_v, zr_hbm.at[pl.ds(base, EPW)])
    pltpu.sync_copy(zc_v, zc_hbm.at[pl.ds(base, EPW)])


def _zgather(z, row, col):
    mesh = plsc.VectorSubcoreMesh(core_axis_name="c", subcore_axis_name="s",
                                  num_cores=NC, num_subcores=NS)
    k = functools.partial(
        pl.kernel,
        mesh=mesh,
        out_type=[jax.ShapeDtypeStruct((E,), jnp.int32),
                  jax.ShapeDtypeStruct((E,), jnp.int32)],
        scratch_types=[
            pltpu.VMEM((N,), jnp.int32),
            pltpu.VMEM((EPW,), jnp.int32),
            pltpu.VMEM((EPW,), jnp.int32),
            pltpu.VMEM((EPW,), jnp.int32),
            pltpu.VMEM((EPW,), jnp.int32),
        ],
        compiler_params=pltpu.CompilerParams(needs_layout_passes=False),
    )(_zgather_body)
    return k(z, row, col)


def _edge_body(r_ref, zr_ref, zc_ref, dW1_ref, db1_ref, Wd_ref, S2_ref,
               T2_ref, cvec_ref, eW2_ref, eb2_ref, out_ref):
    bf16 = jnp.bfloat16
    rb = r_ref[0]
    zr = zr_ref[0]
    zc = zc_ref[0]
    theta = (jnp.pi / CUTOFF) * rb
    c2 = 2.0 * jnp.cos(theta)
    t1 = jnp.sin(theta) * (jnp.sqrt(2.0 / CUTOFF) / rb)
    rows = [t1]
    tp2, tp1 = jnp.zeros_like(t1), t1
    for _ in range(NB - 1):
        t = c2 * tp1 - tp2
        tp2, tp1 = tp1, t
        rows.append(t)
    rows.extend([jnp.zeros_like(t1)] * (NBP - NB))
    basis = jnp.concatenate(rows, axis=0)
    tdot = (((0,), (0,)), ((), ()))
    hid = _silu_t(lax.dot_general(basis.astype(bf16), dW1_ref[...], tdot,
                                  preferred_element_type=jnp.float32)
                  + db1_ref[...])
    lanes = lax.broadcasted_iota(jnp.int32, (NUM_EL, BE), 0)
    ohr = (lanes == zr).astype(bf16)
    ohc = (lanes == zc).astype(bf16)
    pre = (jnp.dot(hid.astype(bf16), Wd_ref[...],
                   preferred_element_type=jnp.float32)
           + lax.dot_general(ohr, S2_ref[...], tdot,
                             preferred_element_type=jnp.float32)
           + lax.dot_general(ohc, T2_ref[...], tdot,
                             preferred_element_type=jnp.float32)
           + cvec_ref[...])
    out_ref[...] = (jnp.dot(_silu_t(pre).astype(bf16), eW2_ref[...],
                            preferred_element_type=jnp.float32)
                    + eb2_ref[...])


def _edge_feats(r3, zr3, zc3, dW1p, db1, Wd, S2, T2, cvec, eW2, eb2):
    full = lambda shape: pl.BlockSpec(shape, lambda i: tuple(0 for _ in shape))
    return pl.pallas_call(
        _edge_body,
        grid=(NBLK,),
        in_specs=[
            pl.BlockSpec((1, 1, BE), lambda i: (i, 0, 0)),
            pl.BlockSpec((1, 1, BE), lambda i: (i, 0, 0)),
            pl.BlockSpec((1, 1, BE), lambda i: (i, 0, 0)),
            full((NBP, F)), full((1, F)), full((F, F)), full((NUM_EL, F)),
            full((NUM_EL, F)), full((1, F)), full((F, F)), full((1, F)),
        ],
        out_specs=pl.BlockSpec((BE, F), lambda i: (i, 0)),
        out_shape=jax.ShapeDtypeStruct((E, F), jnp.float32),
    )(r3, zr3, zc3, dW1p, db1, Wd, S2, T2, cvec, eW2, eb2)


def _fill_iota(idx_ref, off):
    for k in range(STG // 16):
        idx_ref[pl.ds(k * 16, 16)] = lax.iota(jnp.int32, 16) + (off + k * 16)


def _scatter_body(ef_hbm, row_hbm, zacc_hbm, acc_hbm,
                  idx_v, rows_v, accst_v, iidx_v, tidx_v, trows_v,
                  acc_sh, *sems):
    lsems = sems[:RING]
    asems = sems[RING:]
    c = lax.axis_index("c")
    s = lax.axis_index("s")
    wid = s * NC + c
    base = wid * EPWS
    pltpu.sync_copy(zacc_hbm, accst_v)

    def initb(j, carry):
        _fill_iota(iidx_v, s * NPSA + j * STG)
        pltpu.sync_copy(accst_v, acc_sh.at[iidx_v])
        return carry

    lax.fori_loop(0, NSTG, initb, 0)

    @pl.when(s == NS - 1)
    def _():
        _fill_iota(iidx_v, N - STG)
        pltpu.sync_copy(accst_v, acc_sh.at[iidx_v])

    plsc.subcore_barrier()

    def _issue_loads(b, g):
        off = base + g * CHUNK
        pltpu.async_copy(row_hbm.at[pl.ds(off, CHUNK)], idx_v.at[b],
                         lsems[b])
        pltpu.async_copy(ef_hbm.at[pl.ds(off, CHUNK)], rows_v.at[b],
                         lsems[b])

    def _wait_loads(b, g):
        off = base + g * CHUNK
        pltpu.make_async_copy(row_hbm.at[pl.ds(off, CHUNK)], idx_v.at[b],
                              lsems[b]).wait()
        pltpu.make_async_copy(ef_hbm.at[pl.ds(off, CHUNK)], rows_v.at[b],
                              lsems[b]).wait()

    def _add_desc(b):
        return pltpu.make_async_copy(rows_v.at[b], acc_sh.at[idx_v.at[b]],
                                     asems[b])

    for b in range(RING):
        _issue_loads(b, b)

    def outer(o, carry):
        for b in range(RING):
            v = o * RING + b
            _wait_loads(b, v)
            _add_desc(b).start(add=True)
            bu = (b + 1) % RING
            u = v - (RING - 1)
            if b == RING - 1:
                @pl.when(o < NCHUNK // RING - 1)
                def _():
                    _add_desc(bu).wait()
                    _issue_loads(bu, u + RING)
            else:
                @pl.when(o > 0)
                def _():
                    _add_desc(bu).wait()
                    _issue_loads(bu, u + RING)
        return carry

    lax.fori_loop(0, NCHUNK // RING, outer, 0)
    for b in range(RING):
        _add_desc(b).wait()
    toff = base + NCHUNK * CHUNK
    pltpu.sync_copy(row_hbm.at[pl.ds(toff, TAILC)], tidx_v)
    pltpu.sync_copy(ef_hbm.at[pl.ds(toff, TAILC)], trows_v)
    pltpu.sync_copy(trows_v, acc_sh.at[tidx_v], add=True)
    plsc.subcore_barrier()

    def outb(j, carry):
        off = s * NPSA + j * STG
        _fill_iota(iidx_v, off)
        pltpu.sync_copy(acc_sh.at[iidx_v], accst_v)
        pltpu.sync_copy(accst_v, acc_hbm.at[pl.ds(c * N + off, STG)])
        return carry

    lax.fori_loop(0, NSTG, outb, 0)

    @pl.when(s == NS - 1)
    def _():
        _fill_iota(iidx_v, N - STG)
        pltpu.sync_copy(acc_sh.at[iidx_v], accst_v)
        pltpu.sync_copy(accst_v, acc_hbm.at[pl.ds(c * N + N - STG, STG)])


def _scatter(ef, row, zacc):
    mesh = plsc.VectorSubcoreMesh(core_axis_name="c", subcore_axis_name="s",
                                  num_cores=NC, num_subcores=NS)
    k = functools.partial(
        pl.kernel,
        mesh=mesh,
        out_type=jax.ShapeDtypeStruct((NC * N, F), jnp.float32),
        scratch_types=(
            [pltpu.VMEM((RING, CHUNK), jnp.int32),
             pltpu.VMEM((RING, CHUNK, F), jnp.float32),
             pltpu.VMEM((STG, F), jnp.float32),
             pltpu.VMEM((STG,), jnp.int32),
             pltpu.VMEM((TAILC,), jnp.int32),
             pltpu.VMEM((TAILC, F), jnp.float32),
             pltpu.VMEM_SHARED((N, F), jnp.float32)]
            + [pltpu.SemaphoreType.DMA] * (2 * RING)
        ),
    )(_scatter_body)
    return k(ef, row, zacc)


def _final_body(a_ref, b_ref, c_ref, d_ref, out_ref):
    out_ref[...] = (a_ref[...] + b_ref[...]) + (c_ref[...] + d_ref[...])


def _finalize(acc0, acc1):
    return pl.pallas_call(
        _final_body,
        grid=(NNBLK,),
        in_specs=[
            pl.BlockSpec((BN, F), lambda i: (i, 0)),
            pl.BlockSpec((BN, F), lambda i: (i + NNBLK, 0)),
            pl.BlockSpec((BN, F), lambda i: (i, 0)),
            pl.BlockSpec((BN, F), lambda i: (i + NNBLK, 0)),
        ],
        out_specs=pl.BlockSpec((BN, F), lambda i: (i, 0)),
        out_shape=jax.ShapeDtypeStruct((N, F), jnp.float32),
    )(acc0, acc0, acc1, acc1)


def kernel(z, edge_index, edge_weight, emb, dW1, db1, dW2, db2, sW1, sb1,
           sW2, sb2, tW1, tb1, tW2, tb2, eW1, eb1, eW2, eb2):
    f32 = jnp.float32
    row = edge_index[0].astype(jnp.int32)
    col = edge_index[1].astype(jnp.int32)
    z32 = z.astype(jnp.int32)

    S2, T2, Wd, cvec = _precompute(
        emb.astype(f32), sW1, sb1.reshape(1, F), sW2, sb2.reshape(1, F),
        tW1, tb1.reshape(1, F), tW2, tb2.reshape(1, F),
        dW2, db2.reshape(1, F), eW1, eb1.reshape(1, F))

    zr, zc = _zgather(z32, row, col)

    bf16 = jnp.bfloat16
    dW1p = jnp.pad(dW1, ((0, NBP - NB), (0, 0)))
    zacc = jnp.zeros((STG, F), f32)
    r_pieces = edge_weight.astype(f32).reshape(NPIECE, NBLK, 1, BE)
    zr_pieces = zr.reshape(NPIECE, NBLK, 1, BE)
    zc_pieces = zc.reshape(NPIECE, NBLK, 1, BE)
    row_pieces = row.reshape(NPIECE, EP)

    accs = []
    for p in range(NPIECE):
        ef = _edge_feats(
            r_pieces[p], zr_pieces[p], zc_pieces[p],
            dW1p.astype(bf16), db1.reshape(1, F), Wd.astype(bf16),
            S2.astype(bf16), T2.astype(bf16), cvec, eW2.astype(bf16),
            eb2.reshape(1, F))
        accs.append(_scatter(ef, row_pieces[p], zacc))

    return _finalize(accs[0], accs[1])

# --- scband reference (transcript-rebuilt; emitter-appended) ---
"""Pipeline reference for scband-deep-set-15994458210314 (READ-ONLY COPY).

The authoritative reference and input builder live on the scoring server;
editing this copy changes nothing except your own understanding.
"""

import jax, jax.numpy as jnp
import numpy as np

N = 10000
E = 320000
EMB = 128
HID = 128
FILT = 128
NB = 20
CUTOFF = 5.0
NUM_EL = 120


def _silu(x):
    return x * jax.nn.sigmoid(x)


def _mlp(x, W1, b1, W2, b2):
    return _silu(x @ W1 + b1) @ W2 + b2


def _bessel(r):
    n = jnp.arange(1, NB + 1, dtype=jnp.float32)
    r = r[:, None]
    return jnp.sqrt(2.0 / CUTOFF) * jnp.sin(n * jnp.pi * r / CUTOFF) / r


def setup_inputs(seed: int = 0):
    key = jax.random.key(seed)
    ks = jax.random.split(key, 24)
    inp = {}
    inp["z"] = jax.random.randint(ks[0], (N,), 0, NUM_EL)
    inp["edge_index"] = jax.random.randint(ks[1], (2, E), 0, N)
    inp["edge_weight"] = jax.random.uniform(ks[2], (E,), dtype=jnp.float32) * (CUTOFF - 0.5) + 0.5
    inp["emb"] = jax.random.normal(ks[3], (NUM_EL, EMB), dtype=jnp.float32) * 0.1

    def lin(k, fan_in, fan_out):
        s = 1.0 / np.sqrt(fan_in)
        kw, kb = jax.random.split(k)
        W = jax.random.uniform(kw, (fan_in, fan_out), dtype=jnp.float32, minval=-s, maxval=s)
        b = jax.random.uniform(kb, (fan_out,), dtype=jnp.float32, minval=-s, maxval=s)
        return W, b

    inp["dW1"], inp["db1"] = lin(ks[4], NB, HID)
    inp["dW2"], inp["db2"] = lin(ks[5], HID, FILT)
    inp["sW1"], inp["sb1"] = lin(ks[6], EMB, HID)
    inp["sW2"], inp["sb2"] = lin(ks[7], HID, FILT)
    inp["tW1"], inp["tb1"] = lin(ks[8], EMB, HID)
    inp["tW2"], inp["tb2"] = lin(ks[9], HID, FILT)
    inp["eW1"], inp["eb1"] = lin(ks[10], 3 * FILT, HID)
    inp["eW2"], inp["eb2"] = lin(ks[11], HID, HID)
    return inp


def reference(z, edge_index, edge_weight, emb, dW1, db1, dW2, db2, sW1, sb1, sW2, sb2, tW1, tb1, tW2, tb2, eW1, eb1, eW2, eb2):
    row = edge_index[0]
    col = edge_index[1]
    h = jnp.take(emb, z, axis=0)
    edge_basis = _bessel(edge_weight)
    d_proj = _mlp(edge_basis, dW1, db1, dW2, db2)
    src_proj = _mlp(jnp.take(h, row, axis=0), sW1, sb1, sW2, sb2)
    tgt_proj = _mlp(jnp.take(h, col, axis=0), tW1, tb1, tW2, tb2)
    edge_feats = jnp.concatenate([d_proj, src_proj, tgt_proj], axis=-1)
    edge_feats = _mlp(edge_feats, eW1, eb1, eW2, eb2)
    node_feats = jax.ops.segment_sum(edge_feats, row, num_segments=N)
    return node_feats

if __name__ == "__main__":
    import jax
    _d = setup_inputs()
    print(jax.jit(kernel)(*tuple(_d.values())))

</pallas_src>

<mosaic_0001>
#map = affine_map<(d0, d1) -> (0)>
module attributes {stable_mosaic.version = 14 : i64} {
  func.func @_zgather_body(%arg0: i32, %arg1: i32, %arg2: memref<10000xi32, #tpu.memory_space<hbm>>, %arg3: memref<320000xi32, #tpu.memory_space<hbm>>, %arg4: memref<320000xi32, #tpu.memory_space<hbm>>, %arg5: memref<320000xi32, #tpu.memory_space<hbm>>, %arg6: memref<320000xi32, #tpu.memory_space<hbm>>, %arg7: memref<10000xi32, #tpu.memory_space<vmem>>, %arg8: memref<10000xi32, #tpu.memory_space<vmem>>, %arg9: memref<10000xi32, #tpu.memory_space<vmem>>, %arg10: memref<10000xi32, #tpu.memory_space<vmem>>, %arg11: memref<10000xi32, #tpu.memory_space<vmem>>) attributes {dimension_semantics = [#tpu.dimension_semantics<core_parallel>, #tpu.dimension_semantics<subcore_parallel>], iteration_bounds = array<i64: 2, 16>, scalar_prefetch = 0 : i64, scratch_operands = 5 : i64, tpu.core_type = #tpu.core_type<sc_vector_subcore>, window_params = [{transform_indices = #map}, {transform_indices = #map}, {transform_indices = #map}, {transform_indices = #map}, {transform_indices = #map}]} {
    %mul3A = arith.constant 2 : i32
    %mul3A_0 = arith.muli %arg1, %mul3A : i32
    %add3A = arith.addi %mul3A_0, %arg0 : i32
    %mul3A_1 = arith.constant 10000 : i32
    %mul3A_2 = arith.muli %add3A, %mul3A_1 : i32
    "tpu.region"() ({
      %run_scoped3A = tpu.sem_alloc : memref<!tpu.dma_semaphore, #tpu.memory_space<semaphore_mem>>
      tpu.enqueue_dma source(%arg2 : memref<10000xi32, #tpu.memory_space<hbm>>) target(%arg7 : memref<10000xi32, #tpu.memory_space<vmem>>) target_semaphore(%run_scoped3A : memref<!tpu.dma_semaphore, #tpu.memory_space<semaphore_mem>>)
      tpu.wait_dma2 semaphore(%run_scoped3A : memref<!tpu.dma_semaphore, #tpu.memory_space<semaphore_mem>>) src(%arg2 : memref<10000xi32, #tpu.memory_space<hbm>>) dst(%arg7 : memref<10000xi32, #tpu.memory_space<vmem>>)
      tpu.yield
    }) : () -> ()
    "tpu.region"() ({
      %run_scoped3A = tpu.sem_alloc : memref<!tpu.dma_semaphore, #tpu.memory_space<semaphore_mem>>
      %dma_start3A = tpu.memref_slice %arg3[%mul3A_2] : memref<320000xi32, #tpu.memory_space<hbm>> -> memref<10000xi32, #tpu.memory_space<hbm>>
      %dma_start3A_8 = tpu.memref_slice %arg3[%mul3A_2] : memref<320000xi32, #tpu.memory_space<hbm>> -> memref<10000xi32, #tpu.memory_space<hbm>>
      tpu.enqueue_dma source(%dma_start3A_8 : memref<10000xi32, #tpu.memory_space<hbm>>) target(%arg8 : memref<10000xi32, #tpu.memory_space<vmem>>) target_semaphore(%run_scoped3A : memref<!tpu.dma_semaphore, #tpu.memory_space<semaphore_mem>>)
      %dma_wait3A = tpu.memref_slice %arg3[%mul3A_2] : memref<320000xi32, #tpu.memory_space<hbm>> -> memref<10000xi32, #tpu.memory_space<hbm>>
      %dma_wait3A_9 = tpu.memref_slice %arg3[%mul3A_2] : memref<320000xi32, #tpu.memory_space<hbm>> -> memref<10000xi32, #tpu.memory_space<hbm>>
      tpu.wait_dma2 semaphore(%run_scoped3A : memref<!tpu.dma_semaphore, #tpu.memory_space<semaphore_mem>>) src(%dma_wait3A_9 : memref<10000xi32, #tpu.memory_space<hbm>>) dst(%arg8 : memref<10000xi32, #tpu.memory_space<vmem>>)
      tpu.yield
    }) : () -> ()
    "tpu.region"() ({
      %run_scoped3A = tpu.sem_alloc : memref<!tpu.dma_semaphore, #tpu.memory_space<semaphore_mem>>
      %dma_start3A = tpu.memref_slice %arg4[%mul3A_2] : memref<320000xi32, #tpu.memory_space<hbm>> -> memref<10000xi32, #tpu.memory_space<hbm>>
      %dma_start3A_8 = tpu.memref_slice %arg4[%mul3A_2] : memref<320000xi32, #tpu.memory_space<hbm>> -> memref<10000xi32, #tpu.memory_space<hbm>>
      tpu.enqueue_dma source(%dma_start3A_8 : memref<10000xi32, #tpu.memory_space<hbm>>) target(%arg9 : memref<10000xi32, #tpu.memory_space<vmem>>) target_semaphore(%run_scoped3A : memref<!tpu.dma_semaphore, #tpu.memory_space<semaphore_mem>>)
      %dma_wait3A = tpu.memref_slice %arg4[%mul3A_2] : memref<320000xi32, #tpu.memory_space<hbm>> -> memref<10000xi32, #tpu.memory_space<hbm>>
      %dma_wait3A_9 = tpu.memref_slice %arg4[%mul3A_2] : memref<320000xi32, #tpu.memory_space<hbm>> -> memref<10000xi32, #tpu.memory_space<hbm>>
      tpu.wait_dma2 semaphore(%run_scoped3A : memref<!tpu.dma_semaphore, #tpu.memory_space<semaphore_mem>>) src(%dma_wait3A_9 : memref<10000xi32, #tpu.memory_space<hbm>>) dst(%arg9 : memref<10000xi32, #tpu.memory_space<vmem>>)
      tpu.yield
    }) : () -> ()
    %scan3A = arith.constant 0 : i32
    %scan3A_3 = arith.constant 0 : i32
    %scan3A_4 = arith.constant 625 : i32
    %scan3A_5 = arith.addi %scan3A_3, %scan3A_4 : i32
    %scan3A_6 = arith.constant 1 : i32
    scf.for %scan3A_8 = %scan3A_3 to %scan3A_5 step %scan3A_6  : i32 {
      %mul3A_9 = arith.constant 16 : i32
      %mul3A_10 = arith.muli %scan3A_8, %mul3A_9 : i32
      %get3A = arith.index_cast %mul3A_10 : i32 to index
      %get3A_11 = tpu.vector_load %arg8[%get3A] {strides = array<i32>} : memref<10000xi32, #tpu.memory_space<vmem>>, vector<16xi32>,
      %gather3A = tpu.vector_load_idx %arg7[%get3A_11] : memref<10000xi32, #tpu.memory_space<vmem>>[vector<16xi32>], vector<16xi32>,
      %swap3A = arith.index_cast %mul3A_10 : i32 to index
      %swap3A_12 = tpu.vector_load %arg10[%swap3A] {strides = array<i32>} : memref<10000xi32, #tpu.memory_space<vmem>>, vector<16xi32>,
      tpu.vector_store %arg10[%swap3A], %gather3A {strides = array<i32>} : memref<10000xi32, #tpu.memory_space<vmem>>, vector<16xi32>,
      %get3A_13 = arith.index_cast %mul3A_10 : i32 to index
      %get3A_14 = tpu.vector_load %arg9[%get3A_13] {strides = array<i32>} : memref<10000xi32, #tpu.memory_space<vmem>>, vector<16xi32>,
      %gather3A_15 = tpu.vector_load_idx %arg7[%get3A_14] : memref<10000xi32, #tpu.memory_space<vmem>>[vector<16xi32>], vector<16xi32>,
      %swap3A_16 = arith.index_cast %mul3A_10 : i32 to index
      %swap3A_17 = tpu.vector_load %arg11[%swap3A_16] {strides = array<i32>} : memref<10000xi32, #tpu.memory_space<vmem>>, vector<16xi32>,
      tpu.vector_store %arg11[%swap3A_16], %gather3A_15 {strides = array<i32>} : memref<10000xi32, #tpu.memory_space<vmem>>, vector<16xi32>,
    }
    %scan3A_7 = arith.constant 625 : i32
    "tpu.region"() ({
      %run_scoped3A = tpu.sem_alloc : memref<!tpu.dma_semaphore, #tpu.memory_space<semaphore_mem>>
      %dma_start3A = tpu.memref_slice %arg5[%mul3A_2] : memref<320000xi32, #tpu.memory_space<hbm>> -> memref<10000xi32, #tpu.memory_space<hbm>>
      %dma_start3A_8 = tpu.memref_slice %arg5[%mul3A_2] : memref<320000xi32, #tpu.memory_space<hbm>> -> memref<10000xi32, #tpu.memory_space<hbm>>
      tpu.enqueue_dma source(%arg10 : memref<10000xi32, #tpu.memory_space<vmem>>) target(%dma_start3A_8 : memref<10000xi32, #tpu.memory_space<hbm>>) target_semaphore(%run_scoped3A : memref<!tpu.dma_semaphore, #tpu.memory_space<semaphore_mem>>)
      %dma_wait3A = tpu.memref_slice %arg5[%mul3A_2] : memref<320000xi32, #tpu.memory_space<hbm>> -> memref<10000xi32, #tpu.memory_space<hbm>>
      %dma_wait3A_9 = tpu.memref_slice %arg5[%mul3A_2] : memref<320000xi32, #tpu.memory_space<hbm>> -> memref<10000xi32, #tpu.memory_space<hbm>>
      tpu.wait_dma2 semaphore(%run_scoped3A : memref<!tpu.dma_semaphore, #tpu.memory_space<semaphore_mem>>) src(%arg10 : memref<10000xi32, #tpu.memory_space<vmem>>) dst(%dma_wait3A_9 : memref<10000xi32, #tpu.memory_space<hbm>>)
      tpu.yield
    }) : () -> ()
    "tpu.region"() ({
      %run_scoped3A = tpu.sem_alloc : memref<!tpu.dma_semaphore, #tpu.memory_space<semaphore_mem>>
      %dma_start3A = tpu.memref_slice %arg6[%mul3A_2] : memref<320000xi32, #tpu.memory_space<hbm>> -> memref<10000xi32, #tpu.memory_space<hbm>>
      %dma_start3A_8 = tpu.memref_slice %arg6[%mul3A_2] : memref<320000xi32, #tpu.memory_space<hbm>> -> memref<10000xi32, #tpu.memory_space<hbm>>
      tpu.enqueue_dma source(%arg11 : memref<10000xi32, #tpu.memory_space<vmem>>) target(%dma_start3A_8 : memref<10000xi32, #tpu.memory_space<hbm>>) target_semaphore(%run_scoped3A : memref<!tpu.dma_semaphore, #tpu.memory_space<semaphore_mem>>)
      %dma_wait3A = tpu.memref_slice %arg6[%mul3A_2] : memref<320000xi32, #tpu.memory_space<hbm>> -> memref<10000xi32, #tpu.memory_space<hbm>>
      %dma_wait3A_9 = tpu.memref_slice %arg6[%mul3A_2] : memref<320000xi32, #tpu.memory_space<hbm>> -> memref<10000xi32, #tpu.memory_space<hbm>>
      tpu.wait_dma2 semaphore(%run_scoped3A : memref<!tpu.dma_semaphore, #tpu.memory_space<semaphore_mem>>) src(%arg11 : memref<10000xi32, #tpu.memory_space<vmem>>) dst(%dma_wait3A_9 : memref<10000xi32, #tpu.memory_space<hbm>>)
      tpu.yield
    }) : () -> ()
    return
  }
}

#map = affine_map<(d0, d1) -> (0, 0)>
#map1 = affine_map<(d0, d1) -> (0)>
module attributes {stable_mosaic.version = 14 : i64} {
  func.func @_scatter_body(%arg0: i32, %arg1: i32, %arg2: memref<320000x128xf32, #tpu.memory_space<hbm>>, %arg3: memref<160000xi32, #tpu.memory_space<hbm>>, %arg4: memref<48x128xf32, #tpu.memory_space<hbm>>, %arg5: memref<20000x128xf32, #tpu.memory_space<hbm>>, %arg6: memref<3x104xi32, #tpu.memory_space<vmem>>, %arg7: memref<3x104x128xf32, #tpu.memory_space<vmem>>, %arg8: memref<48x128xf32, #tpu.memory_space<vmem>>, %arg9: memref<48xi32, #tpu.memory_space<vmem>>, %arg10: memref<8xi32, #tpu.memory_space<vmem>>, %arg11: memref<8x128xf32, #tpu.memory_space<vmem>>, %arg12: memref<10000x128xf32, #tpu.memory_space<vmem_shared>>, %arg13: memref<!tpu.dma_semaphore, #tpu.memory_space<semaphore_mem>>, %arg14: memref<!tpu.dma_semaphore, #tpu.memory_space<semaphore_mem>>, %arg15: memref<!tpu.dma_semaphore, #tpu.memory_space<semaphore_mem>>, %arg16: memref<!tpu.dma_semaphore, #tpu.memory_space<semaphore_mem>>, %arg17: memref<!tpu.dma_semaphore, #tpu.memory_space<semaphore_mem>>, %arg18: memref<!tpu.dma_semaphore, #tpu.memory_space<semaphore_mem>>) attributes {dimension_semantics = [#tpu.dimension_semantics<core_parallel>, #tpu.dimension_semantics<subcore_parallel>], iteration_bounds = array<i64: 2, 16>, scalar_prefetch = 0 : i64, scratch_operands = 13 : i64, tpu.core_type = #tpu.core_type<sc_vector_subcore>, window_params = [{transform_indices = #map}, {transform_indices = #map1}, {transform_indices = #map}, {transform_indices = #map}]} {
    %mul3A = arith.constant 2 : i32
    %mul3A_0 = arith.muli %arg1, %mul3A : i32
    %add3A = arith.addi %mul3A_0, %arg0 : i32
    %mul3A_1 = arith.constant 5000 : i32
    %mul3A_2 = arith.muli %add3A, %mul3A_1 : i32
    "tpu.region"() ({
      %run_scoped3A = tpu.sem_alloc : memref<!tpu.dma_semaphore, #tpu.memory_space<semaphore_mem>>
      tpu.enqueue_dma source(%arg4 : memref<48x128xf32, #tpu.memory_space<hbm>>) target(%arg8 : memref<48x128xf32, #tpu.memory_space<vmem>>) target_semaphore(%run_scoped3A : memref<!tpu.dma_semaphore, #tpu.memory_space<semaphore_mem>>)
      tpu.wait_dma2 semaphore(%run_scoped3A : memref<!tpu.dma_semaphore, #tpu.memory_space<semaphore_mem>>) src(%arg4 : memref<48x128xf32, #tpu.memory_space<hbm>>) dst(%arg8 : memref<48x128xf32, #tpu.memory_space<vmem>>)
      tpu.yield
    }) : () -> ()
    %scan3A = arith.constant 0 : i32
    %scan3A_3 = arith.constant 0 : i32
    %scan3A_4 = arith.constant 13 : i32
    %scan3A_5 = arith.addi %scan3A_3, %scan3A_4 : i32
    %scan3A_6 = arith.constant 1 : i32
    scf.for %scan3A_136 = %scan3A_3 to %scan3A_5 step %scan3A_6  : i32 {
      %mul3A_137 = arith.constant 624 : i32
      %mul3A_138 = arith.muli %arg1, %mul3A_137 : i32
      %mul3A_139 = arith.constant 48 : i32
      %mul3A_140 = arith.muli %scan3A_136, %mul3A_139 : i32
      %add3A_141 = arith.addi %mul3A_138, %mul3A_140 : i32
      %iota3A = tpu.iota {dimensions = array<i32: 0>} : vector<16xi32>
      %add3A_142 = arith.constant 0 : i32
      %add3A_143 = arith.addi %add3A_141, %add3A_142 : i32
      %add3A_144 = vector.broadcast %add3A_143 : i32 to vector<16xi32>
      %add3A_145 = arith.addi %iota3A, %add3A_144 : vector<16xi32>
      %swap3A = arith.constant 0 : index
      %swap3A_146 = tpu.vector_load %arg9[%swap3A] {strides = array<i32>} : memref<48xi32, #tpu.memory_space<vmem>>, vector<16xi32>,
      %swap3A_147 = vector.shape_cast %swap3A_146 : vector<16xi32> to vector<16xi32>
      %swap3A_148 = vector.shape_cast %add3A_145 : vector<16xi32> to vector<16xi32>
      tpu.vector_store %arg9[%swap3A], %swap3A_148 {strides = array<i32>} : memref<48xi32, #tpu.memory_space<vmem>>, vector<16xi32>,
      %iota3A_149 = tpu.iota {dimensions = array<i32: 0>} : vector<16xi32>
      %add3A_150 = arith.constant 16 : i32
      %add3A_151 = arith.addi %add3A_141, %add3A_150 : i32
      %add3A_152 = vector.broadcast %add3A_151 : i32 to vector<16xi32>
      %add3A_153 = arith.addi %iota3A_149, %add3A_152 : vector<16xi32>
      %swap3A_154 = arith.constant 16 : index
      %swap3A_155 = tpu.vector_load %arg9[%swap3A_154] {strides = array<i32>} : memref<48xi32, #tpu.memory_space<vmem>>, vector<16xi32>,
      %swap3A_156 = vector.shape_cast %swap3A_155 : vector<16xi32> to vector<16xi32>
      %swap3A_157 = vector.shape_cast %add3A_153 : vector<16xi32> to vector<16xi32>
      tpu.vector_store %arg9[%swap3A_154], %swap3A_157 {strides = array<i32>} : memref<48xi32, #tpu.memory_space<vmem>>, vector<16xi32>,
      %iota3A_158 = tpu.iota {dimensions = array<i32: 0>} : vector<16xi32>
      %add3A_159 = arith.constant 32 : i32
      %add3A_160 = arith.addi %add3A_141, %add3A_159 : i32
      %add3A_161 = vector.broadcast %add3A_160 : i32 to vector<16xi32>
      %add3A_162 = arith.addi %iota3A_158, %add3A_161 : vector<16xi32>
      %swap3A_163 = arith.constant 32 : index
      %swap3A_164 = tpu.vector_load %arg9[%swap3A_163] {strides = array<i32>} : memref<48xi32, #tpu.memory_space<vmem>>, vector<16xi32>,
      %swap3A_165 = vector.shape_cast %swap3A_164 : vector<16xi32> to vector<16xi32>
      %swap3A_166 = vector.shape_cast %add3A_162 : vector<16xi32> to vector<16xi32>
      tpu.vector_store %arg9[%swap3A_163], %swap3A_166 {strides = array<i32>} : memref<48xi32, #tpu.memory_space<vmem>>, vector<16xi32>,
      "tpu.region"() ({
        %run_scoped3A = tpu.sem_alloc : memref<!tpu.dma_semaphore, #tpu.memory_space<semaphore_mem>>
        %dma_start3A_167 = arith.constant 0 : i32
        %dma_start3A_168 = arith.constant 0 : i32
        %dma_start3A_169 = tpu.memref_slice %arg12[%dma_start3A_167, %dma_start3A_168] : memref<10000x128xf32, #tpu.memory_space<vmem_shared>> -> memref<10000x128xf32, #tpu.memory_space<vmem_shared>>
        tpu.enqueue_indirect_dma source(%arg8 : memref<48x128xf32, #tpu.memory_space<vmem>>) target(%dma_start3A_169 : memref<10000x128xf32, #tpu.memory_space<vmem_shared>>) offsets(%arg9 : memref<48xi32, #tpu.memory_space<vmem>>) semaphore(%run_scoped3A : memref<!tpu.dma_semaphore, #tpu.memory_space<semaphore_mem>>)
        %dma_wait3A_170 = arith.constant 0 : i32
        %dma_wait3A_171 = arith.constant 0 : i32
        %dma_wait3A_172 = tpu.memref_slice %arg12[%dma_wait3A_170, %dma_wait3A_171] : memref<10000x128xf32, #tpu.memory_space<vmem_shared>> -> memref<10000x128xf32, #tpu.memory_space<vmem_shared>>
        tpu.wait_indirect_dma semaphore(%run_scoped3A : memref<!tpu.dma_semaphore, #tpu.memory_space<semaphore_mem>>) src(%arg8 : memref<48x128xf32, #tpu.memory_space<vmem>>) dst(%dma_wait3A_172 : memref<10000x128xf32, #tpu.memory_space<vmem_shared>>)
        tpu.yield
      }) : () -> ()
    }
    %scan3A_7 = arith.constant 13 : i32
    %eq3A = arith.constant 15 : i32
    %eq3A_8 = arith.cmpi eq, %arg1, %eq3A : i32
    %convert_element_type3A = arith.extui %eq3A_8 : i1 to i32
    %cond3A = arith.constant 0 : i32
    %cond3A_9 = arith.cmpi ne, %convert_element_type3A, %cond3A : i32
    scf.if %cond3A_9 {
      %iota3A = tpu.iota {dimensions = array<i32: 0>} : vector<16xi32>
      %add3A_136 = arith.constant 9952 : i32
      %add3A_137 = vector.broadcast %add3A_136 : i32 to vector<16xi32>
      %add3A_138 = arith.addi %iota3A, %add3A_137 : vector<16xi32>
      %swap3A = arith.constant 0 : index
      %swap3A_139 = tpu.vector_load %arg9[%swap3A] {strides = array<i32>} : memref<48xi32, #tpu.memory_space<vmem>>, vector<16xi32>,
      %swap3A_140 = vector.shape_cast %swap3A_139 : vector<16xi32> to vector<16xi32>
      %swap3A_141 = vector.shape_cast %add3A_138 : vector<16xi32> to vector<16xi32>
      tpu.vector_store %arg9[%swap3A], %swap3A_141 {strides = array<i32>} : memref<48xi32, #tpu.memory_space<vmem>>, vector<16xi32>,
      %iota3A_142 = tpu.iota {dimensions = array<i32: 0>} : vector<16xi32>
      %add3A_143 = arith.constant 9968 : i32
      %add3A_144 = vector.broadcast %add3A_143 : i32 to vector<16xi32>
      %add3A_145 = arith.addi %iota3A_142, %add3A_144 : vector<16xi32>
      %swap3A_146 = arith.constant 16 : index
      %swap3A_147 = tpu.vector_load %arg9[%swap3A_146] {strides = array<i32>} : memref<48xi32, #tpu.memory_space<vmem>>, vector<16xi32>,
      %swap3A_148 = vector.shape_cast %swap3A_147 : vector<16xi32> to vector<16xi32>
      %swap3A_149 = vector.shape_cast %add3A_145 : vector<16xi32> to vector<16xi32>
      tpu.vector_store %arg9[%swap3A_146], %swap3A_149 {strides = array<i32>} : memref<48xi32, #tpu.memory_space<vmem>>, vector<16xi32>,
      %iota3A_150 = tpu.iota {dimensions = array<i32: 0>} : vector<16xi32>
      %add3A_151 = arith.constant 9984 : i32
      %add3A_152 = vector.broadcast %add3A_151 : i32 to vector<16xi32>
      %add3A_153 = arith.addi %iota3A_150, %add3A_152 : vector<16xi32>
      %swap3A_154 = arith.constant 32 : index
      %swap3A_155 = tpu.vector_load %arg9[%swap3A_154] {strides = array<i32>} : memref<48xi32, #tpu.memory_space<vmem>>, vector<16xi32>,
      %swap3A_156 = vector.shape_cast %swap3A_155 : vector<16xi32> to vector<16xi32>
      %swap3A_157 = vector.shape_cast %add3A_153 : vector<16xi32> to vector<16xi32>
      tpu.vector_store %arg9[%swap3A_154], %swap3A_157 {strides = array<i32>} : memref<48xi32, #tpu.memory_space<vmem>>, vector<16xi32>,
      "tpu.region"() ({
        %run_scoped3A = tpu.sem_alloc : memref<!tpu.dma_semaphore, #tpu.memory_space<semaphore_mem>>
        %dma_start3A_158 = arith.constant 0 : i32
        %dma_start3A_159 = arith.constant 0 : i32
        %dma_start3A_160 = tpu.memref_slice %arg12[%dma_start3A_158, %dma_start3A_159] : memref<10000x128xf32, #tpu.memory_space<vmem_shared>> -> memref<10000x128xf32, #tpu.memory_space<vmem_shared>>
        tpu.enqueue_indirect_dma source(%arg8 : memref<48x128xf32, #tpu.memory_space<vmem>>) target(%dma_start3A_160 : memref<10000x128xf32, #tpu.memory_space<vmem_shared>>) offsets(%arg9 : memref<48xi32, #tpu.memory_space<vmem>>) semaphore(%run_scoped3A : memref<!tpu.dma_semaphore, #tpu.memory_space<semaphore_mem>>)
        %dma_wait3A_161 = arith.constant 0 : i32
        %dma_wait3A_162 = arith.constant 0 : i32
        %dma_wait3A_163 = tpu.memref_slice %arg12[%dma_wait3A_161, %dma_wait3A_162] : memref<10000x128xf32, #tpu.memory_space<vmem_shared>> -> memref<10000x128xf32, #tpu.memory_space<vmem_shared>>
        tpu.wait_indirect_dma semaphore(%run_scoped3A : memref<!tpu.dma_semaphore, #tpu.memory_space<semaphore_mem>>) src(%arg8 : memref<48x128xf32, #tpu.memory_space<vmem>>) dst(%dma_wait3A_163 : memref<10000x128xf32, #tpu.memory_space<vmem_shared>>)
        tpu.yield
      }) : () -> ()
    } else {
    }
    %barrier3A = arith.constant 0 : index
    tpu.barrier barrier_id(%barrier3A)
    %add3A_10 = arith.constant 0 : i32
    %add3A_11 = arith.addi %mul3A_2, %add3A_10 : i32
    %dma_start3A = arith.constant 0 : i32
    %dma_start3A_12 = arith.constant 0 : i32
    %dma_start3A_13 = tpu.memref_slice %arg6[%dma_start3A, %dma_start3A_12] : memref<3x104xi32, #tpu.memory_space<vmem>> -> memref<1x104xi32, #tpu.memory_space<vmem>>
    %dma_start3A_14 = tpu.memref_squeeze %dma_start3A_13 : memref<1x104xi32, #tpu.memory_space<vmem>> -> memref<104xi32, #tpu.memory_space<vmem>>
    %dma_start3A_15 = tpu.memref_slice %arg3[%add3A_11] : memref<160000xi32, #tpu.memory_space<hbm>> -> memref<104xi32, #tpu.memory_space<hbm>>
    %dma_start3A_16 = arith.constant 0 : i32
    %dma_start3A_17 = tpu.memref_slice %arg6[%dma_start3A, %dma_start3A_16] : memref<3x104xi32, #tpu.memory_space<vmem>> -> memref<1x104xi32, #tpu.memory_space<vmem>>
    %dma_start3A_18 = tpu.memref_squeeze %dma_start3A_17 : memref<1x104xi32, #tpu.memory_space<vmem>> -> memref<104xi32, #tpu.memory_space<vmem>>
    %dma_start3A_19 = tpu.memref_slice %arg3[%add3A_11] : memref<160000xi32, #tpu.memory_space<hbm>> -> memref<104xi32, #tpu.memory_space<hbm>>
    tpu.enqueue_dma source(%dma_start3A_19 : memref<104xi32, #tpu.memory_space<hbm>>) target(%dma_start3A_18 : memref<104xi32, #tpu.memory_space<vmem>>) target_semaphore(%arg13 : memref<!tpu.dma_semaphore, #tpu.memory_space<semaphore_mem>>)
    %dma_start3A_20 = arith.constant 0 : i32
    %dma_start3A_21 = arith.constant 0 : i32
    %dma_start3A_22 = arith.constant 0 : i32
    %dma_start3A_23 = tpu.memref_slice %arg7[%dma_start3A_20, %dma_start3A_21, %dma_start3A_22] : memref<3x104x128xf32, #tpu.memory_space<vmem>> -> memref<1x104x128xf32, #tpu.memory_space<vmem>>
    %dma_start3A_24 = tpu.memref_squeeze %dma_start3A_23 : memref<1x104x128xf32, #tpu.memory_space<vmem>> -> memref<104x128xf32, #tpu.memory_space<vmem>>
    %dma_start3A_25 = arith.constant 0 : i32
    %dma_start3A_26 = tpu.memref_slice %arg2[%add3A_11, %dma_start3A_25] : memref<320000x128xf32, #tpu.memory_space<hbm>> -> memref<104x128xf32, #tpu.memory_space<hbm>>
    %dma_start3A_27 = arith.constant 0 : i32
    %dma_start3A_28 = arith.constant 0 : i32
    %dma_start3A_29 = tpu.memref_slice %arg7[%dma_start3A_20, %dma_start3A_27, %dma_start3A_28] : memref<3x104x128xf32, #tpu.memory_space<vmem>> -> memref<1x104x128xf32, #tpu.memory_space<vmem>>
    %dma_start3A_30 = tpu.memref_squeeze %dma_start3A_29 : memref<1x104x128xf32, #tpu.memory_space<vmem>> -> memref<104x128xf32, #tpu.memory_space<vmem>>
    %dma_start3A_31 = arith.constant 0 : i32
    %dma_start3A_32 = tpu.memref_slice %arg2[%add3A_11, %dma_start3A_31] : memref<320000x128xf32, #tpu.memory_space<hbm>> -> memref<104x128xf32, #tpu.memory_space<hbm>>
    tpu.enqueue_dma source(%dma_start3A_32 : memref<104x128xf32, #tpu.memory_space<hbm>>) target(%dma_start3A_30 : memref<104x128xf32, #tpu.memory_space<vmem>>) target_semaphore(%arg13 : memref<!tpu.dma_semaphore, #tpu.memory_space<semaphore_mem>>)
    %add3A_33 = arith.constant 104 : i32
    %add3A_34 = arith.addi %mul3A_2, %add3A_33 : i32
    %dma_start3A_35 = arith.constant 1 : i32
    %dma_start3A_36 = arith.constant 0 : i32
    %dma_start3A_37 = tpu.memref_slice %arg6[%dma_start3A_35, %dma_start3A_36] : memref<3x104xi32, #tpu.memory_space<vmem>> -> memref<1x104xi32, #tpu.memory_space<vmem>>
    %dma_start3A_38 = tpu.memref_squeeze %dma_start3A_37 : memref<1x104xi32, #tpu.memory_space<vmem>> -> memref<104xi32, #tpu.memory_space<vmem>>
    %dma_start3A_39 = tpu.memref_slice %arg3[%add3A_34] : memref<160000xi32, #tpu.memory_space<hbm>> -> memref<104xi32, #tpu.memory_space<hbm>>
    %dma_start3A_40 = arith.constant 0 : i32
    %dma_start3A_41 = tpu.memref_slice %arg6[%dma_start3A_35, %dma_start3A_40] : memref<3x104xi32, #tpu.memory_space<vmem>> -> memref<1x104xi32, #tpu.memory_space<vmem>>
    %dma_start3A_42 = tpu.memref_squeeze %dma_start3A_41 : memref<1x104xi32, #tpu.memory_space<vmem>> -> memref<104xi32, #tpu.memory_space<vmem>>
    %dma_start3A_43 = tpu.memref_slice %arg3[%add3A_34] : memref<160000xi32, #tpu.memory_space<hbm>> -> memref<104xi32, #tpu.memory_space<hbm>>
    tpu.enqueue_dma source(%dma_start3A_43 : memref<104xi32, #tpu.memory_space<hbm>>) target(%dma_start3A_42 : memref<104xi32, #tpu.memory_space<vmem>>) target_semaphore(%arg14 : memref<!tpu.dma_semaphore, #tpu.memory_space<semaphore_mem>>)
    %dma_start3A_44 = arith.constant 1 : i32
    %dma_start3A_45 = arith.constant 0 : i32
    %dma_start3A_46 = arith.constant 0 : i32
    %dma_start3A_47 = tpu.memref_slice %arg7[%dma_start3A_44, %dma_start3A_45, %dma_start3A_46] : memref<3x104x128xf32, #tpu.memory_space<vmem>> -> memref<1x104x128xf32, #tpu.memory_space<vmem>>
    %dma_start3A_48 = tpu.memref_squeeze %dma_start3A_47 : memref<1x104x128xf32, #tpu.memory_space<vmem>> -> memref<104x128xf32, #tpu.memory_space<vmem>>
    %dma_start3A_49 = arith.constant 0 : i32
    %dma_start3A_50 = tpu.memref_slice %arg2[%add3A_34, %dma_start3A_49] : memref<320000x128xf32, #tpu.memory_space<hbm>> -> memref<104x128xf32, #tpu.memory_space<hbm>>
    %dma_start3A_51 = arith.constant 0 : i32
    %dma_start3A_52 = arith.constant 0 : i32
    %dma_start3A_53 = tpu.memref_slice %arg7[%dma_start3A_44, %dma_start3A_51, %dma_start3A_52] : memref<3x104x128xf32, #tpu.memory_space<vmem>> -> memref<1x104x128xf32, #tpu.memory_space<vmem>>
    %dma_start3A_54 = tpu.memref_squeeze %dma_start3A_53 : memref<1x104x128xf32, #tpu.memory_space<vmem>> -> memref<104x128xf32, #tpu.memory_space<vmem>>
    %dma_start3A_55 = arith.constant 0 : i32
    %dma_start3A_56 = tpu.memref_slice %arg2[%add3A_34, %dma_start3A_55] : memref<320000x128xf32, #tpu.memory_space<hbm>> -> memref<104x128xf32, #tpu.memory_space<hbm>>
    tpu.enqueue_dma source(%dma_start3A_56 : memref<104x128xf32, #tpu.memory_space<hbm>>) target(%dma_start3A_54 : memref<104x128xf32, #tpu.memory_space<vmem>>) target_semaphore(%arg14 : memref<!tpu.dma_semaphore, #tpu.memory_space<semaphore_mem>>)
    %add3A_57 = arith.constant 208 : i32
    %add3A_58 = arith.addi %mul3A_2, %add3A_57 : i32
    %dma_start3A_59 = arith.constant 2 : i32
    %dma_start3A_60 = arith.constant 0 : i32
    %dma_start3A_61 = tpu.memref_slice %arg6[%dma_start3A_59, %dma_start3A_60] : memref<3x104xi32, #tpu.memory_space<vmem>> -> memref<1x104xi32, #tpu.memory_space<vmem>>
    %dma_start3A_62 = tpu.memref_squeeze %dma_start3A_61 : memref<1x104xi32, #tpu.memory_space<vmem>> -> memref<104xi32, #tpu.memory_space<vmem>>
    %dma_start3A_63 = tpu.memref_slice %arg3[%add3A_58] : memref<160000xi32, #tpu.memory_space<hbm>> -> memref<104xi32, #tpu.memory_space<hbm>>
    %dma_start3A_64 = arith.constant 0 : i32
    %dma_start3A_65 = tpu.memref_slice %arg6[%dma_start3A_59, %dma_start3A_64] : memref<3x104xi32, #tpu.memory_space<vmem>> -> memref<1x104xi32, #tpu.memory_space<vmem>>
    %dma_start3A_66 = tpu.memref_squeeze %dma_start3A_65 : memref<1x104xi32, #tpu.memory_space<vmem>> -> memref<104xi32, #tpu.memory_space<vmem>>
    %dma_start3A_67 = tpu.memref_slice %arg3[%add3A_58] : memref<160000xi32, #tpu.memory_space<hbm>> -> memref<104xi32, #tpu.memory_space<hbm>>
    tpu.enqueue_dma source(%dma_start3A_67 : memref<104xi32, #tpu.memory_space<hbm>>) target(%dma_start3A_66 : memref<104xi32, #tpu.memory_space<vmem>>) target_semaphore(%arg15 : memref<!tpu.dma_semaphore, #tpu.memory_space<semaphore_mem>>)
    %dma_start3A_68 = arith.constant 2 : i32
    %dma_start3A_69 = arith.constant 0 : i32
    %dma_start3A_70 = arith.constant 0 : i32
    %dma_start3A_71 = tpu.memref_slice %arg7[%dma_start3A_68, %dma_start3A_69, %dma_start3A_70] : memref<3x104x128xf32, #tpu.memory_space<vmem>> -> memref<1x104x128xf32, #tpu.memory_space<vmem>>
    %dma_start3A_72 = tpu.memref_squeeze %dma_start3A_71 : memref<1x104x128xf32, #tpu.memory_space<vmem>> -> memref<104x128xf32, #tpu.memory_space<vmem>>
    %dma_start3A_73 = arith.constant 0 : i32
    %dma_start3A_74 = tpu.memref_slice %arg2[%add3A_58, %dma_start3A_73] : memref<320000x128xf32, #tpu.memory_space<hbm>> -> memref<104x128xf32, #tpu.memory_space<hbm>>
    %dma_start3A_75 = arith.constant 0 : i32
    %dma_start3A_76 = arith.constant 0 : i32
    %dma_start3A_77 = tpu.memref_slice %arg7[%dma_start3A_68, %dma_start3A_75, %dma_start3A_76] : memref<3x104x128xf32, #tpu.memory_space<vmem>> -> memref<1x104x128xf32, #tpu.memory_space<vmem>>
    %dma_start3A_78 = tpu.memref_squeeze %dma_start3A_77 : memref<1x104x128xf32, #tpu.memory_space<vmem>> -> memref<104x128xf32, #tpu.memory_space<vmem>>
    %dma_start3A_79 = arith.constant 0 : i32
    %dma_start3A_80 = tpu.memref_slice %arg2[%add3A_58, %dma_start3A_79] : memref<320000x128xf32, #tpu.memory_space<hbm>> -> memref<104x128xf32, #tpu.memory_space<hbm>>
    tpu.enqueue_dma source(%dma_start3A_80 : memref<104x128xf32, #tpu.memory_space<hbm>>) target(%dma_start3A_78 : memref<104x128xf32, #tpu.memory_space<vmem>>) target_semaphore(%arg15 : memref<!tpu.dma_semaphore, #tpu.memory_space<semaphore_mem>>)
    %scan3A_81 = arith.constant 0 : i32
    %scan3A_82 = arith.constant 0 : i32
    %scan3A_83 = arith.constant 16 : i32
    %scan3A_84 = arith.addi %scan3A_82, %scan3A_83 : i32
    %scan3A_85 = arith.constant 1 : i32
    scf.for %scan3A_136 = %scan3A_82 to %scan3A_84 step %scan3A_85  : i32 {
      %mul3A_137 = arith.constant 3 : i32
      %mul3A_138 = arith.muli %scan3A_136, %mul3A_137 : i32
      %add3A_139 = arith.constant 0 : i32
      %add3A_140 = arith.addi %mul3A_138, %add3A_139 : i32
      %mul3A_141 = arith.constant 104 : i32
      %mul3A_142 = arith.muli %add3A_140, %mul3A_141 : i32
      %add3A_143 = arith.addi %mul3A_2, %mul3A_142 : i32
      %dma_wait3A_144 = arith.constant 0 : i32
      %dma_wait3A_145 = arith.constant 0 : i32
      %dma_wait3A_146 = tpu.memref_slice %arg6[%dma_wait3A_144, %dma_wait3A_145] : memref<3x104xi32, #tpu.memory_space<vmem>> -> memref<1x104xi32, #tpu.memory_space<vmem>>
      %dma_wait3A_147 = tpu.memref_squeeze %dma_wait3A_146 : memref<1x104xi32, #tpu.memory_space<vmem>> -> memref<104xi32, #tpu.memory_space<vmem>>
      %dma_wait3A_148 = tpu.memref_slice %arg3[%add3A_143] : memref<160000xi32, #tpu.memory_space<hbm>> -> memref<104xi32, #tpu.memory_space<hbm>>
      %dma_wait3A_149 = arith.constant 0 : i32
      %dma_wait3A_150 = tpu.memref_slice %arg6[%dma_wait3A_144, %dma_wait3A_149] : memref<3x104xi32, #tpu.memory_space<vmem>> -> memref<1x104xi32, #tpu.memory_space<vmem>>
      %dma_wait3A_151 = tpu.memref_squeeze %dma_wait3A_150 : memref<1x104xi32, #tpu.memory_space<vmem>> -> memref<104xi32, #tpu.memory_space<vmem>>
      %dma_wait3A_152 = tpu.memref_slice %arg3[%add3A_143] : memref<160000xi32, #tpu.memory_space<hbm>> -> memref<104xi32, #tpu.memory_space<hbm>>
      tpu.wait_dma2 semaphore(%arg13 : memref<!tpu.dma_semaphore, #tpu.memory_space<semaphore_mem>>) src(%dma_wait3A_152 : memref<104xi32, #tpu.memory_space<hbm>>) dst(%dma_wait3A_151 : memref<104xi32, #tpu.memory_space<vmem>>)
      %dma_wait3A_153 = arith.constant 0 : i32
      %dma_wait3A_154 = arith.constant 0 : i32
      %dma_wait3A_155 = arith.constant 0 : i32
      %dma_wait3A_156 = tpu.memref_slice %arg7[%dma_wait3A_153, %dma_wait3A_154, %dma_wait3A_155] : memref<3x104x128xf32, #tpu.memory_space<vmem>> -> memref<1x104x128xf32, #tpu.memory_space<vmem>>
      %dma_wait3A_157 = tpu.memref_squeeze %dma_wait3A_156 : memref<1x104x128xf32, #tpu.memory_space<vmem>> -> memref<104x128xf32, #tpu.memory_space<vmem>>
      %dma_wait3A_158 = arith.constant 0 : i32
      %dma_wait3A_159 = tpu.memref_slice %arg2[%add3A_143, %dma_wait3A_158] : memref<320000x128xf32, #tpu.memory_space<hbm>> -> memref<104x128xf32, #tpu.memory_space<hbm>>
      %dma_wait3A_160 = arith.constant 0 : i32
      %dma_wait3A_161 = arith.constant 0 : i32
      %dma_wait3A_162 = tpu.memref_slice %arg7[%dma_wait3A_153, %dma_wait3A_160, %dma_wait3A_161] : memref<3x104x128xf32, #tpu.memory_space<vmem>> -> memref<1x104x128xf32, #tpu.memory_space<vmem>>
      %dma_wait3A_163 = tpu.memref_squeeze %dma_wait3A_162 : memref<1x104x128xf32, #tpu.memory_space<vmem>> -> memref<104x128xf32, #tpu.memory_space<vmem>>
      %dma_wait3A_164 = arith.constant 0 : i32
      %dma_wait3A_165 = tpu.memref_slice %arg2[%add3A_143, %dma_wait3A_164] : memref<320000x128xf32, #tpu.memory_space<hbm>> -> memref<104x128xf32, #tpu.memory_space<hbm>>
      tpu.wait_dma2 semaphore(%arg13 : memref<!tpu.dma_semaphore, #tpu.memory_space<semaphore_mem>>) src(%dma_wait3A_165 : memref<104x128xf32, #tpu.memory_space<hbm>>) dst(%dma_wait3A_163 : memref<104x128xf32, #tpu.memory_space<vmem>>)
      %dma_start3A_166 = arith.constant 0 : i32
      %dma_start3A_167 = arith.constant 0 : i32
      %dma_start3A_168 = arith.constant 0 : i32
      %dma_start3A_169 = arith.constant 0 : i32
      %dma_start3A_170 = tpu.memref_slice %arg7[%dma_start3A_166, %dma_start3A_168, %dma_start3A_169] : memref<3x104x128xf32, #tpu.memory_space<vmem>> -> memref<1x104x128xf32, #tpu.memory_space<vmem>>
      %dma_start3A_171 = tpu.memref_squeeze %dma_start3A_170 : memref<1x104x128xf32, #tpu.memory_space<vmem>> -> memref<104x128xf32, #tpu.memory_space<vmem>>
      %dma_start3A_172 = arith.constant 0 : i32
      %dma_start3A_173 = tpu.memref_slice %arg6[%dma_start3A_167, %dma_start3A_172] : memref<3x104xi32, #tpu.memory_space<vmem>> -> memref<1x104xi32, #tpu.memory_space<vmem>>
      %dma_start3A_174 = tpu.memref_squeeze %dma_start3A_173 : memref<1x104xi32, #tpu.memory_space<vmem>> -> memref<104xi32, #tpu.memory_space<vmem>>
      %dma_start3A_175 = arith.constant 0 : i32
      %dma_start3A_176 = arith.constant 0 : i32
      %dma_start3A_177 = tpu.memref_slice %arg12[%dma_start3A_175, %dma_start3A_176] : memref<10000x128xf32, #tpu.memory_space<vmem_shared>> -> memref<10000x128xf32, #tpu.memory_space<vmem_shared>>
      tpu.enqueue_indirect_dma source(%dma_start3A_171 : memref<104x128xf32, #tpu.memory_space<vmem>>) target(%dma_start3A_177 : memref<10000x128xf32, #tpu.memory_space<vmem_shared>>) offsets(%dma_start3A_174 : memref<104xi32, #tpu.memory_space<vmem>>) semaphore(%arg16 : memref<!tpu.dma_semaphore, #tpu.memory_space<semaphore_mem>>) {add = true}
      %sub3A = arith.constant 2 : i32
      %sub3A_178 = arith.subi %add3A_140, %sub3A : i32
      %gt3A = arith.constant 0 : i32
      %gt3A_179 = arith.cmpi sgt, %scan3A_136, %gt3A : i32
      %convert_element_type3A_180 = arith.extui %gt3A_179 : i1 to i32
      %cond3A_181 = arith.constant 0 : i32
      %cond3A_182 = arith.cmpi ne, %convert_element_type3A_180, %cond3A_181 : i32
      scf.if %cond3A_182 {
        %dma_wait3A_278 = arith.constant 1 : i32
        %dma_wait3A_279 = arith.constant 1 : i32
        %dma_wait3A_280 = arith.constant 0 : i32
        %dma_wait3A_281 = arith.constant 0 : i32
        %dma_wait3A_282 = tpu.memref_slice %arg7[%dma_wait3A_278, %dma_wait3A_280, %dma_wait3A_281] : memref<3x104x128xf32, #tpu.memory_space<vmem>> -> memref<1x104x128xf32, #tpu.memory_space<vmem>>
        %dma_wait3A_283 = tpu.memref_squeeze %dma_wait3A_282 : memref<1x104x128xf32, #tpu.memory_space<vmem>> -> memref<104x128xf32, #tpu.memory_space<vmem>>
        %dma_wait3A_284 = arith.constant 0 : i32
        %dma_wait3A_285 = tpu.memref_slice %arg6[%dma_wait3A_279, %dma_wait3A_284] : memref<3x104xi32, #tpu.memory_space<vmem>> -> memref<1x104xi32, #tpu.memory_space<vmem>>
        %dma_wait3A_286 = tpu.memref_squeeze %dma_wait3A_285 : memref<1x104xi32, #tpu.memory_space<vmem>> -> memref<104xi32, #tpu.memory_space<vmem>>
        %dma_wait3A_287 = arith.constant 0 : i32
        %dma_wait3A_288 = arith.constant 0 : i32
        %dma_wait3A_289 = tpu.memref_slice %arg12[%dma_wait3A_287, %dma_wait3A_288] : memref<10000x128xf32, #tpu.memory_space<vmem_shared>> -> memref<10000x128xf32, #tpu.memory_space<vmem_shared>>
        tpu.wait_indirect_dma semaphore(%arg17 : memref<!tpu.dma_semaphore, #tpu.memory_space<semaphore_mem>>) src(%dma_wait3A_283 : memref<104x128xf32, #tpu.memory_space<vmem>>) dst(%dma_wait3A_289 : memref<10000x128xf32, #tpu.memory_space<vmem_shared>>)
        %add3A_290 = arith.constant 3 : i32
        %add3A_291 = arith.addi %sub3A_178, %add3A_290 : i32
        %mul3A_292 = arith.constant 104 : i32
        %mul3A_293 = arith.muli %add3A_291, %mul3A_292 : i32
        %add3A_294 = arith.addi %mul3A_2, %mul3A_293 : i32
        %dma_start3A_295 = arith.constant 1 : i32
        %dma_start3A_296 = arith.constant 0 : i32
        %dma_start3A_297 = tpu.memref_slice %arg6[%dma_start3A_295, %dma_start3A_296] : memref<3x104xi32, #tpu.memory_space<vmem>> -> memref<1x104xi32, #tpu.memory_space<vmem>>
        %dma_start3A_298 = tpu.memref_squeeze %dma_start3A_297 : memref<1x104xi32, #tpu.memory_space<vmem>> -> memref<104xi32, #tpu.memory_space<vmem>>
        %dma_start3A_299 = tpu.memref_slice %arg3[%add3A_294] : memref<160000xi32, #tpu.memory_space<hbm>> -> memref<104xi32, #tpu.memory_space<hbm>>
        %dma_start3A_300 = arith.constant 0 : i32
        %dma_start3A_301 = tpu.memref_slice %arg6[%dma_start3A_295, %dma_start3A_300] : memref<3x104xi32, #tpu.memory_space<vmem>> -> memref<1x104xi32, #tpu.memory_space<vmem>>
        %dma_start3A_302 = tpu.memref_squeeze %dma_start3A_301 : memref<1x104xi32, #tpu.memory_space<vmem>> -> memref<104xi32, #tpu.memory_space<vmem>>
        %dma_start3A_303 = tpu.memref_slice %arg3[%add3A_294] : memref<160000xi32, #tpu.memory_space<hbm>> -> memref<104xi32, #tpu.memory_space<hbm>>
        tpu.enqueue_dma source(%dma_start3A_303 : memref<104xi32, #tpu.memory_space<hbm>>) target(%dma_start3A_302 : memref<104xi32, #tpu.memory_space<vmem>>) target_semaphore(%arg14 : memref<!tpu.dma_semaphore, #tpu.memory_space<semaphore_mem>>)
        %dma_start3A_304 = arith.constant 1 : i32
        %dma_start3A_305 = arith.constant 0 : i32
        %dma_start3A_306 = arith.constant 0 : i32
        %dma_start3A_307 = tpu.memref_slice %arg7[%dma_start3A_304, %dma_start3A_305, %dma_start3A_306] : memref<3x104x128xf32, #tpu.memory_space<vmem>> -> memref<1x104x128xf32, #tpu.memory_space<vmem>>
        %dma_start3A_308 = tpu.memref_squeeze %dma_start3A_307 : memref<1x104x128xf32, #tpu.memory_space<vmem>> -> memref<104x128xf32, #tpu.memory_space<vmem>>
        %dma_start3A_309 = arith.constant 0 : i32
        %dma_start3A_310 = tpu.memref_slice %arg2[%add3A_294, %dma_start3A_309] : memref<320000x128xf32, #tpu.memory_space<hbm>> -> memref<104x128xf32, #tpu.memory_space<hbm>>
        %dma_start3A_311 = arith.constant 0 : i32
        %dma_start3A_312 = arith.constant 0 : i32
        %dma_start3A_313 = tpu.memref_slice %arg7[%dma_start3A_304, %dma_start3A_311, %dma_start3A_312] : memref<3x104x128xf32, #tpu.memory_space<vmem>> -> memref<1x104x128xf32, #tpu.memory_space<vmem>>
        %dma_start3A_314 = tpu.memref_squeeze %dma_start3A_313 : memref<1x104x128xf32, #tpu.memory_space<vmem>> -> memref<104x128xf32, #tpu.memory_space<vmem>>
        %dma_start3A_315 = arith.constant 0 : i32
        %dma_start3A_316 = tpu.memref_slice %arg2[%add3A_294, %dma_start3A_315] : memref<320000x128xf32, #tpu.memory_space<hbm>> -> memref<104x128xf32, #tpu.memory_space<hbm>>
        tpu.enqueue_dma source(%dma_start3A_316 : memref<104x128xf32, #tpu.memory_space<hbm>>) target(%dma_start3A_314 : memref<104x128xf32, #tpu.memory_space<vmem>>) target_semaphore(%arg14 : memref<!tpu.dma_semaphore, #tpu.memory_space<semaphore_mem>>)
      } else {
      }
      %mul3A_183 = arith.constant 3 : i32
      %mul3A_184 = arith.muli %scan3A_136, %mul3A_183 : i32
      %add3A_185 = arith.constant 1 : i32
      %add3A_186 = arith.addi %mul3A_184, %add3A_185 : i32
      %mul3A_187 = arith.constant 104 : i32
      %mul3A_188 = arith.muli %add3A_186, %mul3A_187 : i32
      %add3A_189 = arith.addi %mul3A_2, %mul3A_188 : i32
      %dma_wait3A_190 = arith.constant 1 : i32
      %dma_wait3A_191 = arith.constant 0 : i32
      %dma_wait3A_192 = tpu.memref_slice %arg6[%dma_wait3A_190, %dma_wait3A_191] : memref<3x104xi32, #tpu.memory_space<vmem>> -> memref<1x104xi32, #tpu.memory_space<vmem>>
      %dma_wait3A_193 = tpu.memref_squeeze %dma_wait3A_192 : memref<1x104xi32, #tpu.memory_space<vmem>> -> memref<104xi32, #tpu.memory_space<vmem>>
      %dma_wait3A_194 = tpu.memref_slice %arg3[%add3A_189] : memref<160000xi32, #tpu.memory_space<hbm>> -> memref<104xi32, #tpu.memory_space<hbm>>
      %dma_wait3A_195 = arith.constant 0 : i32
      %dma_wait3A_196 = tpu.memref_slice %arg6[%dma_wait3A_190, %dma_wait3A_195] : memref<3x104xi32, #tpu.memory_space<vmem>> -> memref<1x104xi32, #tpu.memory_space<vmem>>
      %dma_wait3A_197 = tpu.memref_squeeze %dma_wait3A_196 : memref<1x104xi32, #tpu.memory_space<vmem>> -> memref<104xi32, #tpu.memory_space<vmem>>
      %dma_wait3A_198 = tpu.memref_slice %arg3[%add3A_189] : memref<160000xi32, #tpu.memory_space<hbm>> -> memref<104xi32, #tpu.memory_space<hbm>>
      tpu.wait_dma2 semaphore(%arg14 : memref<!tpu.dma_semaphore, #tpu.memory_space<semaphore_mem>>) src(%dma_wait3A_198 : memref<104xi32, #tpu.memory_space<hbm>>) dst(%dma_wait3A_197 : memref<104xi32, #tpu.memory_space<vmem>>)
      %dma_wait3A_199 = arith.constant 1 : i32
      %dma_wait3A_200 = arith.constant 0 : i32
      %dma_wait3A_201 = arith.constant 0 : i32
      %dma_wait3A_202 = tpu.memref_slice %arg7[%dma_wait3A_199, %dma_wait3A_200, %dma_wait3A_201] : memref<3x104x128xf32, #tpu.memory_space<vmem>> -> memref<1x104x128xf32, #tpu.memory_space<vmem>>
      %dma_wait3A_203 = tpu.memref_squeeze %dma_wait3A_202 : memref<1x104x128xf32, #tpu.memory_space<vmem>> -> memref<104x128xf32, #tpu.memory_space<vmem>>
      %dma_wait3A_204 = arith.constant 0 : i32
      %dma_wait3A_205 = tpu.memref_slice %arg2[%add3A_189, %dma_wait3A_204] : memref<320000x128xf32, #tpu.memory_space<hbm>> -> memref<104x128xf32, #tpu.memory_space<hbm>>
      %dma_wait3A_206 = arith.constant 0 : i32
      %dma_wait3A_207 = arith.constant 0 : i32
      %dma_wait3A_208 = tpu.memref_slice %arg7[%dma_wait3A_199, %dma_wait3A_206, %dma_wait3A_207] : memref<3x104x128xf32, #tpu.memory_space<vmem>> -> memref<1x104x128xf32, #tpu.memory_space<vmem>>
      %dma_wait3A_209 = tpu.memref_squeeze %dma_wait3A_208 : memref<1x104x128xf32, #tpu.memory_space<vmem>> -> memref<104x128xf32, #tpu.memory_space<vmem>>
      %dma_wait3A_210 = arith.constant 0 : i32
      %dma_wait3A_211 = tpu.memref_slice %arg2[%add3A_189, %dma_wait3A_210] : memref<320000x128xf32, #tpu.memory_space<hbm>> -> memref<104x128xf32, #tpu.memory_space<hbm>>
      tpu.wait_dma2 semaphore(%arg14 : memref<!tpu.dma_semaphore, #tpu.memory_space<semaphore_mem>>) src(%dma_wait3A_211 : memref<104x128xf32, #tpu.memory_space<hbm>>) dst(%dma_wait3A_209 : memref<104x128xf32, #tpu.memory_space<vmem>>)
      %dma_start3A_212 = arith.constant 1 : i32
      %dma_start3A_213 = arith.constant 1 : i32
      %dma_start3A_214 = arith.constant 0 : i32
      %dma_start3A_215 = arith.constant 0 : i32
      %dma_start3A_216 = tpu.memref_slice %arg7[%dma_start3A_212, %dma_start3A_214, %dma_start3A_215] : memref<3x104x128xf32, #tpu.memory_space<vmem>> -> memref<1x104x128xf32, #tpu.memory_space<vmem>>
      %dma_start3A_217 = tpu.memref_squeeze %dma_start3A_216 : memref<1x104x128xf32, #tpu.memory_space<vmem>> -> memref<104x128xf32, #tpu.memory_space<vmem>>
      %dma_start3A_218 = arith.constant 0 : i32
      %dma_start3A_219 = tpu.memref_slice %arg6[%dma_start3A_213, %dma_start3A_218] : memref<3x104xi32, #tpu.memory_space<vmem>> -> memref<1x104xi32, #tpu.memory_space<vmem>>
      %dma_start3A_220 = tpu.memref_squeeze %dma_start3A_219 : memref<1x104xi32, #tpu.memory_space<vmem>> -> memref<104xi32, #tpu.memory_space<vmem>>
      %dma_start3A_221 = arith.constant 0 : i32
      %dma_start3A_222 = arith.constant 0 : i32
      %dma_start3A_223 = tpu.memref_slice %arg12[%dma_start3A_221, %dma_start3A_222] : memref<10000x128xf32, #tpu.memory_space<vmem_shared>> -> memref<10000x128xf32, #tpu.memory_space<vmem_shared>>
      tpu.enqueue_indirect_dma source(%dma_start3A_217 : memref<104x128xf32, #tpu.memory_space<vmem>>) target(%dma_start3A_223 : memref<10000x128xf32, #tpu.memory_space<vmem_shared>>) offsets(%dma_start3A_220 : memref<104xi32, #tpu.memory_space<vmem>>) semaphore(%arg17 : memref<!tpu.dma_semaphore, #tpu.memory_space<semaphore_mem>>) {add = true}
      %sub3A_224 = arith.constant 2 : i32
      %sub3A_225 = arith.subi %add3A_186, %sub3A_224 : i32
      %gt3A_226 = arith.constant 0 : i32
      %gt3A_227 = arith.cmpi sgt, %scan3A_136, %gt3A_226 : i32
      %convert_element_type3A_228 = arith.extui %gt3A_227 : i1 to i32
      %cond3A_229 = arith.constant 0 : i32
      %cond3A_230 = arith.cmpi ne, %convert_element_type3A_228, %cond3A_229 : i32
      scf.if %cond3A_230 {
        %dma_wait3A_278 = arith.constant 2 : i32
        %dma_wait3A_279 = arith.constant 2 : i32
        %dma_wait3A_280 = arith.constant 0 : i32
        %dma_wait3A_281 = arith.constant 0 : i32
        %dma_wait3A_282 = tpu.memref_slice %arg7[%dma_wait3A_278, %dma_wait3A_280, %dma_wait3A_281] : memref<3x104x128xf32, #tpu.memory_space<vmem>> -> memref<1x104x128xf32, #tpu.memory_space<vmem>>
        %dma_wait3A_283 = tpu.memref_squeeze %dma_wait3A_282 : memref<1x104x128xf32, #tpu.memory_space<vmem>> -> memref<104x128xf32, #tpu.memory_space<vmem>>
        %dma_wait3A_284 = arith.constant 0 : i32
        %dma_wait3A_285 = tpu.memref_slice %arg6[%dma_wait3A_279, %dma_wait3A_284] : memref<3x104xi32, #tpu.memory_space<vmem>> -> memref<1x104xi32, #tpu.memory_space<vmem>>
        %dma_wait3A_286 = tpu.memref_squeeze %dma_wait3A_285 : memref<1x104xi32, #tpu.memory_space<vmem>> -> memref<104xi32, #tpu.memory_space<vmem>>
        %dma_wait3A_287 = arith.constant 0 : i32
        %dma_wait3A_288 = arith.constant 0 : i32
        %dma_wait3A_289 = tpu.memref_slice %arg12[%dma_wait3A_287, %dma_wait3A_288] : memref<10000x128xf32, #tpu.memory_space<vmem_shared>> -> memref<10000x128xf32, #tpu.memory_space<vmem_shared>>
        tpu.wait_indirect_dma semaphore(%arg18 : memref<!tpu.dma_semaphore, #tpu.memory_space<semaphore_mem>>) src(%dma_wait3A_283 : memref<104x128xf32, #tpu.memory_space<vmem>>) dst(%dma_wait3A_289 : memref<10000x128xf32, #tpu.memory_space<vmem_shared>>)
        %add3A_290 = arith.constant 3 : i32
        %add3A_291 = arith.addi %sub3A_225, %add3A_290 : i32
        %mul3A_292 = arith.constant 104 : i32
        %mul3A_293 = arith.muli %add3A_291, %mul3A_292 : i32
        %add3A_294 = arith.addi %mul3A_2, %mul3A_293 : i32
        %dma_start3A_295 = arith.constant 2 : i32
        %dma_start3A_296 = arith.constant 0 : i32
        %dma_start3A_297 = tpu.memref_slice %arg6[%dma_start3A_295, %dma_start3A_296] : memref<3x104xi32, #tpu.memory_space<vmem>> -> memref<1x104xi32, #tpu.memory_space<vmem>>
        %dma_start3A_298 = tpu.memref_squeeze %dma_start3A_297 : memref<1x104xi32, #tpu.memory_space<vmem>> -> memref<104xi32, #tpu.memory_space<vmem>>
        %dma_start3A_299 = tpu.memref_slice %arg3[%add3A_294] : memref<160000xi32, #tpu.memory_space<hbm>> -> memref<104xi32, #tpu.memory_space<hbm>>
        %dma_start3A_300 = arith.constant 0 : i32
        %dma_start3A_301 = tpu.memref_slice %arg6[%dma_start3A_295, %dma_start3A_300] : memref<3x104xi32, #tpu.memory_space<vmem>> -> memref<1x104xi32, #tpu.memory_space<vmem>>
        %dma_start3A_302 = tpu.memref_squeeze %dma_start3A_301 : memref<1x104xi32, #tpu.memory_space<vmem>> -> memref<104xi32, #tpu.memory_space<vmem>>
        %dma_start3A_303 = tpu.memref_slice %arg3[%add3A_294] : memref<160000xi32, #tpu.memory_space<hbm>> -> memref<104xi32, #tpu.memory_space<hbm>>
        tpu.enqueue_dma source(%dma_start3A_303 : memref<104xi32, #tpu.memory_space<hbm>>) target(%dma_start3A_302 : memref<104xi32, #tpu.memory_space<vmem>>) target_semaphore(%arg15 : memref<!tpu.dma_semaphore, #tpu.memory_space<semaphore_mem>>)
        %dma_start3A_304 = arith.constant 2 : i32
        %dma_start3A_305 = arith.constant 0 : i32
        %dma_start3A_306 = arith.constant 0 : i32
        %dma_start3A_307 = tpu.memref_slice %arg7[%dma_start3A_304, %dma_start3A_305, %dma_start3A_306] : memref<3x104x128xf32, #tpu.memory_space<vmem>> -> memref<1x104x128xf32, #tpu.memory_space<vmem>>
        %dma_start3A_308 = tpu.memref_squeeze %dma_start3A_307 : memref<1x104x128xf32, #tpu.memory_space<vmem>> -> memref<104x128xf32, #tpu.memory_space<vmem>>
        %dma_start3A_309 = arith.constant 0 : i32
        %dma_start3A_310 = tpu.memref_slice %arg2[%add3A_294, %dma_start3A_309] : memref<320000x128xf32, #tpu.memory_space<hbm>> -> memref<104x128xf32, #tpu.memory_space<hbm>>
        %dma_start3A_311 = arith.constant 0 : i32
        %dma_start3A_312 = arith.constant 0 : i32
        %dma_start3A_313 = tpu.memref_slice %arg7[%dma_start3A_304, %dma_start3A_311, %dma_start3A_312] : memref<3x104x128xf32, #tpu.memory_space<vmem>> -> memref<1x104x128xf32, #tpu.memory_space<vmem>>
        %dma_start3A_314 = tpu.memref_squeeze %dma_start3A_313 : memref<1x104x128xf32, #tpu.memory_space<vmem>> -> memref<104x128xf32, #tpu.memory_space<vmem>>
        %dma_start3A_315 = arith.constant 0 : i32
        %dma_start3A_316 = tpu.memref_slice %arg2[%add3A_294, %dma_start3A_315] : memref<320000x128xf32, #tpu.memory_space<hbm>> -> memref<104x128xf32, #tpu.memory_space<hbm>>
        tpu.enqueue_dma source(%dma_start3A_316 : memref<104x128xf32, #tpu.memory_space<hbm>>) target(%dma_start3A_314 : memref<104x128xf32, #tpu.memory_space<vmem>>) target_semaphore(%arg15 : memref<!tpu.dma_semaphore, #tpu.memory_space<semaphore_mem>>)
      } else {
      }
      %mul3A_231 = arith.constant 3 : i32
      %mul3A_232 = arith.muli %scan3A_136, %mul3A_231 : i32
      %add3A_233 = arith.constant 2 : i32
      %add3A_234 = arith.addi %mul3A_232, %add3A_233 : i32
      %mul3A_235 = arith.constant 104 : i32
      %mul3A_236 = arith.muli %add3A_234, %mul3A_235 : i32
      %add3A_237 = arith.addi %mul3A_2, %mul3A_236 : i32
      %dma_wait3A_238 = arith.constant 2 : i32
      %dma_wait3A_239 = arith.constant 0 : i32
      %dma_wait3A_240 = tpu.memref_slice %arg6[%dma_wait3A_238, %dma_wait3A_239] : memref<3x104xi32, #tpu.memory_space<vmem>> -> memref<1x104xi32, #tpu.memory_space<vmem>>
      %dma_wait3A_241 = tpu.memref_squeeze %dma_wait3A_240 : memref<1x104xi32, #tpu.memory_space<vmem>> -> memref<104xi32, #tpu.memory_space<vmem>>
      %dma_wait3A_242 = tpu.memref_slice %arg3[%add3A_237] : memref<160000xi32, #tpu.memory_space<hbm>> -> memref<104xi32, #tpu.memory_space<hbm>>
      %dma_wait3A_243 = arith.constant 0 : i32
      %dma_wait3A_244 = tpu.memref_slice %arg6[%dma_wait3A_238, %dma_wait3A_243] : memref<3x104xi32, #tpu.memory_space<vmem>> -> memref<1x104xi32, #tpu.memory_space<vmem>>
      %dma_wait3A_245 = tpu.memref_squeeze %dma_wait3A_244 : memref<1x104xi32, #tpu.memory_space<vmem>> -> memref<104xi32, #tpu.memory_space<vmem>>
      %dma_wait3A_246 = tpu.memref_slice %arg3[%add3A_237] : memref<160000xi32, #tpu.memory_space<hbm>> -> memref<104xi32, #tpu.memory_space<hbm>>
      tpu.wait_dma2 semaphore(%arg15 : memref<!tpu.dma_semaphore, #tpu.memory_space<semaphore_mem>>) src(%dma_wait3A_246 : memref<104xi32, #tpu.memory_space<hbm>>) dst(%dma_wait3A_245 : memref<104xi32, #tpu.memory_space<vmem>>)
      %dma_wait3A_247 = arith.constant 2 : i32
      %dma_wait3A_248 = arith.constant 0 : i32
      %dma_wait3A_249 = arith.constant 0 : i32
      %dma_wait3A_250 = tpu.memref_slice %arg7[%dma_wait3A_247, %dma_wait3A_248, %dma_wait3A_249] : memref<3x104x128xf32, #tpu.memory_space<vmem>> -> memref<1x104x128xf32, #tpu.memory_space<vmem>>
      %dma_wait3A_251 = tpu.memref_squeeze %dma_wait3A_250 : memref<1x104x128xf32, #tpu.memory_space<vmem>> -> memref<104x128xf32, #tpu.memory_space<vmem>>
      %dma_wait3A_252 = arith.constant 0 : i32
      %dma_wait3A_253 = tpu.memref_slice %arg2[%add3A_237, %dma_wait3A_252] : memref<320000x128xf32, #tpu.memory_space<hbm>> -> memref<104x128xf32, #tpu.memory_space<hbm>>
      %dma_wait3A_254 = arith.constant 0 : i32
      %dma_wait3A_255 = arith.constant 0 : i32
      %dma_wait3A_256 = tpu.memref_slice %arg7[%dma_wait3A_247, %dma_wait3A_254, %dma_wait3A_255] : memref<3x104x128xf32, #tpu.memory_space<vmem>> -> memref<1x104x128xf32, #tpu.memory_space<vmem>>
      %dma_wait3A_257 = tpu.memref_squeeze %dma_wait3A_256 : memref<1x104x128xf32, #tpu.memory_space<vmem>> -> memref<104x128xf32, #tpu.memory_space<vmem>>
      %dma_wait3A_258 = arith.constant 0 : i32
      %dma_wait3A_259 = tpu.memref_slice %arg2[%add3A_237, %dma_wait3A_258] : memref<320000x128xf32, #tpu.memory_space<hbm>> -> memref<104x128xf32, #tpu.memory_space<hbm>>
      tpu.wait_dma2 semaphore(%arg15 : memref<!tpu.dma_semaphore, #tpu.memory_space<semaphore_mem>>) src(%dma_wait3A_259 : memref<104x128xf32, #tpu.memory_space<hbm>>) dst(%dma_wait3A_257 : memref<104x128xf32, #tpu.memory_space<vmem>>)
      %dma_start3A_260 = arith.constant 2 : i32
      %dma_start3A_261 = arith.constant 2 : i32
      %dma_start3A_262 = arith.constant 0 : i32
      %dma_start3A_263 = arith.constant 0 : i32
      %dma_start3A_264 = tpu.memref_slice %arg7[%dma_start3A_260, %dma_start3A_262, %dma_start3A_263] : memref<3x104x128xf32, #tpu.memory_space<vmem>> -> memref<1x104x128xf32, #tpu.memory_space<vmem>>
      %dma_start3A_265 = tpu.memref_squeeze %dma_start3A_264 : memref<1x104x128xf32, #tpu.memory_space<vmem>> -> memref<104x128xf32, #tpu.memory_space<vmem>>
      %dma_start3A_266 = arith.constant 0 : i32
      %dma_start3A_267 = tpu.memref_slice %arg6[%dma_start3A_261, %dma_start3A_266] : memref<3x104xi32, #tpu.memory_space<vmem>> -> memref<1x104xi32, #tpu.memory_space<vmem>>
      %dma_start3A_268 = tpu.memref_squeeze %dma_start3A_267 : memref<1x104xi32, #tpu.memory_space<vmem>> -> memref<104xi32, #tpu.memory_space<vmem>>
      %dma_start3A_269 = arith.constant 0 : i32
      %dma_start3A_270 = arith.constant 0 : i32
      %dma_start3A_271 = tpu.memref_slice %arg12[%dma_start3A_269, %dma_start3A_270] : memref<10000x128xf32, #tpu.memory_space<vmem_shared>> -> memref<10000x128xf32, #tpu.memory_space<vmem_shared>>
      tpu.enqueue_indirect_dma source(%dma_start3A_265 : memref<104x128xf32, #tpu.memory_space<vmem>>) target(%dma_start3A_271 : memref<10000x128xf32, #tpu.memory_space<vmem_shared>>) offsets(%dma_start3A_268 : memref<104xi32, #tpu.memory_space<vmem>>) semaphore(%arg18 : memref<!tpu.dma_semaphore, #tpu.memory_space<semaphore_mem>>) {add = true}
      %sub3A_272 = arith.constant 2 : i32
      %sub3A_273 = arith.subi %add3A_234, %sub3A_272 : i32
      %lt3A = arith.constant 15 : i32
      %lt3A_274 = arith.cmpi slt, %scan3A_136, %lt3A : i32
      %convert_element_type3A_275 = arith.extui %lt3A_274 : i1 to i32
      %cond3A_276 = arith.constant 0 : i32
      %cond3A_277 = arith.cmpi ne, %convert_element_type3A_275, %cond3A_276 : i32
      scf.if %cond3A_277 {
        %dma_wait3A_278 = arith.constant 0 : i32
        %dma_wait3A_279 = arith.constant 0 : i32
        %dma_wait3A_280 = arith.constant 0 : i32
        %dma_wait3A_281 = arith.constant 0 : i32
        %dma_wait3A_282 = tpu.memref_slice %arg7[%dma_wait3A_278, %dma_wait3A_280, %dma_wait3A_281] : memref<3x104x128xf32, #tpu.memory_space<vmem>> -> memref<1x104x128xf32, #tpu.memory_space<vmem>>
        %dma_wait3A_283 = tpu.memref_squeeze %dma_wait3A_282 : memref<1x104x128xf32, #tpu.memory_space<vmem>> -> memref<104x128xf32, #tpu.memory_space<vmem>>
        %dma_wait3A_284 = arith.constant 0 : i32
        %dma_wait3A_285 = tpu.memref_slice %arg6[%dma_wait3A_279, %dma_wait3A_284] : memref<3x104xi32, #tpu.memory_space<vmem>> -> memref<1x104xi32, #tpu.memory_space<vmem>>
        %dma_wait3A_286 = tpu.memref_squeeze %dma_wait3A_285 : memref<1x104xi32, #tpu.memory_space<vmem>> -> memref<104xi32, #tpu.memory_space<vmem>>
        %dma_wait3A_287 = arith.constant 0 : i32
        %dma_wait3A_288 = arith.constant 0 : i32
        %dma_wait3A_289 = tpu.memref_slice %arg12[%dma_wait3A_287, %dma_wait3A_288] : memref<10000x128xf32, #tpu.memory_space<vmem_shared>> -> memref<10000x128xf32, #tpu.memory_space<vmem_shared>>
        tpu.wait_indirect_dma semaphore(%arg16 : memref<!tpu.dma_semaphore, #tpu.memory_space<semaphore_mem>>) src(%dma_wait3A_283 : memref<104x128xf32, #tpu.memory_space<vmem>>) dst(%dma_wait3A_289 : memref<10000x128xf32, #tpu.memory_space<vmem_shared>>)
        %add3A_290 = arith.constant 3 : i32
        %add3A_291 = arith.addi %sub3A_273, %add3A_290 : i32
        %mul3A_292 = arith.constant 104 : i32
        %mul3A_293 = arith.muli %add3A_291, %mul3A_292 : i32
        %add3A_294 = arith.addi %mul3A_2, %mul3A_293 : i32
        %dma_start3A_295 = arith.constant 0 : i32
        %dma_start3A_296 = arith.constant 0 : i32
        %dma_start3A_297 = tpu.memref_slice %arg6[%dma_start3A_295, %dma_start3A_296] : memref<3x104xi32, #tpu.memory_space<vmem>> -> memref<1x104xi32, #tpu.memory_space<vmem>>
        %dma_start3A_298 = tpu.memref_squeeze %dma_start3A_297 : memref<1x104xi32, #tpu.memory_space<vmem>> -> memref<104xi32, #tpu.memory_space<vmem>>
        %dma_start3A_299 = tpu.memref_slice %arg3[%add3A_294] : memref<160000xi32, #tpu.memory_space<hbm>> -> memref<104xi32, #tpu.memory_space<hbm>>
        %dma_start3A_300 = arith.constant 0 : i32
        %dma_start3A_301 = tpu.memref_slice %arg6[%dma_start3A_295, %dma_start3A_300] : memref<3x104xi32, #tpu.memory_space<vmem>> -> memref<1x104xi32, #tpu.memory_space<vmem>>
        %dma_start3A_302 = tpu.memref_squeeze %dma_start3A_301 : memref<1x104xi32, #tpu.memory_space<vmem>> -> memref<104xi32, #tpu.memory_space<vmem>>
        %dma_start3A_303 = tpu.memref_slice %arg3[%add3A_294] : memref<160000xi32, #tpu.memory_space<hbm>> -> memref<104xi32, #tpu.memory_space<hbm>>
        tpu.enqueue_dma source(%dma_start3A_303 : memref<104xi32, #tpu.memory_space<hbm>>) target(%dma_start3A_302 : memref<104xi32, #tpu.memory_space<vmem>>) target_semaphore(%arg13 : memref<!tpu.dma_semaphore, #tpu.memory_space<semaphore_mem>>)
        %dma_start3A_304 = arith.constant 0 : i32
        %dma_start3A_305 = arith.constant 0 : i32
        %dma_start3A_306 = arith.constant 0 : i32
        %dma_start3A_307 = tpu.memref_slice %arg7[%dma_start3A_304, %dma_start3A_305, %dma_start3A_306] : memref<3x104x128xf32, #tpu.memory_space<vmem>> -> memref<1x104x128xf32, #tpu.memory_space<vmem>>
        %dma_start3A_308 = tpu.memref_squeeze %dma_start3A_307 : memref<1x104x128xf32, #tpu.memory_space<vmem>> -> memref<104x128xf32, #tpu.memory_space<vmem>>
        %dma_start3A_309 = arith.constant 0 : i32
        %dma_start3A_310 = tpu.memref_slice %arg2[%add3A_294, %dma_start3A_309] : memref<320000x128xf32, #tpu.memory_space<hbm>> -> memref<104x128xf32, #tpu.memory_space<hbm>>
        %dma_start3A_311 = arith.constant 0 : i32
        %dma_start3A_312 = arith.constant 0 : i32
        %dma_start3A_313 = tpu.memref_slice %arg7[%dma_start3A_304, %dma_start3A_311, %dma_start3A_312] : memref<3x104x128xf32, #tpu.memory_space<vmem>> -> memref<1x104x128xf32, #tpu.memory_space<vmem>>
        %dma_start3A_314 = tpu.memref_squeeze %dma_start3A_313 : memref<1x104x128xf32, #tpu.memory_space<vmem>> -> memref<104x128xf32, #tpu.memory_space<vmem>>
        %dma_start3A_315 = arith.constant 0 : i32
        %dma_start3A_316 = tpu.memref_slice %arg2[%add3A_294, %dma_start3A_315] : memref<320000x128xf32, #tpu.memory_space<hbm>> -> memref<104x128xf32, #tpu.memory_space<hbm>>
        tpu.enqueue_dma source(%dma_start3A_316 : memref<104x128xf32, #tpu.memory_space<hbm>>) target(%dma_start3A_314 : memref<104x128xf32, #tpu.memory_space<vmem>>) target_semaphore(%arg13 : memref<!tpu.dma_semaphore, #tpu.memory_space<semaphore_mem>>)
      } else {
      }
    }
    %scan3A_86 = arith.constant 16 : i32
    %dma_wait3A = arith.constant 0 : i32
    %dma_wait3A_87 = arith.constant 0 : i32
    %dma_wait3A_88 = arith.constant 0 : i32
    %dma_wait3A_89 = arith.constant 0 : i32
    %dma_wait3A_90 = tpu.memref_slice %arg7[%dma_wait3A, %dma_wait3A_88, %dma_wait3A_89] : memref<3x104x128xf32, #tpu.memory_space<vmem>> -> memref<1x104x128xf32, #tpu.memory_space<vmem>>
    %dma_wait3A_91 = tpu.memref_squeeze %dma_wait3A_90 : memref<1x104x128xf32, #tpu.memory_space<vmem>> -> memref<104x128xf32, #tpu.memory_space<vmem>>
    %dma_wait3A_92 = arith.constant 0 : i32
    %dma_wait3A_93 = tpu.memref_slice %arg6[%dma_wait3A_87, %dma_wait3A_92] : memref<3x104xi32, #tpu.memory_space<vmem>> -> memref<1x104xi32, #tpu.memory_space<vmem>>
    %dma_wait3A_94 = tpu.memref_squeeze %dma_wait3A_93 : memref<1x104xi32, #tpu.memory_space<vmem>> -> memref<104xi32, #tpu.memory_space<vmem>>
    %dma_wait3A_95 = arith.constant 0 : i32
    %dma_wait3A_96 = arith.constant 0 : i32
    %dma_wait3A_97 = tpu.memref_slice %arg12[%dma_wait3A_95, %dma_wait3A_96] : memref<10000x128xf32, #tpu.memory_space<vmem_shared>> -> memref<10000x128xf32, #tpu.memory_space<vmem_shared>>
    tpu.wait_indirect_dma semaphore(%arg16 : memref<!tpu.dma_semaphore, #tpu.memory_space<semaphore_mem>>) src(%dma_wait3A_91 : memref<104x128xf32, #tpu.memory_space<vmem>>) dst(%dma_wait3A_97 : memref<10000x128xf32, #tpu.memory_space<vmem_shared>>)
    %dma_wait3A_98 = arith.constant 1 : i32
    %dma_wait3A_99 = arith.constant 1 : i32
    %dma_wait3A_100 = arith.constant 0 : i32
    %dma_wait3A_101 = arith.constant 0 : i32
    %dma_wait3A_102 = tpu.memref_slice %arg7[%dma_wait3A_98, %dma_wait3A_100, %dma_wait3A_101] : memref<3x104x128xf32, #tpu.memory_space<vmem>> -> memref<1x104x128xf32, #tpu.memory_space<vmem>>
    %dma_wait3A_103 = tpu.memref_squeeze %dma_wait3A_102 : memref<1x104x128xf32, #tpu.memory_space<vmem>> -> memref<104x128xf32, #tpu.memory_space<vmem>>
    %dma_wait3A_104 = arith.constant 0 : i32
    %dma_wait3A_105 = tpu.memref_slice %arg6[%dma_wait3A_99, %dma_wait3A_104] : memref<3x104xi32, #tpu.memory_space<vmem>> -> memref<1x104xi32, #tpu.memory_space<vmem>>
    %dma_wait3A_106 = tpu.memref_squeeze %dma_wait3A_105 : memref<1x104xi32, #tpu.memory_space<vmem>> -> memref<104xi32, #tpu.memory_space<vmem>>
    %dma_wait3A_107 = arith.constant 0 : i32
    %dma_wait3A_108 = arith.constant 0 : i32
    %dma_wait3A_109 = tpu.memref_slice %arg12[%dma_wait3A_107, %dma_wait3A_108] : memref<10000x128xf32, #tpu.memory_space<vmem_shared>> -> memref<10000x128xf32, #tpu.memory_space<vmem_shared>>
    tpu.wait_indirect_dma semaphore(%arg17 : memref<!tpu.dma_semaphore, #tpu.memory_space<semaphore_mem>>) src(%dma_wait3A_103 : memref<104x128xf32, #tpu.memory_space<vmem>>) dst(%dma_wait3A_109 : memref<10000x128xf32, #tpu.memory_space<vmem_shared>>)
    %dma_wait3A_110 = arith.constant 2 : i32
    %dma_wait3A_111 = arith.constant 2 : i32
    %dma_wait3A_112 = arith.constant 0 : i32
    %dma_wait3A_113 = arith.constant 0 : i32
    %dma_wait3A_114 = tpu.memref_slice %arg7[%dma_wait3A_110, %dma_wait3A_112, %dma_wait3A_113] : memref<3x104x128xf32, #tpu.memory_space<vmem>> -> memref<1x104x128xf32, #tpu.memory_space<vmem>>
    %dma_wait3A_115 = tpu.memref_squeeze %dma_wait3A_114 : memref<1x104x128xf32, #tpu.memory_space<vmem>> -> memref<104x128xf32, #tpu.memory_space<vmem>>
    %dma_wait3A_116 = arith.constant 0 : i32
    %dma_wait3A_117 = tpu.memref_slice %arg6[%dma_wait3A_111, %dma_wait3A_116] : memref<3x104xi32, #tpu.memory_space<vmem>> -> memref<1x104xi32, #tpu.memory_space<vmem>>
    %dma_wait3A_118 = tpu.memref_squeeze %dma_wait3A_117 : memref<1x104xi32, #tpu.memory_space<vmem>> -> memref<104xi32, #tpu.memory_space<vmem>>
    %dma_wait3A_119 = arith.constant 0 : i32
    %dma_wait3A_120 = arith.constant 0 : i32
    %dma_wait3A_121 = tpu.memref_slice %arg12[%dma_wait3A_119, %dma_wait3A_120] : memref<10000x128xf32, #tpu.memory_space<vmem_shared>> -> memref<10000x128xf32, #tpu.memory_space<vmem_shared>>
    tpu.wait_indirect_dma semaphore(%arg18 : memref<!tpu.dma_semaphore, #tpu.memory_space<semaphore_mem>>) src(%dma_wait3A_115 : memref<104x128xf32, #tpu.memory_space<vmem>>) dst(%dma_wait3A_121 : memref<10000x128xf32, #tpu.memory_space<vmem_shared>>)
    %add3A_122 = arith.constant 4992 : i32
    %add3A_123 = arith.addi %mul3A_2, %add3A_122 : i32
    "tpu.region"() ({
      %run_scoped3A = tpu.sem_alloc : memref<!tpu.dma_semaphore, #tpu.memory_space<semaphore_mem>>
      %dma_start3A_136 = tpu.memref_slice %arg3[%add3A_123] : memref<160000xi32, #tpu.memory_space<hbm>> -> memref<8xi32, #tpu.memory_space<hbm>>
      %dma_start3A_137 = tpu.memref_slice %arg3[%add3A_123] : memref<160000xi32, #tpu.memory_space<hbm>> -> memref<8xi32, #tpu.memory_space<hbm>>
      tpu.enqueue_dma source(%dma_start3A_137 : memref<8xi32, #tpu.memory_space<hbm>>) target(%arg10 : memref<8xi32, #tpu.memory_space<vmem>>) target_semaphore(%run_scoped3A : memref<!tpu.dma_semaphore, #tpu.memory_space<semaphore_mem>>)
      %dma_wait3A_138 = tpu.memref_slice %arg3[%add3A_123] : memref<160000xi32, #tpu.memory_space<hbm>> -> memref<8xi32, #tpu.memory_space<hbm>>
      %dma_wait3A_139 = tpu.memref_slice %arg3[%add3A_123] : memref<160000xi32, #tpu.memory_space<hbm>> -> memref<8xi32, #tpu.memory_space<hbm>>
      tpu.wait_dma2 semaphore(%run_scoped3A : memref<!tpu.dma_semaphore, #tpu.memory_space<semaphore_mem>>) src(%dma_wait3A_139 : memref<8xi32, #tpu.memory_space<hbm>>) dst(%arg10 : memref<8xi32, #tpu.memory_space<vmem>>)
      tpu.yield
    }) : () -> ()
    "tpu.region"() ({
      %run_scoped3A = tpu.sem_alloc : memref<!tpu.dma_semaphore, #tpu.memory_space<semaphore_mem>>
      %dma_start3A_136 = arith.constant 0 : i32
      %dma_start3A_137 = tpu.memref_slice %arg2[%add3A_123, %dma_start3A_136] : memref<320000x128xf32, #tpu.memory_space<hbm>> -> memref<8x128xf32, #tpu.memory_space<hbm>>
      %dma_start3A_138 = arith.constant 0 : i32
      %dma_start3A_139 = tpu.memref_slice %arg2[%add3A_123, %dma_start3A_138] : memref<320000x128xf32, #tpu.memory_space<hbm>> -> memref<8x128xf32, #tpu.memory_space<hbm>>
      tpu.enqueue_dma source(%dma_start3A_139 : memref<8x128xf32, #tpu.memory_space<hbm>>) target(%arg11 : memref<8x128xf32, #tpu.memory_space<vmem>>) target_semaphore(%run_scoped3A : memref<!tpu.dma_semaphore, #tpu.memory_space<semaphore_mem>>)
      %dma_wait3A_140 = arith.constant 0 : i32
      %dma_wait3A_141 = tpu.memref_slice %arg2[%add3A_123, %dma_wait3A_140] : memref<320000x128xf32, #tpu.memory_space<hbm>> -> memref<8x128xf32, #tpu.memory_space<hbm>>
      %dma_wait3A_142 = arith.constant 0 : i32
      %dma_wait3A_143 = tpu.memref_slice %arg2[%add3A_123, %dma_wait3A_142] : memref<320000x128xf32, #tpu.memory_space<hbm>> -> memref<8x128xf32, #tpu.memory_space<hbm>>
      tpu.wait_dma2 semaphore(%run_scoped3A : memref<!tpu.dma_semaphore, #tpu.memory_space<semaphore_mem>>) src(%dma_wait3A_143 : memref<8x128xf32, #tpu.memory_space<hbm>>) dst(%arg11 : memref<8x128xf32, #tpu.memory_space<vmem>>)
      tpu.yield
    }) : () -> ()
    "tpu.region"() ({
      %run_scoped3A = tpu.sem_alloc : memref<!tpu.dma_semaphore, #tpu.memory_space<semaphore_mem>>
      %dma_start3A_136 = arith.constant 0 : i32
      %dma_start3A_137 = arith.constant 0 : i32
      %dma_start3A_138 = tpu.memref_slice %arg12[%dma_start3A_136, %dma_start3A_137] : memref<10000x128xf32, #tpu.memory_space<vmem_shared>> -> memref<10000x128xf32, #tpu.memory_space<vmem_shared>>
      tpu.enqueue_indirect_dma source(%arg11 : memref<8x128xf32, #tpu.memory_space<vmem>>) target(%dma_start3A_138 : memref<10000x128xf32, #tpu.memory_space<vmem_shared>>) offsets(%arg10 : memref<8xi32, #tpu.memory_space<vmem>>) semaphore(%run_scoped3A : memref<!tpu.dma_semaphore, #tpu.memory_space<semaphore_mem>>) {add = true}
      %dma_wait3A_139 = arith.constant 0 : i32
      %dma_wait3A_140 = arith.constant 0 : i32
      %dma_wait3A_141 = tpu.memref_slice %arg12[%dma_wait3A_139, %dma_wait3A_140] : memref<10000x128xf32, #tpu.memory_space<vmem_shared>> -> memref<10000x128xf32, #tpu.memory_space<vmem_shared>>
      tpu.wait_indirect_dma semaphore(%run_scoped3A : memref<!tpu.dma_semaphore, #tpu.memory_space<semaphore_mem>>) src(%arg11 : memref<8x128xf32, #tpu.memory_space<vmem>>) dst(%dma_wait3A_141 : memref<10000x128xf32, #tpu.memory_space<vmem_shared>>)
      tpu.yield
    }) : () -> ()
    %barrier3A_124 = arith.constant 0 : index
    tpu.barrier barrier_id(%barrier3A_124)
    %scan3A_125 = arith.constant 0 : i32
    %scan3A_126 = arith.constant 0 : i32
    %scan3A_127 = arith.constant 13 : i32
    %scan3A_128 = arith.addi %scan3A_126, %scan3A_127 : i32
    %scan3A_129 = arith.constant 1 : i32
    scf.for %scan3A_136 = %scan3A_126 to %scan3A_128 step %scan3A_129  : i32 {
      %mul3A_137 = arith.constant 624 : i32
      %mul3A_138 = arith.muli %arg1, %mul3A_137 : i32
      %mul3A_139 = arith.constant 48 : i32
      %mul3A_140 = arith.muli %scan3A_136, %mul3A_139 : i32
      %add3A_141 = arith.addi %mul3A_138, %mul3A_140 : i32
      %iota3A = tpu.iota {dimensions = array<i32: 0>} : vector<16xi32>
      %add3A_142 = arith.constant 0 : i32
      %add3A_143 = arith.addi %add3A_141, %add3A_142 : i32
      %add3A_144 = vector.broadcast %add3A_143 : i32 to vector<16xi32>
      %add3A_145 = arith.addi %iota3A, %add3A_144 : vector<16xi32>
      %swap3A = arith.constant 0 : index
      %swap3A_146 = tpu.vector_load %arg9[%swap3A] {strides = array<i32>} : memref<48xi32, #tpu.memory_space<vmem>>, vector<16xi32>,
      %swap3A_147 = vector.shape_cast %swap3A_146 : vector<16xi32> to vector<16xi32>
      %swap3A_148 = vector.shape_cast %add3A_145 : vector<16xi32> to vector<16xi32>
      tpu.vector_store %arg9[%swap3A], %swap3A_148 {strides = array<i32>} : memref<48xi32, #tpu.memory_space<vmem>>, vector<16xi32>,
      %iota3A_149 = tpu.iota {dimensions = array<i32: 0>} : vector<16xi32>
      %add3A_150 = arith.constant 16 : i32
      %add3A_151 = arith.addi %add3A_141, %add3A_150 : i32
      %add3A_152 = vector.broadcast %add3A_151 : i32 to vector<16xi32>
      %add3A_153 = arith.addi %iota3A_149, %add3A_152 : vector<16xi32>
      %swap3A_154 = arith.constant 16 : index
      %swap3A_155 = tpu.vector_load %arg9[%swap3A_154] {strides = array<i32>} : memref<48xi32, #tpu.memory_space<vmem>>, vector<16xi32>,
      %swap3A_156 = vector.shape_cast %swap3A_155 : vector<16xi32> to vector<16xi32>
      %swap3A_157 = vector.shape_cast %add3A_153 : vector<16xi32> to vector<16xi32>
      tpu.vector_store %arg9[%swap3A_154], %swap3A_157 {strides = array<i32>} : memref<48xi32, #tpu.memory_space<vmem>>, vector<16xi32>,
      %iota3A_158 = tpu.iota {dimensions = array<i32: 0>} : vector<16xi32>
      %add3A_159 = arith.constant 32 : i32
      %add3A_160 = arith.addi %add3A_141, %add3A_159 : i32
      %add3A_161 = vector.broadcast %add3A_160 : i32 to vector<16xi32>
      %add3A_162 = arith.addi %iota3A_158, %add3A_161 : vector<16xi32>
      %swap3A_163 = arith.constant 32 : index
      %swap3A_164 = tpu.vector_load %arg9[%swap3A_163] {strides = array<i32>} : memref<48xi32, #tpu.memory_space<vmem>>, vector<16xi32>,
      %swap3A_165 = vector.shape_cast %swap3A_164 : vector<16xi32> to vector<16xi32>
      %swap3A_166 = vector.shape_cast %add3A_162 : vector<16xi32> to vector<16xi32>
      tpu.vector_store %arg9[%swap3A_163], %swap3A_166 {strides = array<i32>} : memref<48xi32, #tpu.memory_space<vmem>>, vector<16xi32>,
      "tpu.region"() ({
        %run_scoped3A = tpu.sem_alloc : memref<!tpu.dma_semaphore, #tpu.memory_space<semaphore_mem>>
        %dma_start3A_170 = arith.constant 0 : i32
        %dma_start3A_171 = arith.constant 0 : i32
        %dma_start3A_172 = tpu.memref_slice %arg12[%dma_start3A_170, %dma_start3A_171] : memref<10000x128xf32, #tpu.memory_space<vmem_shared>> -> memref<10000x128xf32, #tpu.memory_space<vmem_shared>>
        tpu.enqueue_indirect_dma source(%dma_start3A_172 : memref<10000x128xf32, #tpu.memory_space<vmem_shared>>) target(%arg8 : memref<48x128xf32, #tpu.memory_space<vmem>>) offsets(%arg9 : memref<48xi32, #tpu.memory_space<vmem>>) semaphore(%run_scoped3A : memref<!tpu.dma_semaphore, #tpu.memory_space<semaphore_mem>>)
        %dma_wait3A_173 = arith.constant 0 : i32
        %dma_wait3A_174 = arith.constant 0 : i32
        %dma_wait3A_175 = tpu.memref_slice %arg12[%dma_wait3A_173, %dma_wait3A_174] : memref<10000x128xf32, #tpu.memory_space<vmem_shared>> -> memref<10000x128xf32, #tpu.memory_space<vmem_shared>>
        tpu.wait_indirect_dma semaphore(%run_scoped3A : memref<!tpu.dma_semaphore, #tpu.memory_space<semaphore_mem>>) src(%dma_wait3A_175 : memref<10000x128xf32, #tpu.memory_space<vmem_shared>>) dst(%arg8 : memref<48x128xf32, #tpu.memory_space<vmem>>)
        tpu.yield
      }) : () -> ()
      %mul3A_167 = arith.constant 10000 : i32
      %mul3A_168 = arith.muli %arg0, %mul3A_167 : i32
      %add3A_169 = arith.addi %mul3A_168, %add3A_141 : i32
      "tpu.region"() ({
        %run_scoped3A = tpu.sem_alloc : memref<!tpu.dma_semaphore, #tpu.memory_space<semaphore_mem>>
        %dma_start3A_170 = arith.constant 0 : i32
        %dma_start3A_171 = tpu.memref_slice %arg5[%add3A_169, %dma_start3A_170] : memref<20000x128xf32, #tpu.memory_space<hbm>> -> memref<48x128xf32, #tpu.memory_space<hbm>>
        %dma_start3A_172 = arith.constant 0 : i32
        %dma_start3A_173 = tpu.memref_slice %arg5[%add3A_169, %dma_start3A_172] : memref<20000x128xf32, #tpu.memory_space<hbm>> -> memref<48x128xf32, #tpu.memory_space<hbm>>
        tpu.enqueue_dma source(%arg8 : memref<48x128xf32, #tpu.memory_space<vmem>>) target(%dma_start3A_173 : memref<48x128xf32, #tpu.memory_space<hbm>>) target_semaphore(%run_scoped3A : memref<!tpu.dma_semaphore, #tpu.memory_space<semaphore_mem>>)
        %dma_wait3A_174 = arith.constant 0 : i32
        %dma_wait3A_175 = tpu.memref_slice %arg5[%add3A_169, %dma_wait3A_174] : memref<20000x128xf32, #tpu.memory_space<hbm>> -> memref<48x128xf32, #tpu.memory_space<hbm>>
        %dma_wait3A_176 = arith.constant 0 : i32
        %dma_wait3A_177 = tpu.memref_slice %arg5[%add3A_169, %dma_wait3A_176] : memref<20000x128xf32, #tpu.memory_space<hbm>> -> memref<48x128xf32, #tpu.memory_space<hbm>>
        tpu.wait_dma2 semaphore(%run_scoped3A : memref<!tpu.dma_semaphore, #tpu.memory_space<semaphore_mem>>) src(%arg8 : memref<48x128xf32, #tpu.memory_space<vmem>>) dst(%dma_wait3A_177 : memref<48x128xf32, #tpu.memory_space<hbm>>)
        tpu.yield
      }) : () -> ()
    }
    %scan3A_130 = arith.constant 13 : i32
    %eq3A_131 = arith.constant 15 : i32
    %eq3A_132 = arith.cmpi eq, %arg1, %eq3A_131 : i32
    %convert_element_type3A_133 = arith.extui %eq3A_132 : i1 to i32
    %cond3A_134 = arith.constant 0 : i32
    %cond3A_135 = arith.cmpi ne, %convert_element_type3A_133, %cond3A_134 : i32
    scf.if %cond3A_135 {
      %iota3A = tpu.iota {dimensions = array<i32: 0>} : vector<16xi32>
      %add3A_136 = arith.constant 9952 : i32
      %add3A_137 = vector.broadcast %add3A_136 : i32 to vector<16xi32>
      %add3A_138 = arith.addi %iota3A, %add3A_137 : vector<16xi32>
      %swap3A = arith.constant 0 : index
      %swap3A_139 = tpu.vector_load %arg9[%swap3A] {strides = array<i32>} : memref<48xi32, #tpu.memory_space<vmem>>, vector<16xi32>,
      %swap3A_140 = vector.shape_cast %swap3A_139 : vector<16xi32> to vector<16xi32>
      %swap3A_141 = vector.shape_cast %add3A_138 : vector<16xi32> to vector<16xi32>
      tpu.vector_store %arg9[%swap3A], %swap3A_141 {strides = array<i32>} : memref<48xi32, #tpu.memory_space<vmem>>, vector<16xi32>,
      %iota3A_142 = tpu.iota {dimensions = array<i32: 0>} : vector<16xi32>
      %add3A_143 = arith.constant 9968 : i32
      %add3A_144 = vector.broadcast %add3A_143 : i32 to vector<16xi32>
      %add3A_145 = arith.addi %iota3A_142, %add3A_144 : vector<16xi32>
      %swap3A_146 = arith.constant 16 : index
      %swap3A_147 = tpu.vector_load %arg9[%swap3A_146] {strides = array<i32>} : memref<48xi32, #tpu.memory_space<vmem>>, vector<16xi32>,
      %swap3A_148 = vector.shape_cast %swap3A_147 : vector<16xi32> to vector<16xi32>
      %swap3A_149 = vector.shape_cast %add3A_145 : vector<16xi32> to vector<16xi32>
      tpu.vector_store %arg9[%swap3A_146], %swap3A_149 {strides = array<i32>} : memref<48xi32, #tpu.memory_space<vmem>>, vector<16xi32>,
      %iota3A_150 = tpu.iota {dimensions = array<i32: 0>} : vector<16xi32>
      %add3A_151 = arith.constant 9984 : i32
      %add3A_152 = vector.broadcast %add3A_151 : i32 to vector<16xi32>
      %add3A_153 = arith.addi %iota3A_150, %add3A_152 : vector<16xi32>
      %swap3A_154 = arith.constant 32 : index
      %swap3A_155 = tpu.vector_load %arg9[%swap3A_154] {strides = array<i32>} : memref<48xi32, #tpu.memory_space<vmem>>, vector<16xi32>,
      %swap3A_156 = vector.shape_cast %swap3A_155 : vector<16xi32> to vector<16xi32>
      %swap3A_157 = vector.shape_cast %add3A_153 : vector<16xi32> to vector<16xi32>
      tpu.vector_store %arg9[%swap3A_154], %swap3A_157 {strides = array<i32>} : memref<48xi32, #tpu.memory_space<vmem>>, vector<16xi32>,
      "tpu.region"() ({
        %run_scoped3A = tpu.sem_alloc : memref<!tpu.dma_semaphore, #tpu.memory_space<semaphore_mem>>
        %dma_start3A_163 = arith.constant 0 : i32
        %dma_start3A_164 = arith.constant 0 : i32
        %dma_start3A_165 = tpu.memref_slice %arg12[%dma_start3A_163, %dma_start3A_164] : memref<10000x128xf32, #tpu.memory_space<vmem_shared>> -> memref<10000x128xf32, #tpu.memory_space<vmem_shared>>
        tpu.enqueue_indirect_dma source(%dma_start3A_165 : memref<10000x128xf32, #tpu.memory_space<vmem_shared>>) target(%arg8 : memref<48x128xf32, #tpu.memory_space<vmem>>) offsets(%arg9 : memref<48xi32, #tpu.memory_space<vmem>>) semaphore(%run_scoped3A : memref<!tpu.dma_semaphore, #tpu.memory_space<semaphore_mem>>)
        %dma_wait3A_166 = arith.constant 0 : i32
        %dma_wait3A_167 = arith.constant 0 : i32
        %dma_wait3A_168 = tpu.memref_slice %arg12[%dma_wait3A_166, %dma_wait3A_167] : memref<10000x128xf32, #tpu.memory_space<vmem_shared>> -> memref<10000x128xf32, #tpu.memory_space<vmem_shared>>
        tpu.wait_indirect_dma semaphore(%run_scoped3A : memref<!tpu.dma_semaphore, #tpu.memory_space<semaphore_mem>>) src(%dma_wait3A_168 : memref<10000x128xf32, #tpu.memory_space<vmem_shared>>) dst(%arg8 : memref<48x128xf32, #tpu.memory_space<vmem>>)
        tpu.yield
      }) : () -> ()
      %mul3A_158 = arith.constant 10000 : i32
      %mul3A_159 = arith.muli %arg0, %mul3A_158 : i32
      %add3A_160 = arith.constant 10000 : i32
      %add3A_161 = arith.addi %mul3A_159, %add3A_160 : i32
      %sub3A = arith.constant 48 : i32
      %sub3A_162 = arith.subi %add3A_161, %sub3A : i32
      "tpu.region"() ({
        %run_scoped3A = tpu.sem_alloc : memref<!tpu.dma_semaphore, #tpu.memory_space<semaphore_mem>>
        %dma_start3A_163 = arith.constant 0 : i32
        %dma_start3A_164 = tpu.memref_slice %arg5[%sub3A_162, %dma_start3A_163] : memref<20000x128xf32, #tpu.memory_space<hbm>> -> memref<48x128xf32, #tpu.memory_space<hbm>>
        %dma_start3A_165 = arith.constant 0 : i32
        %dma_start3A_166 = tpu.memref_slice %arg5[%sub3A_162, %dma_start3A_165] : memref<20000x128xf32, #tpu.memory_space<hbm>> -> memref<48x128xf32, #tpu.memory_space<hbm>>
        tpu.enqueue_dma source(%arg8 : memref<48x128xf32, #tpu.memory_space<vmem>>) target(%dma_start3A_166 : memref<48x128xf32, #tpu.memory_space<hbm>>) target_semaphore(%run_scoped3A : memref<!tpu.dma_semaphore, #tpu.memory_space<semaphore_mem>>)
        %dma_wait3A_167 = arith.constant 0 : i32
        %dma_wait3A_168 = tpu.memref_slice %arg5[%sub3A_162, %dma_wait3A_167] : memref<20000x128xf32, #tpu.memory_space<hbm>> -> memref<48x128xf32, #tpu.memory_space<hbm>>
        %dma_wait3A_169 = arith.constant 0 : i32
        %dma_wait3A_170 = tpu.memref_slice %arg5[%sub3A_162, %dma_wait3A_169] : memref<20000x128xf32, #tpu.memory_space<hbm>> -> memref<48x128xf32, #tpu.memory_space<hbm>>
        tpu.wait_dma2 semaphore(%run_scoped3A : memref<!tpu.dma_semaphore, #tpu.memory_space<semaphore_mem>>) src(%arg8 : memref<48x128xf32, #tpu.memory_space<vmem>>) dst(%dma_wait3A_170 : memref<48x128xf32, #tpu.memory_space<hbm>>)
        tpu.yield
      }) : () -> ()
    } else {
    }
    return
  }
}

#map = affine_map<(d0, d1) -> (0, 0)>
#map1 = affine_map<(d0, d1) -> (0)>
module attributes {stable_mosaic.version = 14 : i64} {
  func.func @_scatter_body(%arg0: i32, %arg1: i32, %arg2: memref<320000x128xf32, #tpu.memory_space<hbm>>, %arg3: memref<160000xi32, #tpu.memory_space<hbm>>, %arg4: memref<48x128xf32, #tpu.memory_space<hbm>>, %arg5: memref<20000x128xf32, #tpu.memory_space<hbm>>, %arg6: memref<3x104xi32, #tpu.memory_space<vmem>>, %arg7: memref<3x104x128xf32, #tpu.memory_space<vmem>>, %arg8: memref<48x128xf32, #tpu.memory_space<vmem>>, %arg9: memref<48xi32, #tpu.memory_space<vmem>>, %arg10: memref<8xi32, #tpu.memory_space<vmem>>, %arg11: memref<8x128xf32, #tpu.memory_space<vmem>>, %arg12: memref<10000x128xf32, #tpu.memory_space<vmem_shared>>, %arg13: memref<!tpu.dma_semaphore, #tpu.memory_space<semaphore_mem>>, %arg14: memref<!tpu.dma_semaphore, #tpu.memory_space<semaphore_mem>>, %arg15: memref<!tpu.dma_semaphore, #tpu.memory_space<semaphore_mem>>, %arg16: memref<!tpu.dma_semaphore, #tpu.memory_space<semaphore_mem>>, %arg17: memref<!tpu.dma_semaphore, #tpu.memory_space<semaphore_mem>>, %arg18: memref<!tpu.dma_semaphore, #tpu.memory_space<semaphore_mem>>) attributes {dimension_semantics = [#tpu.dimension_semantics<core_parallel>, #tpu.dimension_semantics<subcore_parallel>], iteration_bounds = array<i64: 2, 16>, scalar_prefetch = 0 : i64, scratch_operands = 13 : i64, tpu.core_type = #tpu.core_type<sc_vector_subcore>, window_params = [{transform_indices = #map}, {transform_indices = #map1}, {transform_indices = #map}, {transform_indices = #map}]} {
    %mul3A = arith.constant 2 : i32
    %mul3A_0 = arith.muli %arg1, %mul3A : i32
    %add3A = arith.addi %mul3A_0, %arg0 : i32
    %mul3A_1 = arith.constant 5000 : i32
    %mul3A_2 = arith.muli %add3A, %mul3A_1 : i32
    "tpu.region"() ({
      %run_scoped3A = tpu.sem_alloc : memref<!tpu.dma_semaphore, #tpu.memory_space<semaphore_mem>>
      tpu.enqueue_dma source(%arg4 : memref<48x128xf32, #tpu.memory_space<hbm>>) target(%arg8 : memref<48x128xf32, #tpu.memory_space<vmem>>) target_semaphore(%run_scoped3A : memref<!tpu.dma_semaphore, #tpu.memory_space<semaphore_mem>>)
      tpu.wait_dma2 semaphore(%run_scoped3A : memref<!tpu.dma_semaphore, #tpu.memory_space<semaphore_mem>>) src(%arg4 : memref<48x128xf32, #tpu.memory_space<hbm>>) dst(%arg8 : memref<48x128xf32, #tpu.memory_space<vmem>>)
      tpu.yield
    }) : () -> ()
    %scan3A = arith.constant 0 : i32
    %scan3A_3 = arith.constant 0 : i32
    %scan3A_4 = arith.constant 13 : i32
    %scan3A_5 = arith.addi %scan3A_3, %scan3A_4 : i32
    %scan3A_6 = arith.constant 1 : i32
    scf.for %scan3A_136 = %scan3A_3 to %scan3A_5 step %scan3A_6  : i32 {
      %mul3A_137 = arith.constant 624 : i32
      %mul3A_138 = arith.muli %arg1, %mul3A_137 : i32
      %mul3A_139 = arith.constant 48 : i32
      %mul3A_140 = arith.muli %scan3A_136, %mul3A_139 : i32
      %add3A_141 = arith.addi %mul3A_138, %mul3A_140 : i32
      %iota3A = tpu.iota {dimensions = array<i32: 0>} : vector<16xi32>
      %add3A_142 = arith.constant 0 : i32
      %add3A_143 = arith.addi %add3A_141, %add3A_142 : i32
      %add3A_144 = vector.broadcast %add3A_143 : i32 to vector<16xi32>
      %add3A_145 = arith.addi %iota3A, %add3A_144 : vector<16xi32>
      %swap3A = arith.constant 0 : index
      %swap3A_146 = tpu.vector_load %arg9[%swap3A] {strides = array<i32>} : memref<48xi32, #tpu.memory_space<vmem>>, vector<16xi32>,
      %swap3A_147 = vector.shape_cast %swap3A_146 : vector<16xi32> to vector<16xi32>
      %swap3A_148 = vector.shape_cast %add3A_145 : vector<16xi32> to vector<16xi32>
      tpu.vector_store %arg9[%swap3A], %swap3A_148 {strides = array<i32>} : memref<48xi32, #tpu.memory_space<vmem>>, vector<16xi32>,
      %iota3A_149 = tpu.iota {dimensions = array<i32: 0>} : vector<16xi32>
      %add3A_150 = arith.constant 16 : i32
      %add3A_151 = arith.addi %add3A_141, %add3A_150 : i32
      %add3A_152 = vector.broadcast %add3A_151 : i32 to vector<16xi32>
      %add3A_153 = arith.addi %iota3A_149, %add3A_152 : vector<16xi32>
      %swap3A_154 = arith.constant 16 : index
      %swap3A_155 = tpu.vector_load %arg9[%swap3A_154] {strides = array<i32>} : memref<48xi32, #tpu.memory_space<vmem>>, vector<16xi32>,
      %swap3A_156 = vector.shape_cast %swap3A_155 : vector<16xi32> to vector<16xi32>
      %swap3A_157 = vector.shape_cast %add3A_153 : vector<16xi32> to vector<16xi32>
      tpu.vector_store %arg9[%swap3A_154], %swap3A_157 {strides = array<i32>} : memref<48xi32, #tpu.memory_space<vmem>>, vector<16xi32>,
      %iota3A_158 = tpu.iota {dimensions = array<i32: 0>} : vector<16xi32>
      %add3A_159 = arith.constant 32 : i32
      %add3A_160 = arith.addi %add3A_141, %add3A_159 : i32
      %add3A_161 = vector.broadcast %add3A_160 : i32 to vector<16xi32>
      %add3A_162 = arith.addi %iota3A_158, %add3A_161 : vector<16xi32>
      %swap3A_163 = arith.constant 32 : index
      %swap3A_164 = tpu.vector_load %arg9[%swap3A_163] {strides = array<i32>} : memref<48xi32, #tpu.memory_space<vmem>>, vector<16xi32>,
      %swap3A_165 = vector.shape_cast %swap3A_164 : vector<16xi32> to vector<16xi32>
      %swap3A_166 = vector.shape_cast %add3A_162 : vector<16xi32> to vector<16xi32>
      tpu.vector_store %arg9[%swap3A_163], %swap3A_166 {strides = array<i32>} : memref<48xi32, #tpu.memory_space<vmem>>, vector<16xi32>,
      "tpu.region"() ({
        %run_scoped3A = tpu.sem_alloc : memref<!tpu.dma_semaphore, #tpu.memory_space<semaphore_mem>>
        %dma_start3A_167 = arith.constant 0 : i32
        %dma_start3A_168 = arith.constant 0 : i32
        %dma_start3A_169 = tpu.memref_slice %arg12[%dma_start3A_167, %dma_start3A_168] : memref<10000x128xf32, #tpu.memory_space<vmem_shared>> -> memref<10000x128xf32, #tpu.memory_space<vmem_shared>>
        tpu.enqueue_indirect_dma source(%arg8 : memref<48x128xf32, #tpu.memory_space<vmem>>) target(%dma_start3A_169 : memref<10000x128xf32, #tpu.memory_space<vmem_shared>>) offsets(%arg9 : memref<48xi32, #tpu.memory_space<vmem>>) semaphore(%run_scoped3A : memref<!tpu.dma_semaphore, #tpu.memory_space<semaphore_mem>>)
        %dma_wait3A_170 = arith.constant 0 : i32
        %dma_wait3A_171 = arith.constant 0 : i32
        %dma_wait3A_172 = tpu.memref_slice %arg12[%dma_wait3A_170, %dma_wait3A_171] : memref<10000x128xf32, #tpu.memory_space<vmem_shared>> -> memref<10000x128xf32, #tpu.memory_space<vmem_shared>>
        tpu.wait_indirect_dma semaphore(%run_scoped3A : memref<!tpu.dma_semaphore, #tpu.memory_space<semaphore_mem>>) src(%arg8 : memref<48x128xf32, #tpu.memory_space<vmem>>) dst(%dma_wait3A_172 : memref<10000x128xf32, #tpu.memory_space<vmem_shared>>)
        tpu.yield
      }) : () -> ()
    }
    %scan3A_7 = arith.constant 13 : i32
    %eq3A = arith.constant 15 : i32
    %eq3A_8 = arith.cmpi eq, %arg1, %eq3A : i32
    %convert_element_type3A = arith.extui %eq3A_8 : i1 to i32
    %cond3A = arith.constant 0 : i32
    %cond3A_9 = arith.cmpi ne, %convert_element_type3A, %cond3A : i32
    scf.if %cond3A_9 {
      %iota3A = tpu.iota {dimensions = array<i32: 0>} : vector<16xi32>
      %add3A_136 = arith.constant 9952 : i32
      %add3A_137 = vector.broadcast %add3A_136 : i32 to vector<16xi32>
      %add3A_138 = arith.addi %iota3A, %add3A_137 : vector<16xi32>
      %swap3A = arith.constant 0 : index
      %swap3A_139 = tpu.vector_load %arg9[%swap3A] {strides = array<i32>} : memref<48xi32, #tpu.memory_space<vmem>>, vector<16xi32>,
      %swap3A_140 = vector.shape_cast %swap3A_139 : vector<16xi32> to vector<16xi32>
      %swap3A_141 = vector.shape_cast %add3A_138 : vector<16xi32> to vector<16xi32>
      tpu.vector_store %arg9[%swap3A], %swap3A_141 {strides = array<i32>} : memref<48xi32, #tpu.memory_space<vmem>>, vector<16xi32>,
      %iota3A_142 = tpu.iota {dimensions = array<i32: 0>} : vector<16xi32>
      %add3A_143 = arith.constant 9968 : i32
      %add3A_144 = vector.broadcast %add3A_143 : i32 to vector<16xi32>
      %add3A_145 = arith.addi %iota3A_142, %add3A_144 : vector<16xi32>
      %swap3A_146 = arith.constant 16 : index
      %swap3A_147 = tpu.vector_load %arg9[%swap3A_146] {strides = array<i32>} : memref<48xi32, #tpu.memory_space<vmem>>, vector<16xi32>,
      %swap3A_148 = vector.shape_cast %swap3A_147 : vector<16xi32> to vector<16xi32>
      %swap3A_149 = vector.shape_cast %add3A_145 : vector<16xi32> to vector<16xi32>
      tpu.vector_store %arg9[%swap3A_146], %swap3A_149 {strides = array<i32>} : memref<48xi32, #tpu.memory_space<vmem>>, vector<16xi32>,
      %iota3A_150 = tpu.iota {dimensions = array<i32: 0>} : vector<16xi32>
      %add3A_151 = arith.constant 9984 : i32
      %add3A_152 = vector.broadcast %add3A_151 : i32 to vector<16xi32>
      %add3A_153 = arith.addi %iota3A_150, %add3A_152 : vector<16xi32>
      %swap3A_154 = arith.constant 32 : index
      %swap3A_155 = tpu.vector_load %arg9[%swap3A_154] {strides = array<i32>} : memref<48xi32, #tpu.memory_space<vmem>>, vector<16xi32>,
      %swap3A_156 = vector.shape_cast %swap3A_155 : vector<16xi32> to vector<16xi32>
      %swap3A_157 = vector.shape_cast %add3A_153 : vector<16xi32> to vector<16xi32>
      tpu.vector_store %arg9[%swap3A_154], %swap3A_157 {strides = array<i32>} : memref<48xi32, #tpu.memory_space<vmem>>, vector<16xi32>,
      "tpu.region"() ({
        %run_scoped3A = tpu.sem_alloc : memref<!tpu.dma_semaphore, #tpu.memory_space<semaphore_mem>>
        %dma_start3A_158 = arith.constant 0 : i32
        %dma_start3A_159 = arith.constant 0 : i32
        %dma_start3A_160 = tpu.memref_slice %arg12[%dma_start3A_158, %dma_start3A_159] : memref<10000x128xf32, #tpu.memory_space<vmem_shared>> -> memref<10000x128xf32, #tpu.memory_space<vmem_shared>>
        tpu.enqueue_indirect_dma source(%arg8 : memref<48x128xf32, #tpu.memory_space<vmem>>) target(%dma_start3A_160 : memref<10000x128xf32, #tpu.memory_space<vmem_shared>>) offsets(%arg9 : memref<48xi32, #tpu.memory_space<vmem>>) semaphore(%run_scoped3A : memref<!tpu.dma_semaphore, #tpu.memory_space<semaphore_mem>>)
        %dma_wait3A_161 = arith.constant 0 : i32
        %dma_wait3A_162 = arith.constant 0 : i32
        %dma_wait3A_163 = tpu.memref_slice %arg12[%dma_wait3A_161, %dma_wait3A_162] : memref<10000x128xf32, #tpu.memory_space<vmem_shared>> -> memref<10000x128xf32, #tpu.memory_space<vmem_shared>>
        tpu.wait_indirect_dma semaphore(%run_scoped3A : memref<!tpu.dma_semaphore, #tpu.memory_space<semaphore_mem>>) src(%arg8 : memref<48x128xf32, #tpu.memory_space<vmem>>) dst(%dma_wait3A_163 : memref<10000x128xf32, #tpu.memory_space<vmem_shared>>)
        tpu.yield
      }) : () -> ()
    } else {
    }
    %barrier3A = arith.constant 0 : index
    tpu.barrier barrier_id(%barrier3A)
    %add3A_10 = arith.constant 0 : i32
    %add3A_11 = arith.addi %mul3A_2, %add3A_10 : i32
    %dma_start3A = arith.constant 0 : i32
    %dma_start3A_12 = arith.constant 0 : i32
    %dma_start3A_13 = tpu.memref_slice %arg6[%dma_start3A, %dma_start3A_12] : memref<3x104xi32, #tpu.memory_space<vmem>> -> memref<1x104xi32, #tpu.memory_space<vmem>>
    %dma_start3A_14 = tpu.memref_squeeze %dma_start3A_13 : memref<1x104xi32, #tpu.memory_space<vmem>> -> memref<104xi32, #tpu.memory_space<vmem>>
    %dma_start3A_15 = tpu.memref_slice %arg3[%add3A_11] : memref<160000xi32, #tpu.memory_space<hbm>> -> memref<104xi32, #tpu.memory_space<hbm>>
    %dma_start3A_16 = arith.constant 0 : i32
    %dma_start3A_17 = tpu.memref_slice %arg6[%dma_start3A, %dma_start3A_16] : memref<3x104xi32, #tpu.memory_space<vmem>> -> memref<1x104xi32, #tpu.memory_space<vmem>>
    %dma_start3A_18 = tpu.memref_squeeze %dma_start3A_17 : memref<1x104xi32, #tpu.memory_space<vmem>> -> memref<104xi32, #tpu.memory_space<vmem>>
    %dma_start3A_19 = tpu.memref_slice %arg3[%add3A_11] : memref<160000xi32, #tpu.memory_space<hbm>> -> memref<104xi32, #tpu.memory_space<hbm>>
    tpu.enqueue_dma source(%dma_start3A_19 : memref<104xi32, #tpu.memory_space<hbm>>) target(%dma_start3A_18 : memref<104xi32, #tpu.memory_space<vmem>>) target_semaphore(%arg13 : memref<!tpu.dma_semaphore, #tpu.memory_space<semaphore_mem>>)
    %dma_start3A_20 = arith.constant 0 : i32
    %dma_start3A_21 = arith.constant 0 : i32
    %dma_start3A_22 = arith.constant 0 : i32
    %dma_start3A_23 = tpu.memref_slice %arg7[%dma_start3A_20, %dma_start3A_21, %dma_start3A_22] : memref<3x104x128xf32, #tpu.memory_space<vmem>> -> memref<1x104x128xf32, #tpu.memory_space<vmem>>
    %dma_start3A_24 = tpu.memref_squeeze %dma_start3A_23 : memref<1x104x128xf32, #tpu.memory_space<vmem>> -> memref<104x128xf32, #tpu.memory_space<vmem>>
    %dma_start3A_25 = arith.constant 0 : i32
    %dma_start3A_26 = tpu.memref_slice %arg2[%add3A_11, %dma_start3A_25] : memref<320000x128xf32, #tpu.memory_space<hbm>> -> memref<104x128xf32, #tpu.memory_space<hbm>>
    %dma_start3A_27 = arith.constant 0 : i32
    %dma_start3A_28 = arith.constant 0 : i32
    %dma_start3A_29 = tpu.memref_slice %arg7[%dma_start3A_20, %dma_start3A_27, %dma_start3A_28] : memref<3x104x128xf32, #tpu.memory_space<vmem>> -> memref<1x104x128xf32, #tpu.memory_space<vmem>>
    %dma_start3A_30 = tpu.memref_squeeze %dma_start3A_29 : memref<1x104x128xf32, #tpu.memory_space<vmem>> -> memref<104x128xf32, #tpu.memory_space<vmem>>
    %dma_start3A_31 = arith.constant 0 : i32
    %dma_start3A_32 = tpu.memref_slice %arg2[%add3A_11, %dma_start3A_31] : memref<320000x128xf32, #tpu.memory_space<hbm>> -> memref<104x128xf32, #tpu.memory_space<hbm>>
    tpu.enqueue_dma source(%dma_start3A_32 : memref<104x128xf32, #tpu.memory_space<hbm>>) target(%dma_start3A_30 : memref<104x128xf32, #tpu.memory_space<vmem>>) target_semaphore(%arg13 : memref<!tpu.dma_semaphore, #tpu.memory_space<semaphore_mem>>)
    %add3A_33 = arith.constant 104 : i32
    %add3A_34 = arith.addi %mul3A_2, %add3A_33 : i32
    %dma_start3A_35 = arith.constant 1 : i32
    %dma_start3A_36 = arith.constant 0 : i32
    %dma_start3A_37 = tpu.memref_slice %arg6[%dma_start3A_35, %dma_start3A_36] : memref<3x104xi32, #tpu.memory_space<vmem>> -> memref<1x104xi32, #tpu.memory_space<vmem>>
    %dma_start3A_38 = tpu.memref_squeeze %dma_start3A_37 : memref<1x104xi32, #tpu.memory_space<vmem>> -> memref<104xi32, #tpu.memory_space<vmem>>
    %dma_start3A_39 = tpu.memref_slice %arg3[%add3A_34] : memref<160000xi32, #tpu.memory_space<hbm>> -> memref<104xi32, #tpu.memory_space<hbm>>
    %dma_start3A_40 = arith.constant 0 : i32
    %dma_start3A_41 = tpu.memref_slice %arg6[%dma_start3A_35, %dma_start3A_40] : memref<3x104xi32, #tpu.memory_space<vmem>> -> memref<1x104xi32, #tpu.memory_space<vmem>>
    %dma_start3A_42 = tpu.memref_squeeze %dma_start3A_41 : memref<1x104xi32, #tpu.memory_space<vmem>> -> memref<104xi32, #tpu.memory_space<vmem>>
    %dma_start3A_43 = tpu.memref_slice %arg3[%add3A_34] : memref<160000xi32, #tpu.memory_space<hbm>> -> memref<104xi32, #tpu.memory_space<hbm>>
    tpu.enqueue_dma source(%dma_start3A_43 : memref<104xi32, #tpu.memory_space<hbm>>) target(%dma_start3A_42 : memref<104xi32, #tpu.memory_space<vmem>>) target_semaphore(%arg14 : memref<!tpu.dma_semaphore, #tpu.memory_space<semaphore_mem>>)
    %dma_start3A_44 = arith.constant 1 : i32
    %dma_start3A_45 = arith.constant 0 : i32
    %dma_start3A_46 = arith.constant 0 : i32
    %dma_start3A_47 = tpu.memref_slice %arg7[%dma_start3A_44, %dma_start3A_45, %dma_start3A_46] : memref<3x104x128xf32, #tpu.memory_space<vmem>> -> memref<1x104x128xf32, #tpu.memory_space<vmem>>
    %dma_start3A_48 = tpu.memref_squeeze %dma_start3A_47 : memref<1x104x128xf32, #tpu.memory_space<vmem>> -> memref<104x128xf32, #tpu.memory_space<vmem>>
    %dma_start3A_49 = arith.constant 0 : i32
    %dma_start3A_50 = tpu.memref_slice %arg2[%add3A_34, %dma_start3A_49] : memref<320000x128xf32, #tpu.memory_space<hbm>> -> memref<104x128xf32, #tpu.memory_space<hbm>>
    %dma_start3A_51 = arith.constant 0 : i32
    %dma_start3A_52 = arith.constant 0 : i32
    %dma_start3A_53 = tpu.memref_slice %arg7[%dma_start3A_44, %dma_start3A_51, %dma_start3A_52] : memref<3x104x128xf32, #tpu.memory_space<vmem>> -> memref<1x104x128xf32, #tpu.memory_space<vmem>>
    %dma_start3A_54 = tpu.memref_squeeze %dma_start3A_53 : memref<1x104x128xf32, #tpu.memory_space<vmem>> -> memref<104x128xf32, #tpu.memory_space<vmem>>
    %dma_start3A_55 = arith.constant 0 : i32
    %dma_start3A_56 = tpu.memref_slice %arg2[%add3A_34, %dma_start3A_55] : memref<320000x128xf32, #tpu.memory_space<hbm>> -> memref<104x128xf32, #tpu.memory_space<hbm>>
    tpu.enqueue_dma source(%dma_start3A_56 : memref<104x128xf32, #tpu.memory_space<hbm>>) target(%dma_start3A_54 : memref<104x128xf32, #tpu.memory_space<vmem>>) target_semaphore(%arg14 : memref<!tpu.dma_semaphore, #tpu.memory_space<semaphore_mem>>)
    %add3A_57 = arith.constant 208 : i32
    %add3A_58 = arith.addi %mul3A_2, %add3A_57 : i32
    %dma_start3A_59 = arith.constant 2 : i32
    %dma_start3A_60 = arith.constant 0 : i32
    %dma_start3A_61 = tpu.memref_slice %arg6[%dma_start3A_59, %dma_start3A_60] : memref<3x104xi32, #tpu.memory_space<vmem>> -> memref<1x104xi32, #tpu.memory_space<vmem>>
    %dma_start3A_62 = tpu.memref_squeeze %dma_start3A_61 : memref<1x104xi32, #tpu.memory_space<vmem>> -> memref<104xi32, #tpu.memory_space<vmem>>
    %dma_start3A_63 = tpu.memref_slice %arg3[%add3A_58] : memref<160000xi32, #tpu.memory_space<hbm>> -> memref<104xi32, #tpu.memory_space<hbm>>
    %dma_start3A_64 = arith.constant 0 : i32
    %dma_start3A_65 = tpu.memref_slice %arg6[%dma_start3A_59, %dma_start3A_64] : memref<3x104xi32, #tpu.memory_space<vmem>> -> memref<1x104xi32, #tpu.memory_space<vmem>>
    %dma_start3A_66 = tpu.memref_squeeze %dma_start3A_65 : memref<1x104xi32, #tpu.memory_space<vmem>> -> memref<104xi32, #tpu.memory_space<vmem>>
    %dma_start3A_67 = tpu.memref_slice %arg3[%add3A_58] : memref<160000xi32, #tpu.memory_space<hbm>> -> memref<104xi32, #tpu.memory_space<hbm>>
    tpu.enqueue_dma source(%dma_start3A_67 : memref<104xi32, #tpu.memory_space<hbm>>) target(%dma_start3A_66 : memref<104xi32, #tpu.memory_space<vmem>>) target_semaphore(%arg15 : memref<!tpu.dma_semaphore, #tpu.memory_space<semaphore_mem>>)
    %dma_start3A_68 = arith.constant 2 : i32
    %dma_start3A_69 = arith.constant 0 : i32
    %dma_start3A_70 = arith.constant 0 : i32
    %dma_start3A_71 = tpu.memref_slice %arg7[%dma_start3A_68, %dma_start3A_69, %dma_start3A_70] : memref<3x104x128xf32, #tpu.memory_space<vmem>> -> memref<1x104x128xf32, #tpu.memory_space<vmem>>
    %dma_start3A_72 = tpu.memref_squeeze %dma_start3A_71 : memref<1x104x128xf32, #tpu.memory_space<vmem>> -> memref<104x128xf32, #tpu.memory_space<vmem>>
    %dma_start3A_73 = arith.constant 0 : i32
    %dma_start3A_74 = tpu.memref_slice %arg2[%add3A_58, %dma_start3A_73] : memref<320000x128xf32, #tpu.memory_space<hbm>> -> memref<104x128xf32, #tpu.memory_space<hbm>>
    %dma_start3A_75 = arith.constant 0 : i32
    %dma_start3A_76 = arith.constant 0 : i32
    %dma_start3A_77 = tpu.memref_slice %arg7[%dma_start3A_68, %dma_start3A_75, %dma_start3A_76] : memref<3x104x128xf32, #tpu.memory_space<vmem>> -> memref<1x104x128xf32, #tpu.memory_space<vmem>>
    %dma_start3A_78 = tpu.memref_squeeze %dma_start3A_77 : memref<1x104x128xf32, #tpu.memory_space<vmem>> -> memref<104x128xf32, #tpu.memory_space<vmem>>
    %dma_start3A_79 = arith.constant 0 : i32
    %dma_start3A_80 = tpu.memref_slice %arg2[%add3A_58, %dma_start3A_79] : memref<320000x128xf32, #tpu.memory_space<hbm>> -> memref<104x128xf32, #tpu.memory_space<hbm>>
    tpu.enqueue_dma source(%dma_start3A_80 : memref<104x128xf32, #tpu.memory_space<hbm>>) target(%dma_start3A_78 : memref<104x128xf32, #tpu.memory_space<vmem>>) target_semaphore(%arg15 : memref<!tpu.dma_semaphore, #tpu.memory_space<semaphore_mem>>)
    %scan3A_81 = arith.constant 0 : i32
    %scan3A_82 = arith.constant 0 : i32
    %scan3A_83 = arith.constant 16 : i32
    %scan3A_84 = arith.addi %scan3A_82, %scan3A_83 : i32
    %scan3A_85 = arith.constant 1 : i32
    scf.for %scan3A_136 = %scan3A_82 to %scan3A_84 step %scan3A_85  : i32 {
      %mul3A_137 = arith.constant 3 : i32
      %mul3A_138 = arith.muli %scan3A_136, %mul3A_137 : i32
      %add3A_139 = arith.constant 0 : i32
      %add3A_140 = arith.addi %mul3A_138, %add3A_139 : i32
      %mul3A_141 = arith.constant 104 : i32
      %mul3A_142 = arith.muli %add3A_140, %mul3A_141 : i32
      %add3A_143 = arith.addi %mul3A_2, %mul3A_142 : i32
      %dma_wait3A_144 = arith.constant 0 : i32
      %dma_wait3A_145 = arith.constant 0 : i32
      %dma_wait3A_146 = tpu.memref_slice %arg6[%dma_wait3A_144, %dma_wait3A_145] : memref<3x104xi32, #tpu.memory_space<vmem>> -> memref<1x104xi32, #tpu.memory_space<vmem>>
      %dma_wait3A_147 = tpu.memref_squeeze %dma_wait3A_146 : memref<1x104xi32, #tpu.memory_space<vmem>> -> memref<104xi32, #tpu.memory_space<vmem>>
      %dma_wait3A_148 = tpu.memref_slice %arg3[%add3A_143] : memref<160000xi32, #tpu.memory_space<hbm>> -> memref<104xi32, #tpu.memory_space<hbm>>
      %dma_wait3A_149 = arith.constant 0 : i32
      %dma_wait3A_150 = tpu.memref_slice %arg6[%dma_wait3A_144, %dma_wait3A_149] : memref<3x104xi32, #tpu.memory_space<vmem>> -> memref<1x104xi32, #tpu.memory_space<vmem>>
      %dma_wait3A_151 = tpu.memref_squeeze %dma_wait3A_150 : memref<1x104xi32, #tpu.memory_space<vmem>> -> memref<104xi32, #tpu.memory_space<vmem>>
      %dma_wait3A_152 = tpu.memref_slice %arg3[%add3A_143] : memref<160000xi32, #tpu.memory_space<hbm>> -> memref<104xi32, #tpu.memory_space<hbm>>
      tpu.wait_dma2 semaphore(%arg13 : memref<!tpu.dma_semaphore, #tpu.memory_space<semaphore_mem>>) src(%dma_wait3A_152 : memref<104xi32, #tpu.memory_space<hbm>>) dst(%dma_wait3A_151 : memref<104xi32, #tpu.memory_space<vmem>>)
      %dma_wait3A_153 = arith.constant 0 : i32
      %dma_wait3A_154 = arith.constant 0 : i32
      %dma_wait3A_155 = arith.constant 0 : i32
      %dma_wait3A_156 = tpu.memref_slice %arg7[%dma_wait3A_153, %dma_wait3A_154, %dma_wait3A_155] : memref<3x104x128xf32, #tpu.memory_space<vmem>> -> memref<1x104x128xf32, #tpu.memory_space<vmem>>
      %dma_wait3A_157 = tpu.memref_squeeze %dma_wait3A_156 : memref<1x104x128xf32, #tpu.memory_space<vmem>> -> memref<104x128xf32, #tpu.memory_space<vmem>>
      %dma_wait3A_158 = arith.constant 0 : i32
      %dma_wait3A_159 = tpu.memref_slice %arg2[%add3A_143, %dma_wait3A_158] : memref<320000x128xf32, #tpu.memory_space<hbm>> -> memref<104x128xf32, #tpu.memory_space<hbm>>
      %dma_wait3A_160 = arith.constant 0 : i32
      %dma_wait3A_161 = arith.constant 0 : i32
      %dma_wait3A_162 = tpu.memref_slice %arg7[%dma_wait3A_153, %dma_wait3A_160, %dma_wait3A_161] : memref<3x104x128xf32, #tpu.memory_space<vmem>> -> memref<1x104x128xf32, #tpu.memory_space<vmem>>
      %dma_wait3A_163 = tpu.memref_squeeze %dma_wait3A_162 : memref<1x104x128xf32, #tpu.memory_space<vmem>> -> memref<104x128xf32, #tpu.memory_space<vmem>>
      %dma_wait3A_164 = arith.constant 0 : i32
      %dma_wait3A_165 = tpu.memref_slice %arg2[%add3A_143, %dma_wait3A_164] : memref<320000x128xf32, #tpu.memory_space<hbm>> -> memref<104x128xf32, #tpu.memory_space<hbm>>
      tpu.wait_dma2 semaphore(%arg13 : memref<!tpu.dma_semaphore, #tpu.memory_space<semaphore_mem>>) src(%dma_wait3A_165 : memref<104x128xf32, #tpu.memory_space<hbm>>) dst(%dma_wait3A_163 : memref<104x128xf32, #tpu.memory_space<vmem>>)
      %dma_start3A_166 = arith.constant 0 : i32
      %dma_start3A_167 = arith.constant 0 : i32
      %dma_start3A_168 = arith.constant 0 : i32
      %dma_start3A_169 = arith.constant 0 : i32
      %dma_start3A_170 = tpu.memref_slice %arg7[%dma_start3A_166, %dma_start3A_168, %dma_start3A_169] : memref<3x104x128xf32, #tpu.memory_space<vmem>> -> memref<1x104x128xf32, #tpu.memory_space<vmem>>
      %dma_start3A_171 = tpu.memref_squeeze %dma_start3A_170 : memref<1x104x128xf32, #tpu.memory_space<vmem>> -> memref<104x128xf32, #tpu.memory_space<vmem>>
      %dma_start3A_172 = arith.constant 0 : i32
      %dma_start3A_173 = tpu.memref_slice %arg6[%dma_start3A_167, %dma_start3A_172] : memref<3x104xi32, #tpu.memory_space<vmem>> -> memref<1x104xi32, #tpu.memory_space<vmem>>
      %dma_start3A_174 = tpu.memref_squeeze %dma_start3A_173 : memref<1x104xi32, #tpu.memory_space<vmem>> -> memref<104xi32, #tpu.memory_space<vmem>>
      %dma_start3A_175 = arith.constant 0 : i32
      %dma_start3A_176 = arith.constant 0 : i32
      %dma_start3A_177 = tpu.memref_slice %arg12[%dma_start3A_175, %dma_start3A_176] : memref<10000x128xf32, #tpu.memory_space<vmem_shared>> -> memref<10000x128xf32, #tpu.memory_space<vmem_shared>>
      tpu.enqueue_indirect_dma source(%dma_start3A_171 : memref<104x128xf32, #tpu.memory_space<vmem>>) target(%dma_start3A_177 : memref<10000x128xf32, #tpu.memory_space<vmem_shared>>) offsets(%dma_start3A_174 : memref<104xi32, #tpu.memory_space<vmem>>) semaphore(%arg16 : memref<!tpu.dma_semaphore, #tpu.memory_space<semaphore_mem>>) {add = true}
      %sub3A = arith.constant 2 : i32
      %sub3A_178 = arith.subi %add3A_140, %sub3A : i32
      %gt3A = arith.constant 0 : i32
      %gt3A_179 = arith.cmpi sgt, %scan3A_136, %gt3A : i32
      %convert_element_type3A_180 = arith.extui %gt3A_179 : i1 to i32
      %cond3A_181 = arith.constant 0 : i32
      %cond3A_182 = arith.cmpi ne, %convert_element_type3A_180, %cond3A_181 : i32
      scf.if %cond3A_182 {
        %dma_wait3A_278 = arith.constant 1 : i32
        %dma_wait3A_279 = arith.constant 1 : i32
        %dma_wait3A_280 = arith.constant 0 : i32
        %dma_wait3A_281 = arith.constant 0 : i32
        %dma_wait3A_282 = tpu.memref_slice %arg7[%dma_wait3A_278, %dma_wait3A_280, %dma_wait3A_281] : memref<3x104x128xf32, #tpu.memory_space<vmem>> -> memref<1x104x128xf32, #tpu.memory_space<vmem>>
        %dma_wait3A_283 = tpu.memref_squeeze %dma_wait3A_282 : memref<1x104x128xf32, #tpu.memory_space<vmem>> -> memref<104x128xf32, #tpu.memory_space<vmem>>
        %dma_wait3A_284 = arith.constant 0 : i32
        %dma_wait3A_285 = tpu.memref_slice %arg6[%dma_wait3A_279, %dma_wait3A_284] : memref<3x104xi32, #tpu.memory_space<vmem>> -> memref<1x104xi32, #tpu.memory_space<vmem>>
        %dma_wait3A_286 = tpu.memref_squeeze %dma_wait3A_285 : memref<1x104xi32, #tpu.memory_space<vmem>> -> memref<104xi32, #tpu.memory_space<vmem>>
        %dma_wait3A_287 = arith.constant 0 : i32
        %dma_wait3A_288 = arith.constant 0 : i32
        %dma_wait3A_289 = tpu.memref_slice %arg12[%dma_wait3A_287, %dma_wait3A_288] : memref<10000x128xf32, #tpu.memory_space<vmem_shared>> -> memref<10000x128xf32, #tpu.memory_space<vmem_shared>>
        tpu.wait_indirect_dma semaphore(%arg17 : memref<!tpu.dma_semaphore, #tpu.memory_space<semaphore_mem>>) src(%dma_wait3A_283 : memref<104x128xf32, #tpu.memory_space<vmem>>) dst(%dma_wait3A_289 : memref<10000x128xf32, #tpu.memory_space<vmem_shared>>)
        %add3A_290 = arith.constant 3 : i32
        %add3A_291 = arith.addi %sub3A_178, %add3A_290 : i32
        %mul3A_292 = arith.constant 104 : i32
        %mul3A_293 = arith.muli %add3A_291, %mul3A_292 : i32
        %add3A_294 = arith.addi %mul3A_2, %mul3A_293 : i32
        %dma_start3A_295 = arith.constant 1 : i32
        %dma_start3A_296 = arith.constant 0 : i32
        %dma_start3A_297 = tpu.memref_slice %arg6[%dma_start3A_295, %dma_start3A_296] : memref<3x104xi32, #tpu.memory_space<vmem>> -> memref<1x104xi32, #tpu.memory_space<vmem>>
        %dma_start3A_298 = tpu.memref_squeeze %dma_start3A_297 : memref<1x104xi32, #tpu.memory_space<vmem>> -> memref<104xi32, #tpu.memory_space<vmem>>
        %dma_start3A_299 = tpu.memref_slice %arg3[%add3A_294] : memref<160000xi32, #tpu.memory_space<hbm>> -> memref<104xi32, #tpu.memory_space<hbm>>
        %dma_start3A_300 = arith.constant 0 : i32
        %dma_start3A_301 = tpu.memref_slice %arg6[%dma_start3A_295, %dma_start3A_300] : memref<3x104xi32, #tpu.memory_space<vmem>> -> memref<1x104xi32, #tpu.memory_space<vmem>>
        %dma_start3A_302 = tpu.memref_squeeze %dma_start3A_301 : memref<1x104xi32, #tpu.memory_space<vmem>> -> memref<104xi32, #tpu.memory_space<vmem>>
        %dma_start3A_303 = tpu.memref_slice %arg3[%add3A_294] : memref<160000xi32, #tpu.memory_space<hbm>> -> memref<104xi32, #tpu.memory_space<hbm>>
        tpu.enqueue_dma source(%dma_start3A_303 : memref<104xi32, #tpu.memory_space<hbm>>) target(%dma_start3A_302 : memref<104xi32, #tpu.memory_space<vmem>>) target_semaphore(%arg14 : memref<!tpu.dma_semaphore, #tpu.memory_space<semaphore_mem>>)
        %dma_start3A_304 = arith.constant 1 : i32
        %dma_start3A_305 = arith.constant 0 : i32
        %dma_start3A_306 = arith.constant 0 : i32
        %dma_start3A_307 = tpu.memref_slice %arg7[%dma_start3A_304, %dma_start3A_305, %dma_start3A_306] : memref<3x104x128xf32, #tpu.memory_space<vmem>> -> memref<1x104x128xf32, #tpu.memory_space<vmem>>
        %dma_start3A_308 = tpu.memref_squeeze %dma_start3A_307 : memref<1x104x128xf32, #tpu.memory_space<vmem>> -> memref<104x128xf32, #tpu.memory_space<vmem>>
        %dma_start3A_309 = arith.constant 0 : i32
        %dma_start3A_310 = tpu.memref_slice %arg2[%add3A_294, %dma_start3A_309] : memref<320000x128xf32, #tpu.memory_space<hbm>> -> memref<104x128xf32, #tpu.memory_space<hbm>>
        %dma_start3A_311 = arith.constant 0 : i32
        %dma_start3A_312 = arith.constant 0 : i32
        %dma_start3A_313 = tpu.memref_slice %arg7[%dma_start3A_304, %dma_start3A_311, %dma_start3A_312] : memref<3x104x128xf32, #tpu.memory_space<vmem>> -> memref<1x104x128xf32, #tpu.memory_space<vmem>>
        %dma_start3A_314 = tpu.memref_squeeze %dma_start3A_313 : memref<1x104x128xf32, #tpu.memory_space<vmem>> -> memref<104x128xf32, #tpu.memory_space<vmem>>
        %dma_start3A_315 = arith.constant 0 : i32
        %dma_start3A_316 = tpu.memref_slice %arg2[%add3A_294, %dma_start3A_315] : memref<320000x128xf32, #tpu.memory_space<hbm>> -> memref<104x128xf32, #tpu.memory_space<hbm>>
        tpu.enqueue_dma source(%dma_start3A_316 : memref<104x128xf32, #tpu.memory_space<hbm>>) target(%dma_start3A_314 : memref<104x128xf32, #tpu.memory_space<vmem>>) target_semaphore(%arg14 : memref<!tpu.dma_semaphore, #tpu.memory_space<semaphore_mem>>)
      } else {
      }
      %mul3A_183 = arith.constant 3 : i32
      %mul3A_184 = arith.muli %scan3A_136, %mul3A_183 : i32
      %add3A_185 = arith.constant 1 : i32
      %add3A_186 = arith.addi %mul3A_184, %add3A_185 : i32
      %mul3A_187 = arith.constant 104 : i32
      %mul3A_188 = arith.muli %add3A_186, %mul3A_187 : i32
      %add3A_189 = arith.addi %mul3A_2, %mul3A_188 : i32
      %dma_wait3A_190 = arith.constant 1 : i32
      %dma_wait3A_191 = arith.constant 0 : i32
      %dma_wait3A_192 = tpu.memref_slice %arg6[%dma_wait3A_190, %dma_wait3A_191] : memref<3x104xi32, #tpu.memory_space<vmem>> -> memref<1x104xi32, #tpu.memory_space<vmem>>
      %dma_wait3A_193 = tpu.memref_squeeze %dma_wait3A_192 : memref<1x104xi32, #tpu.memory_space<vmem>> -> memref<104xi32, #tpu.memory_space<vmem>>
      %dma_wait3A_194 = tpu.memref_slice %arg3[%add3A_189] : memref<160000xi32, #tpu.memory_space<hbm>> -> memref<104xi32, #tpu.memory_space<hbm>>
      %dma_wait3A_195 = arith.constant 0 : i32
      %dma_wait3A_196 = tpu.memref_slice %arg6[%dma_wait3A_190, %dma_wait3A_195] : memref<3x104xi32, #tpu.memory_space<vmem>> -> memref<1x104xi32, #tpu.memory_space<vmem>>
      %dma_wait3A_197 = tpu.memref_squeeze %dma_wait3A_196 : memref<1x104xi32, #tpu.memory_space<vmem>> -> memref<104xi32, #tpu.memory_space<vmem>>
      %dma_wait3A_198 = tpu.memref_slice %arg3[%add3A_189] : memref<160000xi32, #tpu.memory_space<hbm>> -> memref<104xi32, #tpu.memory_space<hbm>>
      tpu.wait_dma2 semaphore(%arg14 : memref<!tpu.dma_semaphore, #tpu.memory_space<semaphore_mem>>) src(%dma_wait3A_198 : memref<104xi32, #tpu.memory_space<hbm>>) dst(%dma_wait3A_197 : memref<104xi32, #tpu.memory_space<vmem>>)
      %dma_wait3A_199 = arith.constant 1 : i32
      %dma_wait3A_200 = arith.constant 0 : i32
      %dma_wait3A_201 = arith.constant 0 : i32
      %dma_wait3A_202 = tpu.memref_slice %arg7[%dma_wait3A_199, %dma_wait3A_200, %dma_wait3A_201] : memref<3x104x128xf32, #tpu.memory_space<vmem>> -> memref<1x104x128xf32, #tpu.memory_space<vmem>>
      %dma_wait3A_203 = tpu.memref_squeeze %dma_wait3A_202 : memref<1x104x128xf32, #tpu.memory_space<vmem>> -> memref<104x128xf32, #tpu.memory_space<vmem>>
      %dma_wait3A_204 = arith.constant 0 : i32
      %dma_wait3A_205 = tpu.memref_slice %arg2[%add3A_189, %dma_wait3A_204] : memref<320000x128xf32, #tpu.memory_space<hbm>> -> memref<104x128xf32, #tpu.memory_space<hbm>>
      %dma_wait3A_206 = arith.constant 0 : i32
      %dma_wait3A_207 = arith.constant 0 : i32
      %dma_wait3A_208 = tpu.memref_slice %arg7[%dma_wait3A_199, %dma_wait3A_206, %dma_wait3A_207] : memref<3x104x128xf32, #tpu.memory_space<vmem>> -> memref<1x104x128xf32, #tpu.memory_space<vmem>>
      %dma_wait3A_209 = tpu.memref_squeeze %dma_wait3A_208 : memref<1x104x128xf32, #tpu.memory_space<vmem>> -> memref<104x128xf32, #tpu.memory_space<vmem>>
      %dma_wait3A_210 = arith.constant 0 : i32
      %dma_wait3A_211 = tpu.memref_slice %arg2[%add3A_189, %dma_wait3A_210] : memref<320000x128xf32, #tpu.memory_space<hbm>> -> memref<104x128xf32, #tpu.memory_space<hbm>>
      tpu.wait_dma2 semaphore(%arg14 : memref<!tpu.dma_semaphore, #tpu.memory_space<semaphore_mem>>) src(%dma_wait3A_211 : memref<104x128xf32, #tpu.memory_space<hbm>>) dst(%dma_wait3A_209 : memref<104x128xf32, #tpu.memory_space<vmem>>)
      %dma_start3A_212 = arith.constant 1 : i32
      %dma_start3A_213 = arith.constant 1 : i32
      %dma_start3A_214 = arith.constant 0 : i32
      %dma_start3A_215 = arith.constant 0 : i32
      %dma_start3A_216 = tpu.memref_slice %arg7[%dma_start3A_212, %dma_start3A_214, %dma_start3A_215] : memref<3x104x128xf32, #tpu.memory_space<vmem>> -> memref<1x104x128xf32, #tpu.memory_space<vmem>>
      %dma_start3A_217 = tpu.memref_squeeze %dma_start3A_216 : memref<1x104x128xf32, #tpu.memory_space<vmem>> -> memref<104x128xf32, #tpu.memory_space<vmem>>
      %dma_start3A_218 = arith.constant 0 : i32
      %dma_start3A_219 = tpu.memref_slice %arg6[%dma_start3A_213, %dma_start3A_218] : memref<3x104xi32, #tpu.memory_space<vmem>> -> memref<1x104xi32, #tpu.memory_space<vmem>>
      %dma_start3A_220 = tpu.memref_squeeze %dma_start3A_219 : memref<1x104xi32, #tpu.memory_space<vmem>> -> memref<104xi32, #tpu.memory_space<vmem>>
      %dma_start3A_221 = arith.constant 0 : i32
      %dma_start3A_222 = arith.constant 0 : i32
      %dma_start3A_223 = tpu.memref_slice %arg12[%dma_start3A_221, %dma_start3A_222] : memref<10000x128xf32, #tpu.memory_space<vmem_shared>> -> memref<10000x128xf32, #tpu.memory_space<vmem_shared>>
      tpu.enqueue_indirect_dma source(%dma_start3A_217 : memref<104x128xf32, #tpu.memory_space<vmem>>) target(%dma_start3A_223 : memref<10000x128xf32, #tpu.memory_space<vmem_shared>>) offsets(%dma_start3A_220 : memref<104xi32, #tpu.memory_space<vmem>>) semaphore(%arg17 : memref<!tpu.dma_semaphore, #tpu.memory_space<semaphore_mem>>) {add = true}
      %sub3A_224 = arith.constant 2 : i32
      %sub3A_225 = arith.subi %add3A_186, %sub3A_224 : i32
      %gt3A_226 = arith.constant 0 : i32
      %gt3A_227 = arith.cmpi sgt, %scan3A_136, %gt3A_226 : i32
      %convert_element_type3A_228 = arith.extui %gt3A_227 : i1 to i32
      %cond3A_229 = arith.constant 0 : i32
      %cond3A_230 = arith.cmpi ne, %convert_element_type3A_228, %cond3A_229 : i32
      scf.if %cond3A_230 {
        %dma_wait3A_278 = arith.constant 2 : i32
        %dma_wait3A_279 = arith.constant 2 : i32
        %dma_wait3A_280 = arith.constant 0 : i32
        %dma_wait3A_281 = arith.constant 0 : i32
        %dma_wait3A_282 = tpu.memref_slice %arg7[%dma_wait3A_278, %dma_wait3A_280, %dma_wait3A_281] : memref<3x104x128xf32, #tpu.memory_space<vmem>> -> memref<1x104x128xf32, #tpu.memory_space<vmem>>
        %dma_wait3A_283 = tpu.memref_squeeze %dma_wait3A_282 : memref<1x104x128xf32, #tpu.memory_space<vmem>> -> memref<104x128xf32, #tpu.memory_space<vmem>>
        %dma_wait3A_284 = arith.constant 0 : i32
        %dma_wait3A_285 = tpu.memref_slice %arg6[%dma_wait3A_279, %dma_wait3A_284] : memref<3x104xi32, #tpu.memory_space<vmem>> -> memref<1x104xi32, #tpu.memory_space<vmem>>
        %dma_wait3A_286 = tpu.memref_squeeze %dma_wait3A_285 : memref<1x104xi32, #tpu.memory_space<vmem>> -> memref<104xi32, #tpu.memory_space<vmem>>
        %dma_wait3A_287 = arith.constant 0 : i32
        %dma_wait3A_288 = arith.constant 0 : i32
        %dma_wait3A_289 = tpu.memref_slice %arg12[%dma_wait3A_287, %dma_wait3A_288] : memref<10000x128xf32, #tpu.memory_space<vmem_shared>> -> memref<10000x128xf32, #tpu.memory_space<vmem_shared>>
        tpu.wait_indirect_dma semaphore(%arg18 : memref<!tpu.dma_semaphore, #tpu.memory_space<semaphore_mem>>) src(%dma_wait3A_283 : memref<104x128xf32, #tpu.memory_space<vmem>>) dst(%dma_wait3A_289 : memref<10000x128xf32, #tpu.memory_space<vmem_shared>>)
        %add3A_290 = arith.constant 3 : i32
        %add3A_291 = arith.addi %sub3A_225, %add3A_290 : i32
        %mul3A_292 = arith.constant 104 : i32
        %mul3A_293 = arith.muli %add3A_291, %mul3A_292 : i32
        %add3A_294 = arith.addi %mul3A_2, %mul3A_293 : i32
        %dma_start3A_295 = arith.constant 2 : i32
        %dma_start3A_296 = arith.constant 0 : i32
        %dma_start3A_297 = tpu.memref_slice %arg6[%dma_start3A_295, %dma_start3A_296] : memref<3x104xi32, #tpu.memory_space<vmem>> -> memref<1x104xi32, #tpu.memory_space<vmem>>
        %dma_start3A_298 = tpu.memref_squeeze %dma_start3A_297 : memref<1x104xi32, #tpu.memory_space<vmem>> -> memref<104xi32, #tpu.memory_space<vmem>>
        %dma_start3A_299 = tpu.memref_slice %arg3[%add3A_294] : memref<160000xi32, #tpu.memory_space<hbm>> -> memref<104xi32, #tpu.memory_space<hbm>>
        %dma_start3A_300 = arith.constant 0 : i32
        %dma_start3A_301 = tpu.memref_slice %arg6[%dma_start3A_295, %dma_start3A_300] : memref<3x104xi32, #tpu.memory_space<vmem>> -> memref<1x104xi32, #tpu.memory_space<vmem>>
        %dma_start3A_302 = tpu.memref_squeeze %dma_start3A_301 : memref<1x104xi32, #tpu.memory_space<vmem>> -> memref<104xi32, #tpu.memory_space<vmem>>
        %dma_start3A_303 = tpu.memref_slice %arg3[%add3A_294] : memref<160000xi32, #tpu.memory_space<hbm>> -> memref<104xi32, #tpu.memory_space<hbm>>
        tpu.enqueue_dma source(%dma_start3A_303 : memref<104xi32, #tpu.memory_space<hbm>>) target(%dma_start3A_302 : memref<104xi32, #tpu.memory_space<vmem>>) target_semaphore(%arg15 : memref<!tpu.dma_semaphore, #tpu.memory_space<semaphore_mem>>)
        %dma_start3A_304 = arith.constant 2 : i32
        %dma_start3A_305 = arith.constant 0 : i32
        %dma_start3A_306 = arith.constant 0 : i32
        %dma_start3A_307 = tpu.memref_slice %arg7[%dma_start3A_304, %dma_start3A_305, %dma_start3A_306] : memref<3x104x128xf32, #tpu.memory_space<vmem>> -> memref<1x104x128xf32, #tpu.memory_space<vmem>>
        %dma_start3A_308 = tpu.memref_squeeze %dma_start3A_307 : memref<1x104x128xf32, #tpu.memory_space<vmem>> -> memref<104x128xf32, #tpu.memory_space<vmem>>
        %dma_start3A_309 = arith.constant 0 : i32
        %dma_start3A_310 = tpu.memref_slice %arg2[%add3A_294, %dma_start3A_309] : memref<320000x128xf32, #tpu.memory_space<hbm>> -> memref<104x128xf32, #tpu.memory_space<hbm>>
        %dma_start3A_311 = arith.constant 0 : i32
        %dma_start3A_312 = arith.constant 0 : i32
        %dma_start3A_313 = tpu.memref_slice %arg7[%dma_start3A_304, %dma_start3A_311, %dma_start3A_312] : memref<3x104x128xf32, #tpu.memory_space<vmem>> -> memref<1x104x128xf32, #tpu.memory_space<vmem>>
        %dma_start3A_314 = tpu.memref_squeeze %dma_start3A_313 : memref<1x104x128xf32, #tpu.memory_space<vmem>> -> memref<104x128xf32, #tpu.memory_space<vmem>>
        %dma_start3A_315 = arith.constant 0 : i32
        %dma_start3A_316 = tpu.memref_slice %arg2[%add3A_294, %dma_start3A_315] : memref<320000x128xf32, #tpu.memory_space<hbm>> -> memref<104x128xf32, #tpu.memory_space<hbm>>
        tpu.enqueue_dma source(%dma_start3A_316 : memref<104x128xf32, #tpu.memory_space<hbm>>) target(%dma_start3A_314 : memref<104x128xf32, #tpu.memory_space<vmem>>) target_semaphore(%arg15 : memref<!tpu.dma_semaphore, #tpu.memory_space<semaphore_mem>>)
      } else {
      }
      %mul3A_231 = arith.constant 3 : i32
      %mul3A_232 = arith.muli %scan3A_136, %mul3A_231 : i32
      %add3A_233 = arith.constant 2 : i32
      %add3A_234 = arith.addi %mul3A_232, %add3A_233 : i32
      %mul3A_235 = arith.constant 104 : i32
      %mul3A_236 = arith.muli %add3A_234, %mul3A_235 : i32
      %add3A_237 = arith.addi %mul3A_2, %mul3A_236 : i32
      %dma_wait3A_238 = arith.constant 2 : i32
      %dma_wait3A_239 = arith.constant 0 : i32
      %dma_wait3A_240 = tpu.memref_slice %arg6[%dma_wait3A_238, %dma_wait3A_239] : memref<3x104xi32, #tpu.memory_space<vmem>> -> memref<1x104xi32, #tpu.memory_space<vmem>>
      %dma_wait3A_241 = tpu.memref_squeeze %dma_wait3A_240 : memref<1x104xi32, #tpu.memory_space<vmem>> -> memref<104xi32, #tpu.memory_space<vmem>>
      %dma_wait3A_242 = tpu.memref_slice %arg3[%add3A_237] : memref<160000xi32, #tpu.memory_space<hbm>> -> memref<104xi32, #tpu.memory_space<hbm>>
      %dma_wait3A_243 = arith.constant 0 : i32
      %dma_wait3A_244 = tpu.memref_slice %arg6[%dma_wait3A_238, %dma_wait3A_243] : memref<3x104xi32, #tpu.memory_space<vmem>> -> memref<1x104xi32, #tpu.memory_space<vmem>>
      %dma_wait3A_245 = tpu.memref_squeeze %dma_wait3A_244 : memref<1x104xi32, #tpu.memory_space<vmem>> -> memref<104xi32, #tpu.memory_space<vmem>>
      %dma_wait3A_246 = tpu.memref_slice %arg3[%add3A_237] : memref<160000xi32, #tpu.memory_space<hbm>> -> memref<104xi32, #tpu.memory_space<hbm>>
      tpu.wait_dma2 semaphore(%arg15 : memref<!tpu.dma_semaphore, #tpu.memory_space<semaphore_mem>>) src(%dma_wait3A_246 : memref<104xi32, #tpu.memory_space<hbm>>) dst(%dma_wait3A_245 : memref<104xi32, #tpu.memory_space<vmem>>)
      %dma_wait3A_247 = arith.constant 2 : i32
      %dma_wait3A_248 = arith.constant 0 : i32
      %dma_wait3A_249 = arith.constant 0 : i32
      %dma_wait3A_250 = tpu.memref_slice %arg7[%dma_wait3A_247, %dma_wait3A_248, %dma_wait3A_249] : memref<3x104x128xf32, #tpu.memory_space<vmem>> -> memref<1x104x128xf32, #tpu.memory_space<vmem>>
      %dma_wait3A_251 = tpu.memref_squeeze %dma_wait3A_250 : memref<1x104x128xf32, #tpu.memory_space<vmem>> -> memref<104x128xf32, #tpu.memory_space<vmem>>
      %dma_wait3A_252 = arith.constant 0 : i32
      %dma_wait3A_253 = tpu.memref_slice %arg2[%add3A_237, %dma_wait3A_252] : memref<320000x128xf32, #tpu.memory_space<hbm>> -> memref<104x128xf32, #tpu.memory_space<hbm>>
      %dma_wait3A_254 = arith.constant 0 : i32
      %dma_wait3A_255 = arith.constant 0 : i32
      %dma_wait3A_256 = tpu.memref_slice %arg7[%dma_wait3A_247, %dma_wait3A_254, %dma_wait3A_255] : memref<3x104x128xf32, #tpu.memory_space<vmem>> -> memref<1x104x128xf32, #tpu.memory_space<vmem>>
      %dma_wait3A_257 = tpu.memref_squeeze %dma_wait3A_256 : memref<1x104x128xf32, #tpu.memory_space<vmem>> -> memref<104x128xf32, #tpu.memory_space<vmem>>
      %dma_wait3A_258 = arith.constant 0 : i32
      %dma_wait3A_259 = tpu.memref_slice %arg2[%add3A_237, %dma_wait3A_258] : memref<320000x128xf32, #tpu.memory_space<hbm>> -> memref<104x128xf32, #tpu.memory_space<hbm>>
      tpu.wait_dma2 semaphore(%arg15 : memref<!tpu.dma_semaphore, #tpu.memory_space<semaphore_mem>>) src(%dma_wait3A_259 : memref<104x128xf32, #tpu.memory_space<hbm>>) dst(%dma_wait3A_257 : memref<104x128xf32, #tpu.memory_space<vmem>>)
      %dma_start3A_260 = arith.constant 2 : i32
      %dma_start3A_261 = arith.constant 2 : i32
      %dma_start3A_262 = arith.constant 0 : i32
      %dma_start3A_263 = arith.constant 0 : i32
      %dma_start3A_264 = tpu.memref_slice %arg7[%dma_start3A_260, %dma_start3A_262, %dma_start3A_263] : memref<3x104x128xf32, #tpu.memory_space<vmem>> -> memref<1x104x128xf32, #tpu.memory_space<vmem>>
      %dma_start3A_265 = tpu.memref_squeeze %dma_start3A_264 : memref<1x104x128xf32, #tpu.memory_space<vmem>> -> memref<104x128xf32, #tpu.memory_space<vmem>>
      %dma_start3A_266 = arith.constant 0 : i32
      %dma_start3A_267 = tpu.memref_slice %arg6[%dma_start3A_261, %dma_start3A_266] : memref<3x104xi32, #tpu.memory_space<vmem>> -> memref<1x104xi32, #tpu.memory_space<vmem>>
      %dma_start3A_268 = tpu.memref_squeeze %dma_start3A_267 : memref<1x104xi32, #tpu.memory_space<vmem>> -> memref<104xi32, #tpu.memory_space<vmem>>
      %dma_start3A_269 = arith.constant 0 : i32
      %dma_start3A_270 = arith.constant 0 : i32
      %dma_start3A_271 = tpu.memref_slice %arg12[%dma_start3A_269, %dma_start3A_270] : memref<10000x128xf32, #tpu.memory_space<vmem_shared>> -> memref<10000x128xf32, #tpu.memory_space<vmem_shared>>
      tpu.enqueue_indirect_dma source(%dma_start3A_265 : memref<104x128xf32, #tpu.memory_space<vmem>>) target(%dma_start3A_271 : memref<10000x128xf32, #tpu.memory_space<vmem_shared>>) offsets(%dma_start3A_268 : memref<104xi32, #tpu.memory_space<vmem>>) semaphore(%arg18 : memref<!tpu.dma_semaphore, #tpu.memory_space<semaphore_mem>>) {add = true}
      %sub3A_272 = arith.constant 2 : i32
      %sub3A_273 = arith.subi %add3A_234, %sub3A_272 : i32
      %lt3A = arith.constant 15 : i32
      %lt3A_274 = arith.cmpi slt, %scan3A_136, %lt3A : i32
      %convert_element_type3A_275 = arith.extui %lt3A_274 : i1 to i32
      %cond3A_276 = arith.constant 0 : i32
      %cond3A_277 = arith.cmpi ne, %convert_element_type3A_275, %cond3A_276 : i32
      scf.if %cond3A_277 {
        %dma_wait3A_278 = arith.constant 0 : i32
        %dma_wait3A_279 = arith.constant 0 : i32
        %dma_wait3A_280 = arith.constant 0 : i32
        %dma_wait3A_281 = arith.constant 0 : i32
        %dma_wait3A_282 = tpu.memref_slice %arg7[%dma_wait3A_278, %dma_wait3A_280, %dma_wait3A_281] : memref<3x104x128xf32, #tpu.memory_space<vmem>> -> memref<1x104x128xf32, #tpu.memory_space<vmem>>
        %dma_wait3A_283 = tpu.memref_squeeze %dma_wait3A_282 : memref<1x104x128xf32, #tpu.memory_space<vmem>> -> memref<104x128xf32, #tpu.memory_space<vmem>>
        %dma_wait3A_284 = arith.constant 0 : i32
        %dma_wait3A_285 = tpu.memref_slice %arg6[%dma_wait3A_279, %dma_wait3A_284] : memref<3x104xi32, #tpu.memory_space<vmem>> -> memref<1x104xi32, #tpu.memory_space<vmem>>
        %dma_wait3A_286 = tpu.memref_squeeze %dma_wait3A_285 : memref<1x104xi32, #tpu.memory_space<vmem>> -> memref<104xi32, #tpu.memory_space<vmem>>
        %dma_wait3A_287 = arith.constant 0 : i32
        %dma_wait3A_288 = arith.constant 0 : i32
        %dma_wait3A_289 = tpu.memref_slice %arg12[%dma_wait3A_287, %dma_wait3A_288] : memref<10000x128xf32, #tpu.memory_space<vmem_shared>> -> memref<10000x128xf32, #tpu.memory_space<vmem_shared>>
        tpu.wait_indirect_dma semaphore(%arg16 : memref<!tpu.dma_semaphore, #tpu.memory_space<semaphore_mem>>) src(%dma_wait3A_283 : memref<104x128xf32, #tpu.memory_space<vmem>>) dst(%dma_wait3A_289 : memref<10000x128xf32, #tpu.memory_space<vmem_shared>>)
        %add3A_290 = arith.constant 3 : i32
        %add3A_291 = arith.addi %sub3A_273, %add3A_290 : i32
        %mul3A_292 = arith.constant 104 : i32
        %mul3A_293 = arith.muli %add3A_291, %mul3A_292 : i32
        %add3A_294 = arith.addi %mul3A_2, %mul3A_293 : i32
        %dma_start3A_295 = arith.constant 0 : i32
        %dma_start3A_296 = arith.constant 0 : i32
        %dma_start3A_297 = tpu.memref_slice %arg6[%dma_start3A_295, %dma_start3A_296] : memref<3x104xi32, #tpu.memory_space<vmem>> -> memref<1x104xi32, #tpu.memory_space<vmem>>
        %dma_start3A_298 = tpu.memref_squeeze %dma_start3A_297 : memref<1x104xi32, #tpu.memory_space<vmem>> -> memref<104xi32, #tpu.memory_space<vmem>>
        %dma_start3A_299 = tpu.memref_slice %arg3[%add3A_294] : memref<160000xi32, #tpu.memory_space<hbm>> -> memref<104xi32, #tpu.memory_space<hbm>>
        %dma_start3A_300 = arith.constant 0 : i32
        %dma_start3A_301 = tpu.memref_slice %arg6[%dma_start3A_295, %dma_start3A_300] : memref<3x104xi32, #tpu.memory_space<vmem>> -> memref<1x104xi32, #tpu.memory_space<vmem>>
        %dma_start3A_302 = tpu.memref_squeeze %dma_start3A_301 : memref<1x104xi32, #tpu.memory_space<vmem>> -> memref<104xi32, #tpu.memory_space<vmem>>
        %dma_start3A_303 = tpu.memref_slice %arg3[%add3A_294] : memref<160000xi32, #tpu.memory_space<hbm>> -> memref<104xi32, #tpu.memory_space<hbm>>
        tpu.enqueue_dma source(%dma_start3A_303 : memref<104xi32, #tpu.memory_space<hbm>>) target(%dma_start3A_302 : memref<104xi32, #tpu.memory_space<vmem>>) target_semaphore(%arg13 : memref<!tpu.dma_semaphore, #tpu.memory_space<semaphore_mem>>)
        %dma_start3A_304 = arith.constant 0 : i32
        %dma_start3A_305 = arith.constant 0 : i32
        %dma_start3A_306 = arith.constant 0 : i32
        %dma_start3A_307 = tpu.memref_slice %arg7[%dma_start3A_304, %dma_start3A_305, %dma_start3A_306] : memref<3x104x128xf32, #tpu.memory_space<vmem>> -> memref<1x104x128xf32, #tpu.memory_space<vmem>>
        %dma_start3A_308 = tpu.memref_squeeze %dma_start3A_307 : memref<1x104x128xf32, #tpu.memory_space<vmem>> -> memref<104x128xf32, #tpu.memory_space<vmem>>
        %dma_start3A_309 = arith.constant 0 : i32
        %dma_start3A_310 = tpu.memref_slice %arg2[%add3A_294, %dma_start3A_309] : memref<320000x128xf32, #tpu.memory_space<hbm>> -> memref<104x128xf32, #tpu.memory_space<hbm>>
        %dma_start3A_311 = arith.constant 0 : i32
        %dma_start3A_312 = arith.constant 0 : i32
        %dma_start3A_313 = tpu.memref_slice %arg7[%dma_start3A_304, %dma_start3A_311, %dma_start3A_312] : memref<3x104x128xf32, #tpu.memory_space<vmem>> -> memref<1x104x128xf32, #tpu.memory_space<vmem>>
        %dma_start3A_314 = tpu.memref_squeeze %dma_start3A_313 : memref<1x104x128xf32, #tpu.memory_space<vmem>> -> memref<104x128xf32, #tpu.memory_space<vmem>>
        %dma_start3A_315 = arith.constant 0 : i32
        %dma_start3A_316 = tpu.memref_slice %arg2[%add3A_294, %dma_start3A_315] : memref<320000x128xf32, #tpu.memory_space<hbm>> -> memref<104x128xf32, #tpu.memory_space<hbm>>
        tpu.enqueue_dma source(%dma_start3A_316 : memref<104x128xf32, #tpu.memory_space<hbm>>) target(%dma_start3A_314 : memref<104x128xf32, #tpu.memory_space<vmem>>) target_semaphore(%arg13 : memref<!tpu.dma_semaphore, #tpu.memory_space<semaphore_mem>>)
      } else {
      }
    }
    %scan3A_86 = arith.constant 16 : i32
    %dma_wait3A = arith.constant 0 : i32
    %dma_wait3A_87 = arith.constant 0 : i32
    %dma_wait3A_88 = arith.constant 0 : i32
    %dma_wait3A_89 = arith.constant 0 : i32
    %dma_wait3A_90 = tpu.memref_slice %arg7[%dma_wait3A, %dma_wait3A_88, %dma_wait3A_89] : memref<3x104x128xf32, #tpu.memory_space<vmem>> -> memref<1x104x128xf32, #tpu.memory_space<vmem>>
    %dma_wait3A_91 = tpu.memref_squeeze %dma_wait3A_90 : memref<1x104x128xf32, #tpu.memory_space<vmem>> -> memref<104x128xf32, #tpu.memory_space<vmem>>
    %dma_wait3A_92 = arith.constant 0 : i32
    %dma_wait3A_93 = tpu.memref_slice %arg6[%dma_wait3A_87, %dma_wait3A_92] : memref<3x104xi32, #tpu.memory_space<vmem>> -> memref<1x104xi32, #tpu.memory_space<vmem>>
    %dma_wait3A_94 = tpu.memref_squeeze %dma_wait3A_93 : memref<1x104xi32, #tpu.memory_space<vmem>> -> memref<104xi32, #tpu.memory_space<vmem>>
    %dma_wait3A_95 = arith.constant 0 : i32
    %dma_wait3A_96 = arith.constant 0 : i32
    %dma_wait3A_97 = tpu.memref_slice %arg12[%dma_wait3A_95, %dma_wait3A_96] : memref<10000x128xf32, #tpu.memory_space<vmem_shared>> -> memref<10000x128xf32, #tpu.memory_space<vmem_shared>>
    tpu.wait_indirect_dma semaphore(%arg16 : memref<!tpu.dma_semaphore, #tpu.memory_space<semaphore_mem>>) src(%dma_wait3A_91 : memref<104x128xf32, #tpu.memory_space<vmem>>) dst(%dma_wait3A_97 : memref<10000x128xf32, #tpu.memory_space<vmem_shared>>)
    %dma_wait3A_98 = arith.constant 1 : i32
    %dma_wait3A_99 = arith.constant 1 : i32
    %dma_wait3A_100 = arith.constant 0 : i32
    %dma_wait3A_101 = arith.constant 0 : i32
    %dma_wait3A_102 = tpu.memref_slice %arg7[%dma_wait3A_98, %dma_wait3A_100, %dma_wait3A_101] : memref<3x104x128xf32, #tpu.memory_space<vmem>> -> memref<1x104x128xf32, #tpu.memory_space<vmem>>
    %dma_wait3A_103 = tpu.memref_squeeze %dma_wait3A_102 : memref<1x104x128xf32, #tpu.memory_space<vmem>> -> memref<104x128xf32, #tpu.memory_space<vmem>>
    %dma_wait3A_104 = arith.constant 0 : i32
    %dma_wait3A_105 = tpu.memref_slice %arg6[%dma_wait3A_99, %dma_wait3A_104] : memref<3x104xi32, #tpu.memory_space<vmem>> -> memref<1x104xi32, #tpu.memory_space<vmem>>
    %dma_wait3A_106 = tpu.memref_squeeze %dma_wait3A_105 : memref<1x104xi32, #tpu.memory_space<vmem>> -> memref<104xi32, #tpu.memory_space<vmem>>
    %dma_wait3A_107 = arith.constant 0 : i32
    %dma_wait3A_108 = arith.constant 0 : i32
    %dma_wait3A_109 = tpu.memref_slice %arg12[%dma_wait3A_107, %dma_wait3A_108] : memref<10000x128xf32, #tpu.memory_space<vmem_shared>> -> memref<10000x128xf32, #tpu.memory_space<vmem_shared>>
    tpu.wait_indirect_dma semaphore(%arg17 : memref<!tpu.dma_semaphore, #tpu.memory_space<semaphore_mem>>) src(%dma_wait3A_103 : memref<104x128xf32, #tpu.memory_space<vmem>>) dst(%dma_wait3A_109 : memref<10000x128xf32, #tpu.memory_space<vmem_shared>>)
    %dma_wait3A_110 = arith.constant 2 : i32
    %dma_wait3A_111 = arith.constant 2 : i32
    %dma_wait3A_112 = arith.constant 0 : i32
    %dma_wait3A_113 = arith.constant 0 : i32
    %dma_wait3A_114 = tpu.memref_slice %arg7[%dma_wait3A_110, %dma_wait3A_112, %dma_wait3A_113] : memref<3x104x128xf32, #tpu.memory_space<vmem>> -> memref<1x104x128xf32, #tpu.memory_space<vmem>>
    %dma_wait3A_115 = tpu.memref_squeeze %dma_wait3A_114 : memref<1x104x128xf32, #tpu.memory_space<vmem>> -> memref<104x128xf32, #tpu.memory_space<vmem>>
    %dma_wait3A_116 = arith.constant 0 : i32
    %dma_wait3A_117 = tpu.memref_slice %arg6[%dma_wait3A_111, %dma_wait3A_116] : memref<3x104xi32, #tpu.memory_space<vmem>> -> memref<1x104xi32, #tpu.memory_space<vmem>>
    %dma_wait3A_118 = tpu.memref_squeeze %dma_wait3A_117 : memref<1x104xi32, #tpu.memory_space<vmem>> -> memref<104xi32, #tpu.memory_space<vmem>>
    %dma_wait3A_119 = arith.constant 0 : i32
    %dma_wait3A_120 = arith.constant 0 : i32
    %dma_wait3A_121 = tpu.memref_slice %arg12[%dma_wait3A_119, %dma_wait3A_120] : memref<10000x128xf32, #tpu.memory_space<vmem_shared>> -> memref<10000x128xf32, #tpu.memory_space<vmem_shared>>
    tpu.wait_indirect_dma semaphore(%arg18 : memref<!tpu.dma_semaphore, #tpu.memory_space<semaphore_mem>>) src(%dma_wait3A_115 : memref<104x128xf32, #tpu.memory_space<vmem>>) dst(%dma_wait3A_121 : memref<10000x128xf32, #tpu.memory_space<vmem_shared>>)
    %add3A_122 = arith.constant 4992 : i32
    %add3A_123 = arith.addi %mul3A_2, %add3A_122 : i32
    "tpu.region"() ({
      %run_scoped3A = tpu.sem_alloc : memref<!tpu.dma_semaphore, #tpu.memory_space<semaphore_mem>>
      %dma_start3A_136 = tpu.memref_slice %arg3[%add3A_123] : memref<160000xi32, #tpu.memory_space<hbm>> -> memref<8xi32, #tpu.memory_space<hbm>>
      %dma_start3A_137 = tpu.memref_slice %arg3[%add3A_123] : memref<160000xi32, #tpu.memory_space<hbm>> -> memref<8xi32, #tpu.memory_space<hbm>>
      tpu.enqueue_dma source(%dma_start3A_137 : memref<8xi32, #tpu.memory_space<hbm>>) target(%arg10 : memref<8xi32, #tpu.memory_space<vmem>>) target_semaphore(%run_scoped3A : memref<!tpu.dma_semaphore, #tpu.memory_space<semaphore_mem>>)
      %dma_wait3A_138 = tpu.memref_slice %arg3[%add3A_123] : memref<160000xi32, #tpu.memory_space<hbm>> -> memref<8xi32, #tpu.memory_space<hbm>>
      %dma_wait3A_139 = tpu.memref_slice %arg3[%add3A_123] : memref<160000xi32, #tpu.memory_space<hbm>> -> memref<8xi32, #tpu.memory_space<hbm>>
      tpu.wait_dma2 semaphore(%run_scoped3A : memref<!tpu.dma_semaphore, #tpu.memory_space<semaphore_mem>>) src(%dma_wait3A_139 : memref<8xi32, #tpu.memory_space<hbm>>) dst(%arg10 : memref<8xi32, #tpu.memory_space<vmem>>)
      tpu.yield
    }) : () -> ()
    "tpu.region"() ({
      %run_scoped3A = tpu.sem_alloc : memref<!tpu.dma_semaphore, #tpu.memory_space<semaphore_mem>>
      %dma_start3A_136 = arith.constant 0 : i32
      %dma_start3A_137 = tpu.memref_slice %arg2[%add3A_123, %dma_start3A_136] : memref<320000x128xf32, #tpu.memory_space<hbm>> -> memref<8x128xf32, #tpu.memory_space<hbm>>
      %dma_start3A_138 = arith.constant 0 : i32
      %dma_start3A_139 = tpu.memref_slice %arg2[%add3A_123, %dma_start3A_138] : memref<320000x128xf32, #tpu.memory_space<hbm>> -> memref<8x128xf32, #tpu.memory_space<hbm>>
      tpu.enqueue_dma source(%dma_start3A_139 : memref<8x128xf32, #tpu.memory_space<hbm>>) target(%arg11 : memref<8x128xf32, #tpu.memory_space<vmem>>) target_semaphore(%run_scoped3A : memref<!tpu.dma_semaphore, #tpu.memory_space<semaphore_mem>>)
      %dma_wait3A_140 = arith.constant 0 : i32
      %dma_wait3A_141 = tpu.memref_slice %arg2[%add3A_123, %dma_wait3A_140] : memref<320000x128xf32, #tpu.memory_space<hbm>> -> memref<8x128xf32, #tpu.memory_space<hbm>>
      %dma_wait3A_142 = arith.constant 0 : i32
      %dma_wait3A_143 = tpu.memref_slice %arg2[%add3A_123, %dma_wait3A_142] : memref<320000x128xf32, #tpu.memory_space<hbm>> -> memref<8x128xf32, #tpu.memory_space<hbm>>
      tpu.wait_dma2 semaphore(%run_scoped3A : memref<!tpu.dma_semaphore, #tpu.memory_space<semaphore_mem>>) src(%dma_wait3A_143 : memref<8x128xf32, #tpu.memory_space<hbm>>) dst(%arg11 : memref<8x128xf32, #tpu.memory_space<vmem>>)
      tpu.yield
    }) : () -> ()
    "tpu.region"() ({
      %run_scoped3A = tpu.sem_alloc : memref<!tpu.dma_semaphore, #tpu.memory_space<semaphore_mem>>
      %dma_start3A_136 = arith.constant 0 : i32
      %dma_start3A_137 = arith.constant 0 : i32
      %dma_start3A_138 = tpu.memref_slice %arg12[%dma_start3A_136, %dma_start3A_137] : memref<10000x128xf32, #tpu.memory_space<vmem_shared>> -> memref<10000x128xf32, #tpu.memory_space<vmem_shared>>
      tpu.enqueue_indirect_dma source(%arg11 : memref<8x128xf32, #tpu.memory_space<vmem>>) target(%dma_start3A_138 : memref<10000x128xf32, #tpu.memory_space<vmem_shared>>) offsets(%arg10 : memref<8xi32, #tpu.memory_space<vmem>>) semaphore(%run_scoped3A : memref<!tpu.dma_semaphore, #tpu.memory_space<semaphore_mem>>) {add = true}
      %dma_wait3A_139 = arith.constant 0 : i32
      %dma_wait3A_140 = arith.constant 0 : i32
      %dma_wait3A_141 = tpu.memref_slice %arg12[%dma_wait3A_139, %dma_wait3A_140] : memref<10000x128xf32, #tpu.memory_space<vmem_shared>> -> memref<10000x128xf32, #tpu.memory_space<vmem_shared>>
      tpu.wait_indirect_dma semaphore(%run_scoped3A : memref<!tpu.dma_semaphore, #tpu.memory_space<semaphore_mem>>) src(%arg11 : memref<8x128xf32, #tpu.memory_space<vmem>>) dst(%dma_wait3A_141 : memref<10000x128xf32, #tpu.memory_space<vmem_shared>>)
      tpu.yield
    }) : () -> ()
    %barrier3A_124 = arith.constant 0 : index
    tpu.barrier barrier_id(%barrier3A_124)
    %scan3A_125 = arith.constant 0 : i32
    %scan3A_126 = arith.constant 0 : i32
    %scan3A_127 = arith.constant 13 : i32
    %scan3A_128 = arith.addi %scan3A_126, %scan3A_127 : i32
    %scan3A_129 = arith.constant 1 : i32
    scf.for %scan3A_136 = %scan3A_126 to %scan3A_128 step %scan3A_129  : i32 {
      %mul3A_137 = arith.constant 624 : i32
      %mul3A_138 = arith.muli %arg1, %mul3A_137 : i32
      %mul3A_139 = arith.constant 48 : i32
      %mul3A_140 = arith.muli %scan3A_136, %mul3A_139 : i32
      %add3A_141 = arith.addi %mul3A_138, %mul3A_140 : i32
      %iota3A = tpu.iota {dimensions = array<i32: 0>} : vector<16xi32>
      %add3A_142 = arith.constant 0 : i32
      %add3A_143 = arith.addi %add3A_141, %add3A_142 : i32
      %add3A_144 = vector.broadcast %add3A_143 : i32 to vector<16xi32>
      %add3A_145 = arith.addi %iota3A, %add3A_144 : vector<16xi32>
      %swap3A = arith.constant 0 : index
      %swap3A_146 = tpu.vector_load %arg9[%swap3A] {strides = array<i32>} : memref<48xi32, #tpu.memory_space<vmem>>, vector<16xi32>,
      %swap3A_147 = vector.shape_cast %swap3A_146 : vector<16xi32> to vector<16xi32>
      %swap3A_148 = vector.shape_cast %add3A_145 : vector<16xi32> to vector<16xi32>
      tpu.vector_store %arg9[%swap3A], %swap3A_148 {strides = array<i32>} : memref<48xi32, #tpu.memory_space<vmem>>, vector<16xi32>,
      %iota3A_149 = tpu.iota {dimensions = array<i32: 0>} : vector<16xi32>
      %add3A_150 = arith.constant 16 : i32
      %add3A_151 = arith.addi %add3A_141, %add3A_150 : i32
      %add3A_152 = vector.broadcast %add3A_151 : i32 to vector<16xi32>
      %add3A_153 = arith.addi %iota3A_149, %add3A_152 : vector<16xi32>
      %swap3A_154 = arith.constant 16 : index
      %swap3A_155 = tpu.vector_load %arg9[%swap3A_154] {strides = array<i32>} : memref<48xi32, #tpu.memory_space<vmem>>, vector<16xi32>,
      %swap3A_156 = vector.shape_cast %swap3A_155 : vector<16xi32> to vector<16xi32>
      %swap3A_157 = vector.shape_cast %add3A_153 : vector<16xi32> to vector<16xi32>
      tpu.vector_store %arg9[%swap3A_154], %swap3A_157 {strides = array<i32>} : memref<48xi32, #tpu.memory_space<vmem>>, vector<16xi32>,
      %iota3A_158 = tpu.iota {dimensions = array<i32: 0>} : vector<16xi32>
      %add3A_159 = arith.constant 32 : i32
      %add3A_160 = arith.addi %add3A_141, %add3A_159 : i32
      %add3A_161 = vector.broadcast %add3A_160 : i32 to vector<16xi32>
      %add3A_162 = arith.addi %iota3A_158, %add3A_161 : vector<16xi32>
      %swap3A_163 = arith.constant 32 : index
      %swap3A_164 = tpu.vector_load %arg9[%swap3A_163] {strides = array<i32>} : memref<48xi32, #tpu.memory_space<vmem>>, vector<16xi32>,
      %swap3A_165 = vector.shape_cast %swap3A_164 : vector<16xi32> to vector<16xi32>
      %swap3A_166 = vector.shape_cast %add3A_162 : vector<16xi32> to vector<16xi32>
      tpu.vector_store %arg9[%swap3A_163], %swap3A_166 {strides = array<i32>} : memref<48xi32, #tpu.memory_space<vmem>>, vector<16xi32>,
      "tpu.region"() ({
        %run_scoped3A = tpu.sem_alloc : memref<!tpu.dma_semaphore, #tpu.memory_space<semaphore_mem>>
        %dma_start3A_170 = arith.constant 0 : i32
        %dma_start3A_171 = arith.constant 0 : i32
        %dma_start3A_172 = tpu.memref_slice %arg12[%dma_start3A_170, %dma_start3A_171] : memref<10000x128xf32, #tpu.memory_space<vmem_shared>> -> memref<10000x128xf32, #tpu.memory_space<vmem_shared>>
        tpu.enqueue_indirect_dma source(%dma_start3A_172 : memref<10000x128xf32, #tpu.memory_space<vmem_shared>>) target(%arg8 : memref<48x128xf32, #tpu.memory_space<vmem>>) offsets(%arg9 : memref<48xi32, #tpu.memory_space<vmem>>) semaphore(%run_scoped3A : memref<!tpu.dma_semaphore, #tpu.memory_space<semaphore_mem>>)
        %dma_wait3A_173 = arith.constant 0 : i32
        %dma_wait3A_174 = arith.constant 0 : i32
        %dma_wait3A_175 = tpu.memref_slice %arg12[%dma_wait3A_173, %dma_wait3A_174] : memref<10000x128xf32, #tpu.memory_space<vmem_shared>> -> memref<10000x128xf32, #tpu.memory_space<vmem_shared>>
        tpu.wait_indirect_dma semaphore(%run_scoped3A : memref<!tpu.dma_semaphore, #tpu.memory_space<semaphore_mem>>) src(%dma_wait3A_175 : memref<10000x128xf32, #tpu.memory_space<vmem_shared>>) dst(%arg8 : memref<48x128xf32, #tpu.memory_space<vmem>>)
        tpu.yield
      }) : () -> ()
      %mul3A_167 = arith.constant 10000 : i32
      %mul3A_168 = arith.muli %arg0, %mul3A_167 : i32
      %add3A_169 = arith.addi %mul3A_168, %add3A_141 : i32
      "tpu.region"() ({
        %run_scoped3A = tpu.sem_alloc : memref<!tpu.dma_semaphore, #tpu.memory_space<semaphore_mem>>
        %dma_start3A_170 = arith.constant 0 : i32
        %dma_start3A_171 = tpu.memref_slice %arg5[%add3A_169, %dma_start3A_170] : memref<20000x128xf32, #tpu.memory_space<hbm>> -> memref<48x128xf32, #tpu.memory_space<hbm>>
        %dma_start3A_172 = arith.constant 0 : i32
        %dma_start3A_173 = tpu.memref_slice %arg5[%add3A_169, %dma_start3A_172] : memref<20000x128xf32, #tpu.memory_space<hbm>> -> memref<48x128xf32, #tpu.memory_space<hbm>>
        tpu.enqueue_dma source(%arg8 : memref<48x128xf32, #tpu.memory_space<vmem>>) target(%dma_start3A_173 : memref<48x128xf32, #tpu.memory_space<hbm>>) target_semaphore(%run_scoped3A : memref<!tpu.dma_semaphore, #tpu.memory_space<semaphore_mem>>)
        %dma_wait3A_174 = arith.constant 0 : i32
        %dma_wait3A_175 = tpu.memref_slice %arg5[%add3A_169, %dma_wait3A_174] : memref<20000x128xf32, #tpu.memory_space<hbm>> -> memref<48x128xf32, #tpu.memory_space<hbm>>
        %dma_wait3A_176 = arith.constant 0 : i32
        %dma_wait3A_177 = tpu.memref_slice %arg5[%add3A_169, %dma_wait3A_176] : memref<20000x128xf32, #tpu.memory_space<hbm>> -> memref<48x128xf32, #tpu.memory_space<hbm>>
        tpu.wait_dma2 semaphore(%run_scoped3A : memref<!tpu.dma_semaphore, #tpu.memory_space<semaphore_mem>>) src(%arg8 : memref<48x128xf32, #tpu.memory_space<vmem>>) dst(%dma_wait3A_177 : memref<48x128xf32, #tpu.memory_space<hbm>>)
        tpu.yield
      }) : () -> ()
    }
    %scan3A_130 = arith.constant 13 : i32
    %eq3A_131 = arith.constant 15 : i32
    %eq3A_132 = arith.cmpi eq, %arg1, %eq3A_131 : i32
    %convert_element_type3A_133 = arith.extui %eq3A_132 : i1 to i32
    %cond3A_134 = arith.constant 0 : i32
    %cond3A_135 = arith.cmpi ne, %convert_element_type3A_133, %cond3A_134 : i32
    scf.if %cond3A_135 {
      %iota3A = tpu.iota {dimensions = array<i32: 0>} : vector<16xi32>
      %add3A_136 = arith.constant 9952 : i32
      %add3A_137 = vector.broadcast %add3A_136 : i32 to vector<16xi32>
      %add3A_138 = arith.addi %iota3A, %add3A_137 : vector<16xi32>
      %swap3A = arith.constant 0 : index
      %swap3A_139 = tpu.vector_load %arg9[%swap3A] {strides = array<i32>} : memref<48xi32, #tpu.memory_space<vmem>>, vector<16xi32>,
      %swap3A_140 = vector.shape_cast %swap3A_139 : vector<16xi32> to vector<16xi32>
      %swap3A_141 = vector.shape_cast %add3A_138 : vector<16xi32> to vector<16xi32>
      tpu.vector_store %arg9[%swap3A], %swap3A_141 {strides = array<i32>} : memref<48xi32, #tpu.memory_space<vmem>>, vector<16xi32>,
      %iota3A_142 = tpu.iota {dimensions = array<i32: 0>} : vector<16xi32>
      %add3A_143 = arith.constant 9968 : i32
      %add3A_144 = vector.broadcast %add3A_143 : i32 to vector<16xi32>
      %add3A_145 = arith.addi %iota3A_142, %add3A_144 : vector<16xi32>
      %swap3A_146 = arith.constant 16 : index
      %swap3A_147 = tpu.vector_load %arg9[%swap3A_146] {strides = array<i32>} : memref<48xi32, #tpu.memory_space<vmem>>, vector<16xi32>,
      %swap3A_148 = vector.shape_cast %swap3A_147 : vector<16xi32> to vector<16xi32>
      %swap3A_149 = vector.shape_cast %add3A_145 : vector<16xi32> to vector<16xi32>
      tpu.vector_store %arg9[%swap3A_146], %swap3A_149 {strides = array<i32>} : memref<48xi32, #tpu.memory_space<vmem>>, vector<16xi32>,
      %iota3A_150 = tpu.iota {dimensions = array<i32: 0>} : vector<16xi32>
      %add3A_151 = arith.constant 9984 : i32
      %add3A_152 = vector.broadcast %add3A_151 : i32 to vector<16xi32>
      %add3A_153 = arith.addi %iota3A_150, %add3A_152 : vector<16xi32>
      %swap3A_154 = arith.constant 32 : index
      %swap3A_155 = tpu.vector_load %arg9[%swap3A_154] {strides = array<i32>} : memref<48xi32, #tpu.memory_space<vmem>>, vector<16xi32>,
      %swap3A_156 = vector.shape_cast %swap3A_155 : vector<16xi32> to vector<16xi32>
      %swap3A_157 = vector.shape_cast %add3A_153 : vector<16xi32> to vector<16xi32>
      tpu.vector_store %arg9[%swap3A_154], %swap3A_157 {strides = array<i32>} : memref<48xi32, #tpu.memory_space<vmem>>, vector<16xi32>,
      "tpu.region"() ({
        %run_scoped3A = tpu.sem_alloc : memref<!tpu.dma_semaphore, #tpu.memory_space<semaphore_mem>>
        %dma_start3A_163 = arith.constant 0 : i32
        %dma_start3A_164 = arith.constant 0 : i32
        %dma_start3A_165 = tpu.memref_slice %arg12[%dma_start3A_163, %dma_start3A_164] : memref<10000x128xf32, #tpu.memory_space<vmem_shared>> -> memref<10000x128xf32, #tpu.memory_space<vmem_shared>>
        tpu.enqueue_indirect_dma source(%dma_start3A_165 : memref<10000x128xf32, #tpu.memory_space<vmem_shared>>) target(%arg8 : memref<48x128xf32, #tpu.memory_space<vmem>>) offsets(%arg9 : memref<48xi32, #tpu.memory_space<vmem>>) semaphore(%run_scoped3A : memref<!tpu.dma_semaphore, #tpu.memory_space<semaphore_mem>>)
        %dma_wait3A_166 = arith.constant 0 : i32
        %dma_wait3A_167 = arith.constant 0 : i32
        %dma_wait3A_168 = tpu.memref_slice %arg12[%dma_wait3A_166, %dma_wait3A_167] : memref<10000x128xf32, #tpu.memory_space<vmem_shared>> -> memref<10000x128xf32, #tpu.memory_space<vmem_shared>>
        tpu.wait_indirect_dma semaphore(%run_scoped3A : memref<!tpu.dma_semaphore, #tpu.memory_space<semaphore_mem>>) src(%dma_wait3A_168 : memref<10000x128xf32, #tpu.memory_space<vmem_shared>>) dst(%arg8 : memref<48x128xf32, #tpu.memory_space<vmem>>)
        tpu.yield
      }) : () -> ()
      %mul3A_158 = arith.constant 10000 : i32
      %mul3A_159 = arith.muli %arg0, %mul3A_158 : i32
      %add3A_160 = arith.constant 10000 : i32
      %add3A_161 = arith.addi %mul3A_159, %add3A_160 : i32
      %sub3A = arith.constant 48 : i32
      %sub3A_162 = arith.subi %add3A_161, %sub3A : i32
      "tpu.region"() ({
        %run_scoped3A = tpu.sem_alloc : memref<!tpu.dma_semaphore, #tpu.memory_space<semaphore_mem>>
        %dma_start3A_163 = arith.constant 0 : i32
        %dma_start3A_164 = tpu.memref_slice %arg5[%sub3A_162, %dma_start3A_163] : memref<20000x128xf32, #tpu.memory_space<hbm>> -> memref<48x128xf32, #tpu.memory_space<hbm>>
        %dma_start3A_165 = arith.constant 0 : i32
        %dma_start3A_166 = tpu.memref_slice %arg5[%sub3A_162, %dma_start3A_165] : memref<20000x128xf32, #tpu.memory_space<hbm>> -> memref<48x128xf32, #tpu.memory_space<hbm>>
        tpu.enqueue_dma source(%arg8 : memref<48x128xf32, #tpu.memory_space<vmem>>) target(%dma_start3A_166 : memref<48x128xf32, #tpu.memory_space<hbm>>) target_semaphore(%run_scoped3A : memref<!tpu.dma_semaphore, #tpu.memory_space<semaphore_mem>>)
        %dma_wait3A_167 = arith.constant 0 : i32
        %dma_wait3A_168 = tpu.memref_slice %arg5[%sub3A_162, %dma_wait3A_167] : memref<20000x128xf32, #tpu.memory_space<hbm>> -> memref<48x128xf32, #tpu.memory_space<hbm>>
        %dma_wait3A_169 = arith.constant 0 : i32
        %dma_wait3A_170 = tpu.memref_slice %arg5[%sub3A_162, %dma_wait3A_169] : memref<20000x128xf32, #tpu.memory_space<hbm>> -> memref<48x128xf32, #tpu.memory_space<hbm>>
        tpu.wait_dma2 semaphore(%run_scoped3A : memref<!tpu.dma_semaphore, #tpu.memory_space<semaphore_mem>>) src(%arg8 : memref<48x128xf32, #tpu.memory_space<vmem>>) dst(%dma_wait3A_170 : memref<48x128xf32, #tpu.memory_space<hbm>>)
        tpu.yield
      }) : () -> ()
    } else {
    }
    return
  }
}

module attributes {stable_mosaic.version = 14 : i64} {
  func.func @_precompute_body(%arg0: memref<120x128xf32, #tpu.memory_space<vmem>>, %arg1: memref<128x128xf32, #tpu.memory_space<vmem>>, %arg2: memref<1x128xf32, #tpu.memory_space<vmem>>, %arg3: memref<128x128xf32, #tpu.memory_space<vmem>>, %arg4: memref<1x128xf32, #tpu.memory_space<vmem>>, %arg5: memref<128x128xf32, #tpu.memory_space<vmem>>, %arg6: memref<1x128xf32, #tpu.memory_space<vmem>>, %arg7: memref<128x128xf32, #tpu.memory_space<vmem>>, %arg8: memref<1x128xf32, #tpu.memory_space<vmem>>, %arg9: memref<128x128xf32, #tpu.memory_space<vmem>>, %arg10: memref<1x128xf32, #tpu.memory_space<vmem>>, %arg11: memref<384x128xf32, #tpu.memory_space<vmem>>, %arg12: memref<1x128xf32, #tpu.memory_space<vmem>>, %arg13: memref<120x128xf32, #tpu.memory_space<vmem>>, %arg14: memref<120x128xf32, #tpu.memory_space<vmem>>, %arg15: memref<128x128xf32, #tpu.memory_space<vmem>>, %arg16: memref<1x128xf32, #tpu.memory_space<vmem>>) attributes {dimension_semantics = [], scalar_prefetch = 0 : i64, scratch_operands = 0 : i64, tpu.core_type = #tpu.core_type<tc>} {
    %get3A = arith.constant 0 : index
    %get3A_0 = arith.constant 0 : index
    %get3A_1 = vector.load %arg0[%get3A, %get3A_0] : memref<120x128xf32, #tpu.memory_space<vmem>>, vector<120x128xf32>
    %get3A_2 = arith.constant 0 : index
    %get3A_3 = arith.constant 0 : index
    %get3A_4 = vector.load %arg1[%get3A_2, %get3A_3] : memref<128x128xf32, #tpu.memory_space<vmem>>, vector<128x128xf32>
    %dot_general3A = arith.constant dense<0.000000e+00> : vector<120x128xf32>
    %dot_general3A_5 = tpu.matmul %get3A_1, %get3A_4, %dot_general3A {dimension_numbers = #tpu.dot_dimension_numbers<[1], [0], [0], [1], [0, 0, 1, 1], [], []>, transpose_lhs_hint = false} : vector<120x128xf32>, vector<128x128xf32>, vector<120x128xf32> -> vector<120x128xf32>
    %get3A_6 = arith.constant 0 : index
    %get3A_7 = arith.constant 0 : index
    %get3A_8 = vector.load %arg2[%get3A_6, %get3A_7] : memref<1x128xf32, #tpu.memory_space<vmem>>, vector<1x128xf32>
    %add3A = vector.broadcast %get3A_8 : vector<1x128xf32> to vector<120x128xf32>
    %add3A_9 = arith.addf %dot_general3A_5, %add3A : vector<120x128xf32>
    %logistic3A = arith.negf %add3A_9 : vector<120x128xf32>
    %logistic3A_10 = math.exp %logistic3A : vector<120x128xf32>
    %logistic3A_11 = arith.constant 1.000000e+00 : f32
    %logistic3A_12 = vector.broadcast %logistic3A_11 : f32 to vector<120x128xf32>
    %logistic3A_13 = arith.addf %logistic3A_12, %logistic3A_10 : vector<120x128xf32>
    %logistic3A_14 = arith.divf %logistic3A_12, %logistic3A_13 : vector<120x128xf32>
    %mul3A = arith.mulf %add3A_9, %logistic3A_14 : vector<120x128xf32>
    %get3A_15 = arith.constant 0 : index
    %get3A_16 = arith.constant 0 : index
    %get3A_17 = vector.load %arg3[%get3A_15, %get3A_16] : memref<128x128xf32, #tpu.memory_space<vmem>>, vector<128x128xf32>
    %dot_general3A_18 = arith.constant dense<0.000000e+00> : vector<120x128xf32>
    %dot_general3A_19 = tpu.matmul %mul3A, %get3A_17, %dot_general3A_18 {dimension_numbers = #tpu.dot_dimension_numbers<[1], [0], [0], [1], [0, 0, 1, 1], [], []>, transpose_lhs_hint = false} : vector<120x128xf32>, vector<128x128xf32>, vector<120x128xf32> -> vector<120x128xf32>
    %get3A_20 = arith.constant 0 : index
    %get3A_21 = arith.constant 0 : index
    %get3A_22 = vector.load %arg4[%get3A_20, %get3A_21] : memref<1x128xf32, #tpu.memory_space<vmem>>, vector<1x128xf32>
    %add3A_23 = vector.broadcast %get3A_22 : vector<1x128xf32> to vector<120x128xf32>
    %add3A_24 = arith.addf %dot_general3A_19, %add3A_23 : vector<120x128xf32>
    %get3A_25 = arith.constant 0 : index
    %get3A_26 = arith.constant 0 : index
    %get3A_27 = vector.load %arg5[%get3A_25, %get3A_26] : memref<128x128xf32, #tpu.memory_space<vmem>>, vector<128x128xf32>
    %dot_general3A_28 = arith.constant dense<0.000000e+00> : vector<120x128xf32>
    %dot_general3A_29 = tpu.matmul %get3A_1, %get3A_27, %dot_general3A_28 {dimension_numbers = #tpu.dot_dimension_numbers<[1], [0], [0], [1], [0, 0, 1, 1], [], []>, transpose_lhs_hint = false} : vector<120x128xf32>, vector<128x128xf32>, vector<120x128xf32> -> vector<120x128xf32>
    %get3A_30 = arith.constant 0 : index
    %get3A_31 = arith.constant 0 : index
    %get3A_32 = vector.load %arg6[%get3A_30, %get3A_31] : memref<1x128xf32, #tpu.memory_space<vmem>>, vector<1x128xf32>
    %add3A_33 = vector.broadcast %get3A_32 : vector<1x128xf32> to vector<120x128xf32>
    %add3A_34 = arith.addf %dot_general3A_29, %add3A_33 : vector<120x128xf32>
    %logistic3A_35 = arith.negf %add3A_34 : vector<120x128xf32>
    %logistic3A_36 = math.exp %logistic3A_35 : vector<120x128xf32>
    %logistic3A_37 = arith.constant 1.000000e+00 : f32
    %logistic3A_38 = vector.broadcast %logistic3A_37 : f32 to vector<120x128xf32>
    %logistic3A_39 = arith.addf %logistic3A_38, %logistic3A_36 : vector<120x128xf32>
    %logistic3A_40 = arith.divf %logistic3A_38, %logistic3A_39 : vector<120x128xf32>
    %mul3A_41 = arith.mulf %add3A_34, %logistic3A_40 : vector<120x128xf32>
    %get3A_42 = arith.constant 0 : index
    %get3A_43 = arith.constant 0 : index
    %get3A_44 = vector.load %arg7[%get3A_42, %get3A_43] : memref<128x128xf32, #tpu.memory_space<vmem>>, vector<128x128xf32>
    %dot_general3A_45 = arith.constant dense<0.000000e+00> : vector<120x128xf32>
    %dot_general3A_46 = tpu.matmul %mul3A_41, %get3A_44, %dot_general3A_45 {dimension_numbers = #tpu.dot_dimension_numbers<[1], [0], [0], [1], [0, 0, 1, 1], [], []>, transpose_lhs_hint = false} : vector<120x128xf32>, vector<128x128xf32>, vector<120x128xf32> -> vector<120x128xf32>
    %get3A_47 = arith.constant 0 : index
    %get3A_48 = arith.constant 0 : index
    %get3A_49 = vector.load %arg8[%get3A_47, %get3A_48] : memref<1x128xf32, #tpu.memory_space<vmem>>, vector<1x128xf32>
    %add3A_50 = vector.broadcast %get3A_49 : vector<1x128xf32> to vector<120x128xf32>
    %add3A_51 = arith.addf %dot_general3A_46, %add3A_50 : vector<120x128xf32>
    %get3A_52 = arith.constant 0 : index
    %get3A_53 = arith.constant 0 : index
    %get3A_54 = vector.load %arg11[%get3A_52, %get3A_53] : memref<384x128xf32, #tpu.memory_space<vmem>>, vector<128x128xf32>
    %get3A_55 = arith.constant 128 : index
    %get3A_56 = arith.constant 0 : index
    %get3A_57 = vector.load %arg11[%get3A_55, %get3A_56] : memref<384x128xf32, #tpu.memory_space<vmem>>, vector<128x128xf32>
    %get3A_58 = arith.constant 256 : index
    %get3A_59 = arith.constant 0 : index
    %get3A_60 = vector.load %arg11[%get3A_58, %get3A_59] : memref<384x128xf32, #tpu.memory_space<vmem>>, vector<128x128xf32>
    %dot_general3A_61 = arith.constant dense<0.000000e+00> : vector<120x128xf32>
    %dot_general3A_62 = tpu.matmul %add3A_24, %get3A_57, %dot_general3A_61 {dimension_numbers = #tpu.dot_dimension_numbers<[1], [0], [0], [1], [0, 0, 1, 1], [], []>, transpose_lhs_hint = false} : vector<120x128xf32>, vector<128x128xf32>, vector<120x128xf32> -> vector<120x128xf32>
    %swap3A = arith.constant 0 : index
    %swap3A_63 = arith.constant 0 : index
    %swap3A_64 = vector.load %arg13[%swap3A, %swap3A_63] : memref<120x128xf32, #tpu.memory_space<vmem>>, vector<120x128xf32>
    tpu.vector_store %arg13[%swap3A, %swap3A_63], %dot_general3A_62 {strides = array<i32>} : memref<120x128xf32, #tpu.memory_space<vmem>>, vector<120x128xf32>,
    %dot_general3A_65 = arith.constant dense<0.000000e+00> : vector<120x128xf32>
    %dot_general3A_66 = tpu.matmul %add3A_51, %get3A_60, %dot_general3A_65 {dimension_numbers = #tpu.dot_dimension_numbers<[1], [0], [0], [1], [0, 0, 1, 1], [], []>, transpose_lhs_hint = false} : vector<120x128xf32>, vector<128x128xf32>, vector<120x128xf32> -> vector<120x128xf32>
    %swap3A_67 = arith.constant 0 : index
    %swap3A_68 = arith.constant 0 : index
    %swap3A_69 = vector.load %arg14[%swap3A_67, %swap3A_68] : memref<120x128xf32, #tpu.memory_space<vmem>>, vector<120x128xf32>
    tpu.vector_store %arg14[%swap3A_67, %swap3A_68], %dot_general3A_66 {strides = array<i32>} : memref<120x128xf32, #tpu.memory_space<vmem>>, vector<120x128xf32>,
    %get3A_70 = arith.constant 0 : index
    %get3A_71 = arith.constant 0 : index
    %get3A_72 = vector.load %arg9[%get3A_70, %get3A_71] : memref<128x128xf32, #tpu.memory_space<vmem>>, vector<128x128xf32>
    %dot_general3A_73 = arith.constant dense<0.000000e+00> : vector<128x128xf32>
    %dot_general3A_74 = tpu.matmul %get3A_72, %get3A_54, %dot_general3A_73 {dimension_numbers = #tpu.dot_dimension_numbers<[1], [0], [0], [1], [0, 0, 1, 1], [], []>, transpose_lhs_hint = false} : vector<128x128xf32>, vector<128x128xf32>, vector<128x128xf32> -> vector<128x128xf32>
    %swap3A_75 = arith.constant 0 : index
    %swap3A_76 = arith.constant 0 : index
    %swap3A_77 = vector.load %arg15[%swap3A_75, %swap3A_76] : memref<128x128xf32, #tpu.memory_space<vmem>>, vector<128x128xf32>
    tpu.vector_store %arg15[%swap3A_75, %swap3A_76], %dot_general3A_74 {strides = array<i32>} : memref<128x128xf32, #tpu.memory_space<vmem>>, vector<128x128xf32>,
    %get3A_78 = arith.constant 0 : index
    %get3A_79 = arith.constant 0 : index
    %get3A_80 = vector.load %arg10[%get3A_78, %get3A_79] : memref<1x128xf32, #tpu.memory_space<vmem>>, vector<1x128xf32>
    %dot_general3A_81 = arith.constant dense<0.000000e+00> : vector<1x128xf32>
    %dot_general3A_82 = tpu.matmul %get3A_80, %get3A_54, %dot_general3A_81 {dimension_numbers = #tpu.dot_dimension_numbers<[1], [0], [0], [1], [0, 0, 1, 1], [], []>, transpose_lhs_hint = false} : vector<1x128xf32>, vector<128x128xf32>, vector<1x128xf32> -> vector<1x128xf32>
    %get3A_83 = arith.constant 0 : index
    %get3A_84 = arith.constant 0 : index
    %get3A_85 = vector.load %arg12[%get3A_83, %get3A_84] : memref<1x128xf32, #tpu.memory_space<vmem>>, vector<1x128xf32>
    %add3A_86 = arith.addf %dot_general3A_82, %get3A_85 : vector<1x128xf32>
    %swap3A_87 = arith.constant 0 : index
    %swap3A_88 = arith.constant 0 : index
    %swap3A_89 = vector.load %arg16[%swap3A_87, %swap3A_88] : memref<1x128xf32, #tpu.memory_space<vmem>>, vector<1x128xf32>
    tpu.vector_store %arg16[%swap3A_87, %swap3A_88], %add3A_86 {strides = array<i32>} : memref<1x128xf32, #tpu.memory_space<vmem>>, vector<1x128xf32>,
    return
  }
}

module attributes {stable_mosaic.version = 14 : i64} {
  func.func @_edge_body(%arg0: i32, %arg1: memref<1x1x16000xf32, #tpu.memory_space<vmem>>, %arg2: memref<1x1x16000xi32, #tpu.memory_space<vmem>>, %arg3: memref<1x1x16000xi32, #tpu.memory_space<vmem>>, %arg4: memref<24x128xbf16, #tpu.memory_space<vmem>>, %arg5: memref<1x128xf32, #tpu.memory_space<vmem>>, %arg6: memref<128x128xbf16, #tpu.memory_space<vmem>>, %arg7: memref<120x128xbf16, #tpu.memory_space<vmem>>, %arg8: memref<120x128xbf16, #tpu.memory_space<vmem>>, %arg9: memref<1x128xf32, #tpu.memory_space<vmem>>, %arg10: memref<128x128xbf16, #tpu.memory_space<vmem>>, %arg11: memref<1x128xf32, #tpu.memory_space<vmem>>, %arg12: memref<16000x128xf32, #tpu.memory_space<vmem>>) attributes {dimension_semantics = [#tpu.dimension_semantics<arbitrary>], iteration_bounds = array<i64: 10>, scalar_prefetch = 0 : i64, scratch_operands = 0 : i64, tpu.core_type = #tpu.core_type<tc>, window_params = [{transform_indices = @transform_0, window_bounds = array<i64: 1, 1, 16000>}, {transform_indices = @transform_1, window_bounds = array<i64: 1, 1, 16000>}, {transform_indices = @transform_2, window_bounds = array<i64: 1, 1, 16000>}, {pipeline_mode = #tpu.pipeline_mode<synchronous>, transform_indices = @transform_3, window_bounds = array<i64: 24, 128>}, {pipeline_mode = #tpu.pipeline_mode<synchronous>, transform_indices = @transform_4, window_bounds = array<i64: 1, 128>}, {pipeline_mode = #tpu.pipeline_mode<synchronous>, transform_indices = @transform_5, window_bounds = array<i64: 128, 128>}, {pipeline_mode = #tpu.pipeline_mode<synchronous>, transform_indices = @transform_6, window_bounds = array<i64: 120, 128>}, {pipeline_mode = #tpu.pipeline_mode<synchronous>, transform_indices = @transform_7, window_bounds = array<i64: 120, 128>}, {pipeline_mode = #tpu.pipeline_mode<synchronous>, transform_indices = @transform_8, window_bounds = array<i64: 1, 128>}, {pipeline_mode = #tpu.pipeline_mode<synchronous>, transform_indices = @transform_9, window_bounds = array<i64: 128, 128>}, {pipeline_mode = #tpu.pipeline_mode<synchronous>, transform_indices = @transform_10, window_bounds = array<i64: 1, 128>}, {transform_indices = @transform_11, window_bounds = array<i64: 16000, 128>}]} {
    %get3A = arith.constant 0 : index
    %get3A_0 = arith.constant 0 : index
    %get3A_1 = arith.constant 0 : index
    %get3A_2 = vector.load %arg1[%get3A, %get3A_0, %get3A_1] : memref<1x1x16000xf32, #tpu.memory_space<vmem>>, vector<1x1x16000xf32>
    %get3A_3 = vector.shape_cast %get3A_2 : vector<1x1x16000xf32> to vector<1x16000xf32>
    %get3A_4 = arith.constant 0 : index
    %get3A_5 = arith.constant 0 : index
    %get3A_6 = arith.constant 0 : index
    %get3A_7 = vector.load %arg2[%get3A_4, %get3A_5, %get3A_6] : memref<1x1x16000xi32, #tpu.memory_space<vmem>>, vector<1x1x16000xi32>
    %get3A_8 = vector.shape_cast %get3A_7 : vector<1x1x16000xi32> to vector<1x16000xi32>
    %get3A_9 = arith.constant 0 : index
    %get3A_10 = arith.constant 0 : index
    %get3A_11 = arith.constant 0 : index
    %get3A_12 = vector.load %arg3[%get3A_9, %get3A_10, %get3A_11] : memref<1x1x16000xi32, #tpu.memory_space<vmem>>, vector<1x1x16000xi32>
    %get3A_13 = vector.shape_cast %get3A_12 : vector<1x1x16000xi32> to vector<1x16000xi32>
    %mul3A = arith.constant 0.628318548 : f32
    %mul3A_14 = vector.broadcast %mul3A : f32 to vector<1x16000xf32>
    %mul3A_15 = arith.mulf %mul3A_14, %get3A_3 : vector<1x16000xf32>
    %cos3A = math.cos %mul3A_15 : vector<1x16000xf32>
    %mul3A_16 = arith.constant 2.000000e+00 : f32
    %mul3A_17 = vector.broadcast %mul3A_16 : f32 to vector<1x16000xf32>
    %mul3A_18 = arith.mulf %mul3A_17, %cos3A : vector<1x16000xf32>
    %sin3A = math.sin %mul3A_15 : vector<1x16000xf32>
    %sqrt3A = arith.constant 4.000000e-01 : f32
    %sqrt3A_19 = math.sqrt %sqrt3A : f32
    %div3A = vector.broadcast %sqrt3A_19 : f32 to vector<1x16000xf32>
    %div3A_20 = arith.divf %div3A, %get3A_3 : vector<1x16000xf32>
    %mul3A_21 = arith.mulf %sin3A, %div3A_20 : vector<1x16000xf32>
    %broadcast_in_dim3A = arith.constant 0.000000e+00 : f32
    %broadcast_in_dim3A_22 = vector.broadcast %broadcast_in_dim3A : f32 to vector<1x16000xf32>
    %mul3A_23 = arith.mulf %mul3A_18, %mul3A_21 : vector<1x16000xf32>
    %sub3A = arith.subf %mul3A_23, %broadcast_in_dim3A_22 : vector<1x16000xf32>
    %mul3A_24 = arith.mulf %mul3A_18, %sub3A : vector<1x16000xf32>
    %sub3A_25 = arith.subf %mul3A_24, %mul3A_21 : vector<1x16000xf32>
    %mul3A_26 = arith.mulf %mul3A_18, %sub3A_25 : vector<1x16000xf32>
    %sub3A_27 = arith.subf %mul3A_26, %sub3A : vector<1x16000xf32>
    %mul3A_28 = arith.mulf %mul3A_18, %sub3A_27 : vector<1x16000xf32>
    %sub3A_29 = arith.subf %mul3A_28, %sub3A_25 : vector<1x16000xf32>
    %mul3A_30 = arith.mulf %mul3A_18, %sub3A_29 : vector<1x16000xf32>
    %sub3A_31 = arith.subf %mul3A_30, %sub3A_27 : vector<1x16000xf32>
    %mul3A_32 = arith.mulf %mul3A_18, %sub3A_31 : vector<1x16000xf32>
    %sub3A_33 = arith.subf %mul3A_32, %sub3A_29 : vector<1x16000xf32>
    %mul3A_34 = arith.mulf %mul3A_18, %sub3A_33 : vector<1x16000xf32>
    %sub3A_35 = arith.subf %mul3A_34, %sub3A_31 : vector<1x16000xf32>
    %mul3A_36 = arith.mulf %mul3A_18, %sub3A_35 : vector<1x16000xf32>
    %sub3A_37 = arith.subf %mul3A_36, %sub3A_33 : vector<1x16000xf32>
    %mul3A_38 = arith.mulf %mul3A_18, %sub3A_37 : vector<1x16000xf32>
    %sub3A_39 = arith.subf %mul3A_38, %sub3A_35 : vector<1x16000xf32>
    %mul3A_40 = arith.mulf %mul3A_18, %sub3A_39 : vector<1x16000xf32>
    %sub3A_41 = arith.subf %mul3A_40, %sub3A_37 : vector<1x16000xf32>
    %mul3A_42 = arith.mulf %mul3A_18, %sub3A_41 : vector<1x16000xf32>
    %sub3A_43 = arith.subf %mul3A_42, %sub3A_39 : vector<1x16000xf32>
    %mul3A_44 = arith.mulf %mul3A_18, %sub3A_43 : vector<1x16000xf32>
    %sub3A_45 = arith.subf %mul3A_44, %sub3A_41 : vector<1x16000xf32>
    %mul3A_46 = arith.mulf %mul3A_18, %sub3A_45 : vector<1x16000xf32>
    %sub3A_47 = arith.subf %mul3A_46, %sub3A_43 : vector<1x16000xf32>
    %mul3A_48 = arith.mulf %mul3A_18, %sub3A_47 : vector<1x16000xf32>
    %sub3A_49 = arith.subf %mul3A_48, %sub3A_45 : vector<1x16000xf32>
    %mul3A_50 = arith.mulf %mul3A_18, %sub3A_49 : vector<1x16000xf32>
    %sub3A_51 = arith.subf %mul3A_50, %sub3A_47 : vector<1x16000xf32>
    %mul3A_52 = arith.mulf %mul3A_18, %sub3A_51 : vector<1x16000xf32>
    %sub3A_53 = arith.subf %mul3A_52, %sub3A_49 : vector<1x16000xf32>
    %mul3A_54 = arith.mulf %mul3A_18, %sub3A_53 : vector<1x16000xf32>
    %sub3A_55 = arith.subf %mul3A_54, %sub3A_51 : vector<1x16000xf32>
    %mul3A_56 = arith.mulf %mul3A_18, %sub3A_55 : vector<1x16000xf32>
    %sub3A_57 = arith.subf %mul3A_56, %sub3A_53 : vector<1x16000xf32>
    %mul3A_58 = arith.mulf %mul3A_18, %sub3A_57 : vector<1x16000xf32>
    %sub3A_59 = arith.subf %mul3A_58, %sub3A_55 : vector<1x16000xf32>
    %broadcast_in_dim3A_60 = arith.constant 0.000000e+00 : f32
    %broadcast_in_dim3A_61 = vector.broadcast %broadcast_in_dim3A_60 : f32 to vector<1x16000xf32>
    %concatenate3A = tpu.concatenate %mul3A_21, %sub3A, %sub3A_25, %sub3A_27, %sub3A_29, %sub3A_31, %sub3A_33, %sub3A_35, %sub3A_37, %sub3A_39, %sub3A_41, %sub3A_43, %sub3A_45, %sub3A_47, %sub3A_49, %sub3A_51, %sub3A_53, %sub3A_55, %sub3A_57, %sub3A_59, %broadcast_in_dim3A_61, %broadcast_in_dim3A_61, %broadcast_in_dim3A_61, %broadcast_in_dim3A_61 in 0 : vector<1x16000xf32>, vector<1x16000xf32>, vector<1x16000xf32>, vector<1x16000xf32>, vector<1x16000xf32>, vector<1x16000xf32>, vector<1x16000xf32>, vector<1x16000xf32>, vector<1x16000xf32>, vector<1x16000xf32>, vector<1x16000xf32>, vector<1x16000xf32>, vector<1x16000xf32>, vector<1x16000xf32>, vector<1x16000xf32>, vector<1x16000xf32>, vector<1x16000xf32>, vector<1x16000xf32>, vector<1x16000xf32>, vector<1x16000xf32>, vector<1x16000xf32>, vector<1x16000xf32>, vector<1x16000xf32>, vector<1x16000xf32> -> vector<24x16000xf32>
    %convert_element_type3A = arith.truncf %concatenate3A : vector<24x16000xf32> to vector<24x16000xbf16>
    %get3A_62 = arith.constant 0 : index
    %get3A_63 = arith.constant 0 : index
    %get3A_64 = vector.load %arg4[%get3A_62, %get3A_63] : memref<24x128xbf16, #tpu.memory_space<vmem>>, vector<24x128xbf16>
    %dot_general3A = arith.constant dense<0.000000e+00> : vector<16000x128xf32>
    %dot_general3A_65 = tpu.matmul %convert_element_type3A, %get3A_64, %dot_general3A {dimension_numbers = #tpu.dot_dimension_numbers<[0], [0], [1], [1], [0, 1, 1, 1], [], []>, transpose_lhs_hint = false} : vector<24x16000xbf16>, vector<24x128xbf16>, vector<16000x128xf32> -> vector<16000x128xf32>
    %get3A_66 = arith.constant 0 : index
    %get3A_67 = arith.constant 0 : index
    %get3A_68 = vector.load %arg5[%get3A_66, %get3A_67] : memref<1x128xf32, #tpu.memory_space<vmem>>, vector<1x128xf32>
    %add3A = vector.broadcast %get3A_68 : vector<1x128xf32> to vector<16000x128xf32>
    %add3A_69 = arith.addf %dot_general3A_65, %add3A : vector<16000x128xf32>
    %mul3A_70 = arith.constant 5.000000e-01 : f32
    %mul3A_71 = vector.broadcast %mul3A_70 : f32 to vector<16000x128xf32>
    %mul3A_72 = arith.mulf %mul3A_71, %add3A_69 : vector<16000x128xf32>
    %mul3A_73 = arith.constant 5.000000e-01 : f32
    %mul3A_74 = vector.broadcast %mul3A_73 : f32 to vector<16000x128xf32>
    %mul3A_75 = arith.mulf %mul3A_74, %add3A_69 : vector<16000x128xf32>
    %tanh3A = math.tanh %mul3A_75 : vector<16000x128xf32>
    %add3A_76 = arith.constant 1.000000e+00 : f32
    %add3A_77 = vector.broadcast %add3A_76 : f32 to vector<16000x128xf32>
    %add3A_78 = arith.addf %add3A_77, %tanh3A : vector<16000x128xf32>
    %mul3A_79 = arith.mulf %mul3A_72, %add3A_78 : vector<16000x128xf32>
    %iota3A = tpu.iota {dimensions = array<i32: 0>} : vector<120x16000xi32>
    %eq3A = vector.broadcast %get3A_8 : vector<1x16000xi32> to vector<120x16000xi32>
    %eq3A_80 = arith.cmpi eq, %iota3A, %eq3A : vector<120x16000xi32>
    %convert_element_type3A_81 = arith.extui %eq3A_80 : vector<120x16000xi1> to vector<120x16000xi32>
    %convert_element_type3A_82 = arith.sitofp %convert_element_type3A_81 : vector<120x16000xi32> to vector<120x16000xf32>
    %convert_element_type3A_83 = arith.truncf %convert_element_type3A_82 : vector<120x16000xf32> to vector<120x16000xbf16>
    %eq3A_84 = vector.broadcast %get3A_13 : vector<1x16000xi32> to vector<120x16000xi32>
    %eq3A_85 = arith.cmpi eq, %iota3A, %eq3A_84 : vector<120x16000xi32>
    %convert_element_type3A_86 = arith.extui %eq3A_85 : vector<120x16000xi1> to vector<120x16000xi32>
    %convert_element_type3A_87 = arith.sitofp %convert_element_type3A_86 : vector<120x16000xi32> to vector<120x16000xf32>
    %convert_element_type3A_88 = arith.truncf %convert_element_type3A_87 : vector<120x16000xf32> to vector<120x16000xbf16>
    %convert_element_type3A_89 = arith.truncf %mul3A_79 : vector<16000x128xf32> to vector<16000x128xbf16>
    %get3A_90 = arith.constant 0 : index
    %get3A_91 = arith.constant 0 : index
    %get3A_92 = vector.load %arg6[%get3A_90, %get3A_91] : memref<128x128xbf16, #tpu.memory_space<vmem>>, vector<128x128xbf16>
    %dot_general3A_93 = arith.constant dense<0.000000e+00> : vector<16000x128xf32>
    %dot_general3A_94 = tpu.matmul %convert_element_type3A_89, %get3A_92, %dot_general3A_93 {dimension_numbers = #tpu.dot_dimension_numbers<[1], [0], [0], [1], [0, 0, 1, 1], [], []>, transpose_lhs_hint = false} : vector<16000x128xbf16>, vector<128x128xbf16>, vector<16000x128xf32> -> vector<16000x128xf32>
    %get3A_95 = arith.constant 0 : index
    %get3A_96 = arith.constant 0 : index
    %get3A_97 = vector.load %arg7[%get3A_95, %get3A_96] : memref<120x128xbf16, #tpu.memory_space<vmem>>, vector<120x128xbf16>
    %dot_general3A_98 = arith.constant dense<0.000000e+00> : vector<16000x128xf32>
    %dot_general3A_99 = tpu.matmul %convert_element_type3A_83, %get3A_97, %dot_general3A_98 {dimension_numbers = #tpu.dot_dimension_numbers<[0], [0], [1], [1], [0, 1, 1, 1], [], []>, transpose_lhs_hint = false} : vector<120x16000xbf16>, vector<120x128xbf16>, vector<16000x128xf32> -> vector<16000x128xf32>
    %add3A_100 = arith.addf %dot_general3A_94, %dot_general3A_99 : vector<16000x128xf32>
    %get3A_101 = arith.constant 0 : index
    %get3A_102 = arith.constant 0 : index
    %get3A_103 = vector.load %arg8[%get3A_101, %get3A_102] : memref<120x128xbf16, #tpu.memory_space<vmem>>, vector<120x128xbf16>
    %dot_general3A_104 = arith.constant dense<0.000000e+00> : vector<16000x128xf32>
    %dot_general3A_105 = tpu.matmul %convert_element_type3A_88, %get3A_103, %dot_general3A_104 {dimension_numbers = #tpu.dot_dimension_numbers<[0], [0], [1], [1], [0, 1, 1, 1], [], []>, transpose_lhs_hint = false} : vector<120x16000xbf16>, vector<120x128xbf16>, vector<16000x128xf32> -> vector<16000x128xf32>
    %add3A_106 = arith.addf %add3A_100, %dot_general3A_105 : vector<16000x128xf32>
    %get3A_107 = arith.constant 0 : index
    %get3A_108 = arith.constant 0 : index
    %get3A_109 = vector.load %arg9[%get3A_107, %get3A_108] : memref<1x128xf32, #tpu.memory_space<vmem>>, vector<1x128xf32>
    %add3A_110 = vector.broadcast %get3A_109 : vector<1x128xf32> to vector<16000x128xf32>
    %add3A_111 = arith.addf %add3A_106, %add3A_110 : vector<16000x128xf32>
    %mul3A_112 = arith.constant 5.000000e-01 : f32
    %mul3A_113 = vector.broadcast %mul3A_112 : f32 to vector<16000x128xf32>
    %mul3A_114 = arith.mulf %mul3A_113, %add3A_111 : vector<16000x128xf32>
    %mul3A_115 = arith.constant 5.000000e-01 : f32
    %mul3A_116 = vector.broadcast %mul3A_115 : f32 to vector<16000x128xf32>
    %mul3A_117 = arith.mulf %mul3A_116, %add3A_111 : vector<16000x128xf32>
    %tanh3A_118 = math.tanh %mul3A_117 : vector<16000x128xf32>
    %add3A_119 = arith.constant 1.000000e+00 : f32
    %add3A_120 = vector.broadcast %add3A_119 : f32 to vector<16000x128xf32>
    %add3A_121 = arith.addf %add3A_120, %tanh3A_118 : vector<16000x128xf32>
    %mul3A_122 = arith.mulf %mul3A_114, %add3A_121 : vector<16000x128xf32>
    %convert_element_type3A_123 = arith.truncf %mul3A_122 : vector<16000x128xf32> to vector<16000x128xbf16>
    %get3A_124 = arith.constant 0 : index
    %get3A_125 = arith.constant 0 : index
    %get3A_126 = vector.load %arg10[%get3A_124, %get3A_125] : memref<128x128xbf16, #tpu.memory_space<vmem>>, vector<128x128xbf16>
    %dot_general3A_127 = arith.constant dense<0.000000e+00> : vector<16000x128xf32>
    %dot_general3A_128 = tpu.matmul %convert_element_type3A_123, %get3A_126, %dot_general3A_127 {dimension_numbers = #tpu.dot_dimension_numbers<[1], [0], [0], [1], [0, 0, 1, 1], [], []>, transpose_lhs_hint = false} : vector<16000x128xbf16>, vector<128x128xbf16>, vector<16000x128xf32> -> vector<16000x128xf32>
    %get3A_129 = arith.constant 0 : index
    %get3A_130 = arith.constant 0 : index
    %get3A_131 = vector.load %arg11[%get3A_129, %get3A_130] : memref<1x128xf32, #tpu.memory_space<vmem>>, vector<1x128xf32>
    %add3A_132 = vector.broadcast %get3A_131 : vector<1x128xf32> to vector<16000x128xf32>
    %add3A_133 = arith.addf %dot_general3A_128, %add3A_132 : vector<16000x128xf32>
    %swap3A = arith.constant 0 : index
    %swap3A_134 = arith.constant 0 : index
    %swap3A_135 = vector.load %arg12[%swap3A, %swap3A_134] : memref<16000x128xf32, #tpu.memory_space<vmem>>, vector<16000x128xf32>
    tpu.vector_store %arg12[%swap3A, %swap3A_134], %add3A_133 {strides = array<i32>} : memref<16000x128xf32, #tpu.memory_space<vmem>>, vector<16000x128xf32>,
    return
  }
  func.func @transform_0(%arg0: i32) -> (i32, i32, i32) {
    %c0_i32 = arith.constant 0 : i32
    %c0_i32_0 = arith.constant 0 : i32
    %c0_i32_1 = arith.constant 0 : i32
    return %arg0, %c0_i32, %c0_i32_0 : i32, i32, i32
  }
  func.func @transform_1(%arg0: i32) -> (i32, i32, i32) {
    %c0_i32 = arith.constant 0 : i32
    %c0_i32_0 = arith.constant 0 : i32
    %c0_i32_1 = arith.constant 0 : i32
    return %arg0, %c0_i32, %c0_i32_0 : i32, i32, i32
  }
  func.func @transform_2(%arg0: i32) -> (i32, i32, i32) {
    %c0_i32 = arith.constant 0 : i32
    %c0_i32_0 = arith.constant 0 : i32
    %c0_i32_1 = arith.constant 0 : i32
    return %arg0, %c0_i32, %c0_i32_0 : i32, i32, i32
  }
  func.func @transform_3(%arg0: i32) -> (i32, i32) {
    %c0_i32 = arith.constant 0 : i32
    %c0_i32_0 = arith.constant 0 : i32
    %c0_i32_1 = arith.constant 0 : i32
    return %c0_i32, %c0_i32_0 : i32, i32
  }
  func.func @transform_4(%arg0: i32) -> (i32, i32) {
    %c0_i32 = arith.constant 0 : i32
    %c0_i32_0 = arith.constant 0 : i32
    %c0_i32_1 = arith.constant 0 : i32
    return %c0_i32, %c0_i32_0 : i32, i32
  }
  func.func @transform_5(%arg0: i32) -> (i32, i32) {
    %c0_i32 = arith.constant 0 : i32
    %c0_i32_0 = arith.constant 0 : i32
    %c0_i32_1 = arith.constant 0 : i32
    return %c0_i32, %c0_i32_0 : i32, i32
  }
  func.func @transform_6(%arg0: i32) -> (i32, i32) {
    %c0_i32 = arith.constant 0 : i32
    %c0_i32_0 = arith.constant 0 : i32
    %c0_i32_1 = arith.constant 0 : i32
    return %c0_i32, %c0_i32_0 : i32, i32
  }
  func.func @transform_7(%arg0: i32) -> (i32, i32) {
    %c0_i32 = arith.constant 0 : i32
    %c0_i32_0 = arith.constant 0 : i32
    %c0_i32_1 = arith.constant 0 : i32
    return %c0_i32, %c0_i32_0 : i32, i32
  }
  func.func @transform_8(%arg0: i32) -> (i32, i32) {
    %c0_i32 = arith.constant 0 : i32
    %c0_i32_0 = arith.constant 0 : i32
    %c0_i32_1 = arith.constant 0 : i32
    return %c0_i32, %c0_i32_0 : i32, i32
  }
  func.func @transform_9(%arg0: i32) -> (i32, i32) {
    %c0_i32 = arith.constant 0 : i32
    %c0_i32_0 = arith.constant 0 : i32
    %c0_i32_1 = arith.constant 0 : i32
    return %c0_i32, %c0_i32_0 : i32, i32
  }
  func.func @transform_10(%arg0: i32) -> (i32, i32) {
    %c0_i32 = arith.constant 0 : i32
    %c0_i32_0 = arith.constant 0 : i32
    %c0_i32_1 = arith.constant 0 : i32
    return %c0_i32, %c0_i32_0 : i32, i32
  }
  func.func @transform_11(%arg0: i32) -> (i32, i32) {
    %c0_i32 = arith.constant 0 : i32
    %c0_i32_0 = arith.constant 0 : i32
    return %arg0, %c0_i32 : i32, i32
  }
}

module attributes {stable_mosaic.version = 14 : i64} {
  func.func @_final_body(%arg0: i32, %arg1: memref<1000x128xf32, #tpu.memory_space<vmem>>, %arg2: memref<1000x128xf32, #tpu.memory_space<vmem>>, %arg3: memref<1000x128xf32, #tpu.memory_space<vmem>>, %arg4: memref<1000x128xf32, #tpu.memory_space<vmem>>, %arg5: memref<1000x128xf32, #tpu.memory_space<vmem>>) attributes {dimension_semantics = [#tpu.dimension_semantics<arbitrary>], iteration_bounds = array<i64: 10>, scalar_prefetch = 0 : i64, scratch_operands = 0 : i64, tpu.core_type = #tpu.core_type<tc>, window_params = [{transform_indices = @transform_0, window_bounds = array<i64: 1000, 128>}, {transform_indices = @transform_1, window_bounds = array<i64: 1000, 128>}, {transform_indices = @transform_2, window_bounds = array<i64: 1000, 128>}, {transform_indices = @transform_3, window_bounds = array<i64: 1000, 128>}, {transform_indices = @transform_4, window_bounds = array<i64: 1000, 128>}]} {
    %get3A = arith.constant 0 : index
    %get3A_0 = arith.constant 0 : index
    %get3A_1 = vector.load %arg1[%get3A, %get3A_0] : memref<1000x128xf32, #tpu.memory_space<vmem>>, vector<1000x128xf32>
    %get3A_2 = arith.constant 0 : index
    %get3A_3 = arith.constant 0 : index
    %get3A_4 = vector.load %arg2[%get3A_2, %get3A_3] : memref<1000x128xf32, #tpu.memory_space<vmem>>, vector<1000x128xf32>
    %add3A = arith.addf %get3A_1, %get3A_4 : vector<1000x128xf32>
    %get3A_5 = arith.constant 0 : index
    %get3A_6 = arith.constant 0 : index
    %get3A_7 = vector.load %arg3[%get3A_5, %get3A_6] : memref<1000x128xf32, #tpu.memory_space<vmem>>, vector<1000x128xf32>
    %get3A_8 = arith.constant 0 : index
    %get3A_9 = arith.constant 0 : index
    %get3A_10 = vector.load %arg4[%get3A_8, %get3A_9] : memref<1000x128xf32, #tpu.memory_space<vmem>>, vector<1000x128xf32>
    %add3A_11 = arith.addf %get3A_7, %get3A_10 : vector<1000x128xf32>
    %add3A_12 = arith.addf %add3A, %add3A_11 : vector<1000x128xf32>
    %swap3A = arith.constant 0 : index
    %swap3A_13 = arith.constant 0 : index
    %swap3A_14 = vector.load %arg5[%swap3A, %swap3A_13] : memref<1000x128xf32, #tpu.memory_space<vmem>>, vector<1000x128xf32>
    tpu.vector_store %arg5[%swap3A, %swap3A_13], %add3A_12 {strides = array<i32>} : memref<1000x128xf32, #tpu.memory_space<vmem>>, vector<1000x128xf32>,
    return
  }
  func.func @transform_0(%arg0: i32) -> (i32, i32) {
    %c0_i32 = arith.constant 0 : i32
    %c0_i32_0 = arith.constant 0 : i32
    return %arg0, %c0_i32 : i32, i32
  }
  func.func @transform_1(%arg0: i32) -> (i32, i32) {
    %add3A = arith.constant 10 : i32
    %add3A_0 = arith.addi %arg0, %add3A : i32
    %c0_i32 = arith.constant 0 : i32
    %c0_i32_1 = arith.constant 0 : i32
    return %add3A_0, %c0_i32 : i32, i32
  }
  func.func @transform_2(%arg0: i32) -> (i32, i32) {
    %c0_i32 = arith.constant 0 : i32
    %c0_i32_0 = arith.constant 0 : i32
    return %arg0, %c0_i32 : i32, i32
  }
  func.func @transform_3(%arg0: i32) -> (i32, i32) {
    %add3A = arith.constant 10 : i32
    %add3A_0 = arith.addi %arg0, %add3A : i32
    %c0_i32 = arith.constant 0 : i32
    %c0_i32_1 = arith.constant 0 : i32
    return %add3A_0, %c0_i32 : i32, i32
  }
  func.func @transform_4(%arg0: i32) -> (i32, i32) {
    %c0_i32 = arith.constant 0 : i32
    %c0_i32_0 = arith.constant 0 : i32
    return %arg0, %c0_i32 : i32, i32
  }
}

</mosaic_0001>

<sc_bundles>
// kernel: kernel.12.cloned.1.call-start
scs
__scs_entry_jumppad:
0x0: {  	(pc) =	sbr.rel $0x88, $3  }
0x1: {  	(tag) =	ssettag $0x0;
	lr =	simm.s32 $0x1  }
0x2: {  	[smem:$0x3F8D] =	sst lr;
	_ =	strace $0xD0000000  }
0x3: {  	_ = 	snop  }
0x4: {  	_ = 	snop  }
0x5: {  	_ = 	snop  }
0x6: {  	_ = 	snop  }
0x7: {  	_ = 	snop  }
__scs_overlays_trampoline_lowered:
0x8: {  	[smem:$0x3F9C] =	sst s0  }
0x9: {  	[smem:$0x3F9D] =	sst s1  }
0xa: {  	[smem:$0x3F9E] =	sst s2  }
0xb: {  	[smem:$0x3F9F] =	sst s3  }
0xc: {  	[smem:$0x3FA0] =	sst s4  }
0xd: {  	[smem:$0x3FA1] =	sst s5  }
0xe: {  	[smem:$0x3FA2] =	sst s6  }
0xf: {  	[smem:$0x3FA3] =	sst s7  }
0x10: {  	[smem:$0x3FA4] =	sst s8  }
0x11: {  	[smem:$0x3FA5] =	sst s9;
	s0 =	simm.s32 @!p0 $0x0  }
0x12: {  	s1 =	sld [smem:$0x3F8B];
	s0 =	simm.s32 @p0 $0x1  }
0x13: {  	[smem:$0x3FA6] =	sst s0;
	s0 =	simm.s32 @!p1 $0x0  }
0x14: {  	s2 =	sld [smem:$0x3F8A];
	s0 =	simm.s32 @p1 $0x1  }
0x15: {  	[smem:$0x3FA7] =	sst s0;
	s0 =	simm.s32 @!p2 $0x0  }
0x16: {  	s3 =	sld [smem:$0x3FDB];
	s0 =	simm.s32 @p2 $0x1  }
0x17: {  	s4 =	simm.s32 $0x1BF5;
	[smem:$0x3FA9] =	sst s0  }
0x18: {  	s0 =	sld [smem:$0x3F8C];
	_ =	swait.ge [sflag:s4], $0x0  }
0x19: {  	s7 =	sld [smem:$0x3F8D]  }
0x1a: {  	s8 =	sadd.s32 $0xFFFFE003, lr  }
0x1b: {  	s9 =	sadd.s32 $0xFFFFFEF7, lr;
	s5 =	simm.s32 $0xFFFFFFFF;
	p2 =	slt.u32 s8, $0xFFFFF086  }
0x1c: {  	p1 =	slt.u32 s9, $0xF7A;
	s5 =	simm.s32 @!p2 $0x0  }
0x1d: {  	s5 =	simm.s32 @p1 $0x1;
	p0 =	seq.s32 s7, s2  }
0x1e: {  	s7 =	smul.u32 @!p0 $0xF7A, s2;
	p2 =	seq.s32 @!p0 s5, $0x0  }
0x1f: {  	s9 =	smul.u32 $0xF7A, s1;
	s8 =	simm.s32 @!p0 $0x1BF5;
	p2 =	por !p2, p0  }
0x20: {  	[sflag:s8] =	ssyncset.s32 @!p0 $0xFFFFF086;
	s6 =	sadd.s32 @!p0 s3, s7;
	s7 =	simm.s32 @!p0 $0x108  }
0x21: {  	s3 =	sadd.s32 s3, s9;
	s6 =	sadd.s32 @!p0 $0x88, s6;
	s7 =	simm.s32 @p2 $0x1082  }
0x22: {  	[simem:s7], [sflag:s8] =	dma.local @!p0 [hbm:s6], $0xF7A  }
0x23: {  	s9 =	sor.u32 $0xD0000000, s2;
	s6 =	simm.s32 $0x108;
	_ =	swait.ge @!p0 [sflag:s8], $0x0  }
0x24: {  	s3 =	sadd.s32 $0x88, s3;
	s6 =	simm.s32 @!p1 $0x1082;
	[sflag:s4] =	ssyncset.s32 $0xFFFFF086  }
0x25: {  	[simem:s6], [sflag:s4] =	dma.local [hbm:s3], $0xF7A  }
0x26: {  	[smem:$0x3F8D] =	sst s1;
	(tag) =	ssettag s2;
	_ =	strace s9  }
0x27: {  	s1 =	sld [smem:$0x3F9D]  }
0x28: {  	s2 =	sld [smem:$0x3F9E]  }
0x29: {  	s4 =	sld [smem:$0x3FA0]  }
0x2a: {  	p0 =	seq.s32 s5, $0x0;
	s5 =	sld [smem:$0x3FA1]  }
0x2b: {  	s6 =	sld [smem:$0x3FA2]  }
0x2c: {  	s7 =	sld [smem:$0x3FA3]  }
0x2d: {  	s3 =	simm.s32 $0x108;
	s8 =	sld [smem:$0x3FA4]  }
0x2e: {  	s3 =	simm.s32 @!p0 $0x1082;
	s9 =	sld [smem:$0x3FA5]  }
0x2f: {  	lr =	sadd.s32 s0, s3;
	s0 =	sld [smem:$0x3F9C]  }
0x30: {  	s3 =	sld [smem:$0x3F9F]  }
0x31: {  	[smem:$0x3FA8] =	sst s10  }
0x32: {  	s10 =	sld [smem:$0x3FA6];
	_ =	sdelay $0x3  }
0x33: {  	p0 =	seq.s32 s10, $0x1;
	s10 =	sld [smem:$0x3FA8];
	_ =	sdelay $0x3  }
0x34: {  	[smem:$0x3FA8] =	sst s10  }
0x35: {  	s10 =	sld [smem:$0x3FA7];
	_ =	sdelay $0x3  }
0x36: {  	p1 =	seq.s32 s10, $0x1;
	s10 =	sld [smem:$0x3FA8];
	_ =	sdelay $0x3  }
0x37: {  	[smem:$0x3FA8] =	sst s10  }
0x38: {  	s10 =	sld [smem:$0x3FA9]  }
0x39: {  	_ = 	snop;
	(pc) =	sbr.ind lr, $3  }
0x3a: {  	_ = 	snop  }
0x3b: {  	_ = 	snop  }
0x3c: {  	p2 =	seq.s32 s10, $0x1;
	s10 =	sld [smem:$0x3FA8]  }
0x3d: {  	_ =	shalt  }
0x3e: {  	_ =	shalt  }
0x3f: {  	_ =	shalt  }
0x40: {  	_ =	shalt  }
0x41: {  	_ =	shalt  }
0x42: {  	_ =	shalt  }
0x43: {  	_ =	shalt  }
0x44: {  	_ =	shalt  }
0x45: {  	_ =	shalt  }
0x46: {  	_ =	shalt  }
0x47: {  	_ =	shalt  }
0x48: {  	_ =	shalt  }
0x49: {  	_ =	shalt  }
0x4a: {  	_ =	shalt  }
0x4b: {  	_ =	shalt  }
0x4c: {  	_ =	shalt  }
0x4d: {  	_ =	shalt  }
0x4e: {  	_ =	shalt  }
0x4f: {  	_ =	shalt  }
0x50: {  	_ =	shalt  }
0x51: {  	_ =	shalt  }
0x52: {  	_ =	shalt  }
0x53: {  	_ =	shalt  }
0x54: {  	_ =	shalt  }
0x55: {  	_ =	shalt  }
0x56: {  	_ =	shalt  }
0x57: {  	_ =	shalt  }
0x58: {  	_ =	shalt  }
0x59: {  	_ =	shalt  }
0x5a: {  	_ =	shalt  }
0x5b: {  	_ =	shalt  }
0x5c: {  	_ =	shalt  }
0x5d: {  	_ =	shalt  }
0x5e: {  	_ =	shalt  }
0x5f: {  	_ =	shalt  }
0x60: {  	_ =	shalt  }
0x61: {  	_ =	shalt  }
0x62: {  	_ =	shalt  }
0x63: {  	_ =	shalt  }
0x64: {  	_ =	shalt  }
0x65: {  	_ =	shalt  }
0x66: {  	_ =	shalt  }
0x67: {  	_ =	shalt  }
0x68: {  	_ =	shalt  }
0x69: {  	_ =	shalt  }
0x6a: {  	_ =	shalt  }
0x6b: {  	_ =	shalt  }
0x6c: {  	_ =	shalt  }
0x6d: {  	_ =	shalt  }
0x6e: {  	_ =	shalt  }
0x6f: {  	_ =	shalt  }
0x70: {  	_ =	shalt  }
0x71: {  	_ =	shalt  }
0x72: {  	_ =	shalt  }
0x73: {  	_ =	shalt  }
0x74: {  	_ =	shalt  }
0x75: {  	_ =	shalt  }
0x76: {  	_ =	shalt  }
0x77: {  	_ =	shalt  }
0x78: {  	_ =	shalt  }
0x79: {  	_ =	shalt  }
0x7a: {  	_ =	shalt  }
0x7b: {  	_ =	shalt  }
0x7c: {  	_ =	shalt  }
0x7d: {  	_ =	shalt  }
0x7e: {  	_ =	shalt  }
0x7f: {  	_ =	shalt  }
0x80: {  	_ =	shalt  }
0x81: {  	_ =	shalt  }
0x82: {  	_ =	shalt  }
0x83: {  	_ =	shalt  }
0x84: {  	_ =	shalt  }
0x85: {  	_ =	shalt  }
0x86: {  	_ =	shalt  }
0x87: {  	_ =	shalt  }
.Lfunc_end0:
.L_simem_size_0:
called_computation.1_lowered:
.L_overlay_start_0:
0x88: {  	s2 =	sld [smem:$0x3FD9]  }
0x89: {  	s3 =	sld [smem:$0x3FFE];
	_ =	sdelay $0x1  }
0x8a: {  	s1 =	srdreg.scid  }
0x8b: {  	s0 =	sand.u32 $0x1, s1  }
0x8c: {  	s17 =	sshll.u32 s0, $0xA;
	s2 =	sadd.s32 s3, s2  }
0x8d: {  	s2 =	sadd.s32 s2, s17  }
0x8e: {  	[smem:$0x3FB4] =	sst s2  }
0x8f: {  	_ = 	snop  }
0x90: {  	s18 =	sld [smem:$0x3FD0];
	(tm) =	ssettm $0x1  }
0x91: {  	s19 =	sld [smem:$0x3FFB];
	_ =	sdelay $0x3  }
0x92: {  	_ =	strace s19  }
0x93: {  	s2 =	sld [smem:$0x3FFC];
	_ =	sdelay $0x3  }
0x94: {  	_ =	strace s2  }
0x95: {  	s2 =	sld [smem:$0x3FFD];
	_ =	sdelay $0x3  }
0x96: {  	_ =	strace s2  }
0x97: {  	_ =	strace $0x8FFFFFFF  }
0x98: {  	s20 =	sld [smem:$0x3FDB];
	_ =	sdelay $0x1  }
0x99: {  	s4 =	simm.s32 $_scs_section_size  }
0x9a: {  	s5 =	simm.s32 $_size__tile_overlayer_lowered;
	s6 =	simm.s32 $_tile_overlayer_lowered  }
0x9b: {  	s7 =	simm.s32 $0x1BFF;
	s21 =	sshll.u32 s6, $0x1;
	s4 =	sadd.s32 s4, s20  }
0x9c: {  	s22 =	simm.s32 $0x0;
	s5 =	sshll.u32 s5, $0x1;
	s6 =	sadd.s32 s21, s4  }
0x9d: {  	[timem:s22], [sflag:s7] =	dma.local [hbm:s6], s5  }
0x9e: {  	_ =	swait.ge [sflag:s7], s5  }
0x9f: {  	s5 =	ssub.s32 $0x0, s5;
	[sflag:s7] =	ssyncset.done $0x0  }
0xa0: {  	[sflag:s7] =	ssyncadd.s32 s5;
	_ =	sdelay $0x1  }
0xa1: {  	s23 =	simm.s32 $0x1B8B  }
0xa2: {  	_ =	swait.ge [sflag:s23], $0x1  }
0xa3: {  	[sflag:s23] =	ssyncset.done $0x0  }
0xa4: {  	[sflag:s23] =	ssyncadd.s32 $0xFFFFFFFF  }
0xa5: {  	s5 =	sld [smem:$0x0]  }
0xa6: {  	s6 =	sand.u32 $0xFFFFFFFE, s1  }
0xa7: {  	p0 =	sne.s32 s1, s6  }
0xa8: {  	s6 =	sshll.u32 @p0 s6, $0xE  }
0xa9: {  	s6 =	sadd.s32 @p0 $0x11B8D, s6;
	s7 =	sshll.u32 @p0 s5, $0x11  }
0xaa: {  	s6 =	sor.u32 @p0 s7, s6  }
0xab: {  	[sflag:s6] =	ssyncadd.remote.s32 @p0 $0x1;
	_ =	sdelay $0x1  }
0xac: {  	s6 =	simm.s32 @p0 $0x1B8D  }
0xad: {  	_ =	swait.eq @p0 [sflag:s6], $0x1  }
0xae: {  	[sflag:s6] =	ssyncadd.s32 @p0 $0xFFFFFFFF  }
0xaf: {  	s7 =	sshll.u32 @!p0 s1, $0xE  }
0xb0: {  	s7 =	sor.u32 @!p0 $0x4000, s7;
	s6 =	simm.s32 @!p0 $0x1B8D  }
0xb1: {  	s5 =	sshll.u32 @!p0 s5, $0x11;
	s7 =	sadd.s32 @!p0 $0x11B8D, s7;
	_ =	swait.eq @!p0 [sflag:s6], $0x1  }
0xb2: {  	s5 =	sor.u32 @!p0 s5, s7;
	[sflag:s6] =	ssyncadd.s32 @!p0 $0xFFFFFFFF  }
0xb3: {  	s25 =	simm.s32 $0x1B8E;
	s24 =	sld [smem:$0x3FFE];
	[sflag:s5] =	ssyncadd.remote.s32 @!p0 $0x1  }
0xb4: {  	s26 =	simm.s32 $execute0_lowered;
	[smem:$0x3FD2] =	sst s25  }
0xb5: {  	s6 =	sshll.u32 s26, $0x1;
	_ =	strace $0x8000004C;
	[dreg:$0x1] =	wrdreg $0xFFFFFFFF  }
0xb6: {  	s28 =	simm.s32 $_size_execute0_lowered;
	s4 =	sadd.s32 s4, s6;
	[dreg:$0x0] =	wrdreg $0x0  }
0xb7: {  	s6 =	sshll.u32 s28, $0x1;
	[dreg:$0x2] =	wrdreg s4  }
0xb8: {  	[dreg:$0x3] =	wrdreg s6  }
0xb9: {  	[dreg:$0x4] =	wrdreg $0xC0  }
0xba: {  	_ =	task [dreg:s22], $0x5FFFF  }
0xbb: {  	[dreg:$0x1] =	wrdreg $0xFFFFFFFF  }
0xbc: {  	[dreg:$0x0] =	wrdreg $0x60  }
0xbd: {  	[dreg:$0x2] =	wrdreg s24  }
0xbe: {  	[dreg:$0x3] =	wrdreg s18  }
0xbf: {  	[dreg:$0x4] =	wrdreg $0xBB000  }
0xc0: {  	[dreg:$0x5] =	wrdreg $0x9  }
0xc1: {  	_ =	task.clear_ibuf [dreg:s22], $0x6FFFF;
	_ =	strace $0x9000004C  }
0xc2: {  	s29 =	simm.s32 $0x9;
	_ =	strace $0x8000004E  }
0xc3: {  	_ =	swait.ge [sflag:s29], $0x1  }
0xc4: {  	[sflag:s29] =	ssyncadd.s32 $0xFFFFFFFF  }
0xc5: {  	_ =	strace $0x9000004E  }
0xc6: {  	_ =	sfence  }
0xc7: {  	s30 =	sld [smem:$0x0];
	_ =	sdelay $0x2  }
0xc8: {  	s31 =	sshll.u32 s1, $0xD;
	s1 =	sshrl.u32 s1, $0x2  }
0xc9: {  	s4 =	sand.u32 $0x4000, s31;
	s1 =	sadd.s32 s1, s30  }
0xca: {  	s0 =	sor.u32 s4, s0;
	s1 =	sshll.u32 s1, $0x11  }
0xcb: {  	s0 =	sor.u32 s1, s0  }
0xcc: {  	s0 =	sadd.s32 $0x8F2B, s0  }
0xcd: {  	[sflag:s0] =	ssyncadd.remote.s32 $0x1  }
0xce: {  	_ =	sfence.sel $0xFFFF  }
0xcf: {  	[dreg:$0x0] =	wrdreg $0xFFFFFFFF;
	(pc) =	sbr.abs _section_cstart, $3  }
0xd0: {  	[dreg:$0x1] =	wrdreg $0xFFFFFFFF  }
0xd1: {  	_ =	task.clear_ibuf [dreg:s22], $0x2FFFF;
	_ =	strace $0x9FFFFFFF  }
0xd2: {  	(tm) =	ssettm $0x7FFFFFFF  }
0xd3: {  	_ =	shalt  }
tec
execute0_lowered:
.L_overlay_start_1:
0x0: {  	(tag) =	ssettag $0x1  }
0x1: {  	s0 =	rddreg [dreg:$0x0]  }
0x2: {  	s2 =	rddreg [dreg:$0x1]  }
0x3: {  	s3 =	rddreg [dreg:$0x2]  }
0x4: {  	s1 =	srdreg.scid;
	s13 =	stileid.u32  }
0x5: {  	s4 =	simm.s32 $0x0;
	s28 =	simm.s32 $0x200;
	s31 =	simm.s32 $0x100  }
0x6: {  	s29 =	simm.s32 $0x68;
	s1 =	sand.u32 $0x1, s1;
	s14 =	smul.u32 $0x27100, s13  }
0x7: {  	[smem:$0x7FF] =	sst s4;
	s6 =	sadd.s32 $0x5000, s0;
	s16 =	smul.u32 $0x2710, s13  }
0x8: {  	_ =	strace $0x8000004D;
	[dreg:$0x4] =	wrdreg s6;
	s6 =	smul.u32 $0x270, s13  }
0x9: {  	s30 =	simm.s32 $0x3;
	s5 =	sshll.u32 s13, $0x1;
	s17 =	smul.u32 $0x1388, s1  }
0xa: {  	s7 =	sadd.s32 $0x559000, s0;
	s5 =	sor.u32 s1, s5;
	s18 =	smul.u32 $0x13880, s1  }
0xb: {  	s0 =	sadd.s32 $0xA3B000, s0;
	s23 =	ssub.s32 $0x2, s1;
	s8 =	smul.u32 $0x1388, s5  }
0xc: {  	p0 =	sne.s32 s13, $0xF;
	s9 =	sshrl.u32 s23, $0x1;
	s5 =	smul.u32 $0x13880, s5  }
0xd: {  	s9 =	ssub.s32 s23, s9;
	s20 =	sadd.s32 s17, s16;
	s10 =	sshrl.u32 s8, $0x3  }
0xe: {  	s5 =	sadd.s32 s7, s5;
	s24 =	sadd.s32 $0x68, s8;
	s25 =	sadd.s32 $0xD0, s8  }
0xf: {  	s8 =	sadd.s32 $0x1380, s8;
	s19 =	smax.u32 s9, $0x1;
	s21 =	sadd.s32 $0x138, s20  }
0x10: {  	s22 =	sadd.s32 $0xD0, s20;
	s23 =	sadd.s32 $0x68, s20;
	[dreg:$0x6] =	wrdreg s5  }
0x11: {  	s10 =	sadd.s32 s2, s10;
	s11 =	sshrl.u32 s24, $0x3;
	[dreg:$0xe] =	wrdreg s19  }
0x12: {  	s5 =	sshll.u32 s24, $0x4;
	s12 =	sshrl.u32 s25, $0x3;
	[dreg:$0xf] =	wrdreg s21  }
0x13: {  	s24 =	smul.u32 $0x2700, s13;
	[dreg:$0x5] =	wrdreg s10;
	s11 =	sadd.s32 s2, s11  }
0x14: {  	s5 =	sadd.s32 s7, s5;
	s26 =	sadd.s32 s2, s12;
	[dreg:$0x7] =	wrdreg s11  }
0x15: {  	s10 =	sshll.u32 s25, $0x4;
	s12 =	sshrl.u32 s8, $0x3;
	[dreg:$0x8] =	wrdreg s5  }
0x16: {  	s8 =	sshll.u32 s8, $0x4;
	[dreg:$0x9] =	wrdreg s26;
	s11 =	smul.u32 $0x138800, s1  }
0x17: {  	s5 =	sadd.s32 s7, s10;
	s8 =	sadd.s32 s7, s8;
	s7 =	sadd.s32 s14, s7  }
0x18: {  	s1 =	smul.u32 $0x27100, s1;
	s10 =	simm.s32 $0xB700;
	[dreg:$0xa] =	wrdreg s5  }
0x19: {  	s5 =	sadd.s32 s2, s12;
	[dreg:$0xc] =	wrdreg s8;
	s17 =	sadd.s32 s18, s7  }
0x1a: {  	s7 =	sshrl.u32 s23, $0x3;
	s23 =	simm.s32 $0x9E00;
	s8 =	simm.s32 $0x6  }
0x1b: {  	[dreg:$0xb] =	wrdreg s5;
	s15 =	sshrl.u32 s11, $0x3;
	s26 =	sadd.s32 s7, s2  }
0x1c: {  	s7 =	simm.s32 $0x5;
	s11 =	simm.s32 $0x0;
	s5 =	sadd.s32 s0, s15  }
0x1d: {  	s0 =	sadd.s32 s1, s0;
	[dreg:$0x11] =	wrdreg s26;
	s26 =	simm.s32 $0xB600  }
0x1e: {  	s1 =	simm.s32 $0x1;
	s5 =	sadd.s32 $0x26E00, s5;
	s21 =	sadd.s32 s24, s0  }
0x1f: {  	s24 =	simm.s32 $0x7;
	[dreg:$0xd] =	wrdreg s5;
	s5 =	sshrl.u32 s22, $0x3  }
0x20: {  	s0 =	simm.s32 $0x6A00;
	s22 =	sadd.s32 $0x20, s6;
	s25 =	sadd.s32 s5, s2  }
0x21: {  	v0 =	vlaneseq.u32;
	s5 =	simm.s32 $0x4;
	[dreg:$0x10] =	wrdreg s25;
	s25 =	simm.s32 $0x30  }
.LBB2_1:
0x22: {  	s9 =	rddreg [dreg:$0x4]  }
0x23: {  	[tilespmem:s23], [sflag:$0x7] =	stream.linear.gather [hbm4b:s9+s4], $0x1800, $0x38;
	[tilespmem:$0x1F380] =	vst v63  }
0x24: {  	_ =	swait.ge [sflag:s24], $0x1800  }
0x25: {  	s12 =	sadd.s32 $0x0, s6;
	[sflag:s24] =	ssyncset.done $0x0  }
0x26: {  	v1 =	vor.u32 s12, v0;
	s18 =	sadd.s32 $0x20, s12;
	s12 =	sadd.s32 $0x10, s12;
	[sflag:s24] =	ssyncadd.s32 $0xFFFFE800  }
0x27: {  	v2 =	vor.u32 s12, v0;
	[tilespmem:$0xB600] =	vst v1  }
0x28: {  	v1 =	vor.u32 s18, v0;
	[tilespmem:$0xB610] =	vst v2  }
0x29: {  	[tilespmem:$0xB620] =	vst v1  }
0x2a: {  	[spmem:s3] =	stream.indirect.scatter [tilespmem:s23], [sflag:$0x7], $0x80, s26, s25, $0xb8;
	[tilespmem:$0x1F380] =	vst v63  }
0x2b: {  	s12 =	simm.s32 $0x30;
	_ =	swait.ge [sflag:s24], $0x1800  }
.LBB2_2:
0x2c: {  	s18 =	sadd.s32 s12, s6;
	[sflag:s24] =	ssyncset.done $0x0;
	p1 =	sne.s32 s12, $0x240  }
.Ltmp0:
0x2d: {  	v1 =	vor.u32 s18, v0;
	s19 =	sadd.s32 $0x20, s18;
	[sflag:s24] =	ssyncadd.s32 $0xFFFFE800;
	(pc) =	sbr.rel @p1 .LBB2_2-.Ltmp0, $4  }
0x2e: {  	s12 =	sadd.s32 $0x30, s12;
	s18 =	sadd.s32 $0x10, s18;
	[tilespmem:$0xB600] =	vst v1;
	v1 =	vor.u32 s19, v0  }
0x2f: {  	v2 =	vor.u32 s18, v0;
	[tilespmem:$0xB620] =	vst v1  }
0x30: {  	[tilespmem:$0xB610] =	vst v2;
	[spmem:s3] =	stream.indirect.scatter [tilespmem:s23], [sflag:$0x7], $0x80, s26, s25, $0xb8  }
0x31: {  	_ =	swait.ge [sflag:s24], $0x1800  }
0x32: {  	[sflag:s24] =	ssyncset.done $0x0;
	v1 =	vlaneseq.u32 @!p0  }
0x33: {  	[sflag:s24] =	ssyncadd.s32 $0xFFFFE800;
	v2 =	vor.u32 @!p0 $0x26E0, v1  }
0x34: {  	[tilespmem:$0xB600] =	vst @!p0 v2;
	v2 =	vor.u32 @!p0 $0x26F0, v1  }
0x35: {  	v1 =	vor.u32 @!p0 $0x2700, v1;
	[tilespmem:$0xB610] =	vst @!p0 v2  }
0x36: {  	s12 =	simm.s32 @!p0 $0x30;
	s18 =	simm.s32 @!p0 $0xB600;
	s19 =	simm.s32 @!p0 $0x9E00;
	[tilespmem:$0xB620] =	vst @!p0 v1  }
0x37: {  	[spmem:s3] =	stream.indirect.scatter @!p0 [tilespmem:s19], [sflag:$0x7], $0x80, s18, s12, $0xb8;
	[tilespmem:$0x1F380] =	vst v63  }
0x38: {  	s12 =	simm.s32 @!p0 $0x7  }
0x39: {  	_ =	swait.ge @!p0 [sflag:s12], $0x1800  }
0x3a: {  	[sflag:s12] =	ssyncset.done @!p0 $0x0  }
0x3b: {  	[sflag:s12] =	ssyncadd.s32 @!p0 $0xFFFFE800  }
0x3c: {  	[bflag:$0x0] =	sbarrier.arrive $0xFFFF  }
0x3d: {  	s9 =	rddreg [dreg:$0x5]  }
0x3e: {  	s14 =	rddreg [dreg:$0x6]  }
0x3f: {  	s12 =	simm.s32 $0x0;
	s15 =	rddreg [dreg:$0x7]  }
0x40: {  	[tilespmem:s12], [sflag:$0x1] =	stream.linear.gather [hbm4b:s9+s12], $0x68, $0x38;
	[tilespmem:$0x1F380] =	vst v63  }
0x41: {  	s16 =	rddreg [dreg:$0x8]  }
0x42: {  	[tilespmem:s28], [sflag:$0x1] =	stream.linear.gather [hbm4b:s14+s12], $0x3400, $0x38;
	[tilespmem:$0x1F380] =	vst v63  }
0x43: {  	s13 =	simm.s32 $0x80;
	s19 =	rddreg [dreg:$0x9]  }
0x44: {  	[tilespmem:s13], [sflag:$0x2] =	stream.linear.gather [hbm4b:s15+s12], $0x68, $0x38;
	[tilespmem:$0x1F380] =	vst v63  }
0x45: {  	s18 =	simm.s32 $0x3600;
	s20 =	rddreg [dreg:$0xa]  }
0x46: {  	[tilespmem:s18], [sflag:$0x2] =	stream.linear.gather [hbm4b:s16+s12], $0x3400, $0x38;
	[tilespmem:$0x1F380] =	vst v63  }
0x47: {  	s18 =	rddreg [dreg:$0xf]  }
0x48: {  	[tilespmem:s31], [sflag:$0x3] =	stream.linear.gather [hbm4b:s19+s12], $0x68, $0x38;
	[tilespmem:$0x1F380] =	vst v63  }
0x49: {  	s19 =	rddreg [dreg:$0x10]  }
0x4a: {  	[tilespmem:s0], [sflag:$0x3] =	stream.linear.gather [hbm4b:s20+s12], $0x3400, $0x38;
	[tilespmem:$0x1F380] =	vst v63  }
0x4b: {  	s20 =	rddreg [dreg:$0x11]  }
.LBB2_4:
0x4c: {  	_ =	swait.ge [sflag:s1], $0x68  }
0x4d: {  	[sflag:s1] =	ssyncset.done $0x0  }
0x4e: {  	[sflag:s1] =	ssyncadd.s32 $0xFFFFFF98  }
0x4f: {  	_ =	swait.ge [sflag:s1], $0x3400  }
0x50: {  	p1 =	seq.s32 s12, $0x0;
	[sflag:s1] =	ssyncset.done $0x0  }
0x51: {  	s16 =	simm.s32 @p1 $0x2;
	[sflag:s1] =	ssyncadd.s32 $0xFFFFCC00  }
0x52: {  	[spmem:s3] =	stream.indirect.scatter.add.f32 [tilespmem:s28], [sflag:$0x4], $0x80, s4, s29, $0xb8;
	[tilespmem:$0x1F380] =	vst v63  }
0x53: {  	_ =	swait.ge @p1 [sflag:s16], $0x68  }
0x54: {  	[sflag:s16] =	ssyncset.done @p1 $0x0  }
0x55: {  	[sflag:s16] =	ssyncadd.s32 @p1 $0xFFFFFF98  }
0x56: {  	_ =	swait.ge @p1 [sflag:s16], $0x3400  }
0x57: {  	s15 =	simm.s32 @p1 $0x80;
	[sflag:s16] =	ssyncset.done @p1 $0x0  }
0x58: {  	s14 =	simm.s32 @p1 $0x3600;
	[sflag:s16] =	ssyncadd.s32 @p1 $0xFFFFCC00;
	s16 =	simm.s32 @p1 $0x68  }
0x59: {  	[spmem:s3] =	stream.indirect.scatter.add.f32 @p1 [tilespmem:s14], [sflag:$0x5], $0x80, s15, s16, $0xb8;
	[tilespmem:$0x1F380] =	vst v63  }
0x5a: {  	s14 =	simm.s32 @!p1 $0x5  }
0x5b: {  	_ =	swait.ge @!p1 [sflag:s14], $0x3400  }
0x5c: {  	s15 =	simm.s32 @!p1 $0x80;
	[sflag:s14] =	ssyncset.done @!p1 $0x0  }
0x5d: {  	s16 =	sadd.s32 @!p1 s12, s17;
	[sflag:s14] =	ssyncadd.s32 @!p1 $0xFFFFCC00;
	s14 =	simm.s32 @!p1 $0x0  }
0x5e: {  	[tilespmem:s15], [sflag:$0x2] =	stream.linear.gather @!p1 [hbm4b:s20+s14], $0x68, $0x38;
	[tilespmem:$0x1F380] =	vst v63  }
0x5f: {  	s9 =	simm.s32 @!p1 $0x3600;
	s13 =	sadd.s32 @!p1 $0x680, s16  }
0x60: {  	[tilespmem:s9], [sflag:$0x2] =	stream.linear.gather @!p1 [hbm4b:s13+s14], $0x3400, $0x38;
	[tilespmem:$0x1F380] =	vst v63  }
0x61: {  	s13 =	simm.s32 @!p1 $0x2  }
0x62: {  	_ =	swait.ge @!p1 [sflag:s13], $0x68  }
0x63: {  	[sflag:s13] =	ssyncset.done @!p1 $0x0  }
0x64: {  	[sflag:s13] =	ssyncadd.s32 @!p1 $0xFFFFFF98  }
0x65: {  	_ =	swait.ge @!p1 [sflag:s13], $0x3400  }
0x66: {  	[sflag:s13] =	ssyncset.done @!p1 $0x0  }
0x67: {  	[sflag:s13] =	ssyncadd.s32 @!p1 $0xFFFFCC00;
	s13 =	simm.s32 @!p1 $0x68  }
0x68: {  	[spmem:s3] =	stream.indirect.scatter.add.f32 @!p1 [tilespmem:s9], [sflag:$0x5], $0x80, s15, s13, $0xb8;
	[tilespmem:$0x1F380] =	vst v63  }
0x69: {  	s9 =	simm.s32 @!p1 $0x6  }
0x6a: {  	_ =	swait.ge @!p1 [sflag:s9], $0x3400  }
0x6b: {  	[sflag:s9] =	ssyncset.done @!p1 $0x0  }
0x6c: {  	[sflag:s9] =	ssyncadd.s32 @!p1 $0xFFFFCC00;
	s9 =	simm.s32 @!p1 $0x100  }
0x6d: {  	[tilespmem:s9], [sflag:$0x3] =	stream.linear.gather @!p1 [hbm4b:s19+s14], $0x68, $0x38;
	[tilespmem:$0x1F380] =	vst v63  }
0x6e: {  	s13 =	simm.s32 @!p1 $0x6A00;
	s9 =	sadd.s32 @!p1 $0xD00, s16  }
0x6f: {  	[tilespmem:s13], [sflag:$0x3] =	stream.linear.gather @!p1 [hbm4b:s9+s14], $0x3400, $0x38;
	[tilespmem:$0x1F380] =	vst v63  }
0x70: {  	_ =	swait.ge [sflag:s30], $0x68  }
0x71: {  	[sflag:s30] =	ssyncset.done $0x0  }
0x72: {  	[sflag:s30] =	ssyncadd.s32 $0xFFFFFF98  }
0x73: {  	_ =	swait.ge [sflag:s30], $0x3400  }
0x74: {  	p1 =	seq.s32 s12, $0x12480;
	[sflag:s30] =	ssyncset.done $0x0  }
.Ltmp1:
0x75: {  	[sflag:s30] =	ssyncadd.s32 $0xFFFFCC00;
	(pc) =	sbr.rel @p1 .LBB2_6-.Ltmp1, $4  }
0x76: {  	[spmem:s3] =	stream.indirect.scatter.add.f32 [tilespmem:s0], [sflag:$0x6], $0x80, s31, s29, $0xb8;
	[tilespmem:$0x1F380] =	vst v63  }
0x77: {  	_ =	swait.ge [sflag:s5], $0x3400  }
0x78: {  	[sflag:s5] =	ssyncset.done $0x0  }
0x79: {  	[sflag:s5] =	ssyncadd.s32 $0xFFFFCC00  }
.Ltmp2:
0x7a: {  	s9 =	sshrl.u32 s18, $0x3;
	s16 =	sadd.s32 s12, s17;
	(pc) =	sbr.rel .LBB2_4-.Ltmp2, $4  }
0x7b: {  	s12 =	sadd.s32 $0x1380, s12;
	s18 =	sadd.s32 $0x138, s18;
	s9 =	sadd.s32 s2, s9  }
0x7c: {  	[tilespmem:s4], [sflag:$0x1] =	stream.linear.gather [hbm4b:s9+s4], $0x68, $0x38;
	[tilespmem:$0x1F380] =	vst v63  }
0x7d: {  	s19 =	sadd.s32 $0x27, s19;
	s20 =	sadd.s32 $0x27, s20;
	s9 =	sadd.s32 $0x1380, s16  }
0x7e: {  	[tilespmem:s28], [sflag:$0x1] =	stream.linear.gather [hbm4b:s9+s4], $0x3400, $0x38;
	[tilespmem:$0x1F380] =	vst v63  }
.LBB2_6:
0x7f: {  	_ =	swait.ge [sflag:s7], $0x3400  }
0x80: {  	[sflag:s7] =	ssyncset.done $0x0  }
0x81: {  	[sflag:s7] =	ssyncadd.s32 $0xFFFFCC00  }
0x82: {  	_ =	swait.ge [sflag:s8], $0x3400  }
0x83: {  	s9 =	simm.s32 $0x0;
	[sflag:s8] =	ssyncset.done $0x0  }
0x84: {  	s13 =	simm.s32 $0xB680;
	s12 =	rddreg [dreg:$0xb];
	[sflag:s8] =	ssyncadd.s32 $0xFFFFCC00  }
0x85: {  	[tilespmem:s13], [sflag:$0x7] =	stream.linear.gather [hbm4b:s12+s9], $0x8, $0x38;
	[tilespmem:$0x1F380] =	vst v63  }
0x86: {  	_ =	swait.ge [sflag:s24], $0x8  }
0x87: {  	[sflag:s24] =	ssyncset.done $0x0  }
0x88: {  	s15 =	rddreg [dreg:$0xc];
	[sflag:s24] =	ssyncadd.s32 $0xFFFFFFF8  }
0x89: {  	[tilespmem:s10], [sflag:$0x7] =	stream.linear.gather [hbm4b:s15+s9], $0x400, $0x38;
	[tilespmem:$0x1F380] =	vst v63  }
0x8a: {  	_ =	swait.ge [sflag:s24], $0x400  }
0x8b: {  	[sflag:s24] =	ssyncset.done $0x0  }
0x8c: {  	s16 =	simm.s32 $0x8;
	[sflag:s24] =	ssyncadd.s32 $0xFFFFFC00  }
0x8d: {  	[spmem:s3] =	stream.indirect.scatter.add.f32 [tilespmem:s10], [sflag:$0x7], $0x80, s13, s16, $0xb8;
	[tilespmem:$0x1F380] =	vst v63  }
0x8e: {  	_ =	swait.ge [sflag:s24], $0x400  }
0x8f: {  	[sflag:s24] =	ssyncset.done $0x0  }
0x90: {  	[sflag:s24] =	ssyncadd.s32 $0xFFFFFC00  }
0x91: {  	s18 =	sadd.s32 $0xFFFFFFE0, s22;
	v1 =	vor.u32 s22, v0;
	[bflag:$0x0] =	sbarrier.arrive $0xFFFF  }
0x92: {  	s19 =	sadd.s32 $0xFFFFFFF0, s22;
	v2 =	vor.u32 s18, v0;
	[tilespmem:$0xB620] =	vst v1  }
0x93: {  	v1 =	vor.u32 s19, v0;
	[tilespmem:$0xB600] =	vst v2  }
0x94: {  	[tilespmem:$0xB610] =	vst v1  }
0x95: {  	[tilespmem:s23], [sflag:$0x7] =	stream.indirect.gather [spmem:s3], $0x80, s26, s25, $0xb8;
	[tilespmem:$0x1F380] =	vst v63  }
0x96: {  	_ =	swait.ge [sflag:s24], $0x1800  }
0x97: {  	[sflag:s24] =	ssyncset.done $0x0  }
0x98: {  	s20 =	sadd.s32 $0x0, s21;
	[sflag:s24] =	ssyncadd.s32 $0xFFFFE800  }
0x99: {  	[hbm4b:s20+s4] =	stream.linear.scatter [tilespmem:s23], [sflag:$0x7], $0x1800, $0x38;
	[tilespmem:$0x1F380] =	vst v63  }
0x9a: {  	s18 =	smov.u32 s22;
	s12 =	simm.s32 $0x300;
	_ =	swait.ge [sflag:s24], $0x1800  }
.LBB2_7:
0x9b: {  	p1 =	sne.s32 s12, $0x2400;
	[sflag:s24] =	ssyncset.done $0x0;
	s18 =	sadd.s32 $0x30, s18  }
0x9c: {  	s9 =	sadd.s32 $0xFFFFFFE0, s18;
	s13 =	sadd.s32 $0xFFFFFFF0, s18;
	v1 =	vor.u32 s18, v0;
	[sflag:s24] =	ssyncadd.s32 $0xFFFFE800  }
0x9d: {  	v2 =	vor.u32 s9, v0;
	v3 =	vor.u32 s13, v0;
	[tilespmem:$0xB620] =	vst v1;
	s9 =	smov.u32 s12;
	s12 =	sadd.s32 $0x300, s12  }
0x9e: {  	[tilespmem:$0xB600] =	vst v2  }
0x9f: {  	[tilespmem:$0xB610] =	vst v3  }
0xa0: {  	[tilespmem:s23], [sflag:$0x7] =	stream.indirect.gather [spmem:s3], $0x80, s26, s25, $0xb8;
	[tilespmem:$0x1F380] =	vst v63  }
.Ltmp3:
0xa1: {  	_ =	swait.ge [sflag:s24], $0x1800;
	(pc) =	sbr.rel @p1 .LBB2_7-.Ltmp3, $4  }
0xa2: {  	s9 =	sadd.s32 s9, s21;
	[sflag:s24] =	ssyncset.done $0x0  }
0xa3: {  	[sflag:s24] =	ssyncadd.s32 $0xFFFFE800  }
0xa4: {  	[hbm4b:s9+s4] =	stream.linear.scatter [tilespmem:s23], [sflag:$0x7], $0x1800, $0x38;
	[tilespmem:$0x1F380] =	vst v63  }
0xa5: {  	_ =	swait.ge [sflag:s24], $0x1800  }
0xa6: {  	[sflag:s24] =	ssyncset.done $0x0;
	v1 =	vlaneseq.u32 @!p0  }
0xa7: {  	[sflag:s24] =	ssyncadd.s32 $0xFFFFE800;
	v2 =	vor.u32 @!p0 $0x26E0, v1  }
0xa8: {  	[tilespmem:$0xB600] =	vst @!p0 v2;
	v2 =	vor.u32 @!p0 $0x26F0, v1  }
0xa9: {  	v1 =	vor.u32 @!p0 $0x2700, v1;
	[tilespmem:$0xB610] =	vst @!p0 v2  }
0xaa: {  	s9 =	simm.s32 @!p0 $0x30;
	s12 =	simm.s32 @!p0 $0xB600;
	s13 =	simm.s32 @!p0 $0x9E00;
	[tilespmem:$0xB620] =	vst @!p0 v1  }
0xab: {  	[tilespmem:s13], [sflag:$0x7] =	stream.indirect.gather @!p0 [spmem:s3], $0x80, s12, s9, $0xb8;
	[tilespmem:$0x1F380] =	vst v63  }
0xac: {  	s9 =	simm.s32 @!p0 $0x7  }
0xad: {  	_ =	swait.ge @!p0 [sflag:s9], $0x1800  }
0xae: {  	[sflag:s9] =	ssyncset.done @!p0 $0x0  }
0xaf: {  	s12 =	simm.s32 @!p0 $0x0;
	s14 =	rddreg [dreg:$0xd];
	[sflag:s9] =	ssyncadd.s32 @!p0 $0xFFFFE800  }
0xb0: {  	[hbm4b:s14+s12] =	stream.linear.scatter @!p0 [tilespmem:s13], [sflag:$0x7], $0x1800, $0x38;
	[tilespmem:$0x1F380] =	vst v63  }
0xb1: {  	_ =	swait.ge @!p0 [sflag:s9], $0x1800  }
0xb2: {  	s11 =	sadd.s32 $0x1, s11;
	s20 =	rddreg [dreg:$0xe]  }
0xb3: {  	p1 =	sne.s32 s11, s20  }
.Ltmp4:
0xb4: {  	_ = 	snop;
	(pc) =	sbr.rel @p1 .LBB2_1-.Ltmp4, $3  }
0xb5: {  	_ =	sdelay $0x1  }
0xb6: {  	[sflag:s9] =	ssyncset.done @!p0 $0x0  }
0xb7: {  	[sflag:s9] =	ssyncadd.s32 @!p0 $0xFFFFE800  }
0xb8: {  	_ =	sfence.sel $0x180000  }
0xb9: {  	[bflag:$0x0] =	sbarrier.arrive $0xFFFF  }
0xba: {  	_ =	strace $0x9000004D  }
0xbb: {  	s0 =	stileid.u32;
	[bflag:$0x2] =	sbarrier.arrive $0xFFFF  }
0xbc: {  	p0 =	sne.s32 s0, $0x0;
	s0 =	rddreg [dreg:$0x3]  }
0xbd: {  	s0 =	sadd.s32 @!p0 $0x100000, s0  }
0xbe: {  	[sflag:s0] =	ssyncadd.tile.s32 @!p0 $0x1;
	_ =	shalt  }
.Lfunc_end2:
_tile_overlayer_lowered:
.L_overlay_start_2:
0xbf: {  	(tag) =	ssettag $0x2  }
0xc0: {  	s0 =	rddreg [dreg:$0x0];
	s2 =	stileid.u32  }
0xc1: {  	s1 =	rddreg [dreg:$0x1];
	p0 =	sne.s32 s2, $0x0  }
0xc2: {  	s3 =	rddreg [dreg:$0x2];
	[bflag:$0x3] =	sbarrier.arrive $0xFFFF;
	s2 =	simm.s32 @!p0 $0x1C07  }
0xc3: {  	[timem:s3], [sflag:s2] =	dma.local @!p0 [hbm:s0], s1  }
0xc4: {  	s0 =	simm.s32 @!p0 $0x7  }
0xc5: {  	_ =	swait.ge @!p0 [sflag:s0], s1  }
0xc6: {  	s1 =	ssub.s32 @!p0 $0x0, s1;
	[sflag:s0] =	ssyncset.done @!p0 $0x0  }
0xc7: {  	[sflag:s0] =	ssyncadd.s32 @!p0 s1  }
0xc8: {  	[bflag:$0x3] =	sbarrier.arrive $0xFFFF  }
0xc9: {  	_ =	shalt  }

// kernel: kernel.15.cloned.1.call-start
scs
__scs_entry_jumppad:
0x0: {  	(pc) =	sbr.rel $0x88, $3  }
0x1: {  	(tag) =	ssettag $0x0;
	lr =	simm.s32 $0x1  }
0x2: {  	[smem:$0x3F8D] =	sst lr;
	_ =	strace $0xD0000000  }
0x3: {  	_ = 	snop  }
0x4: {  	_ = 	snop  }
0x5: {  	_ = 	snop  }
0x6: {  	_ = 	snop  }
0x7: {  	_ = 	snop  }
__scs_overlays_trampoline_lowered:
0x8: {  	[smem:$0x3F9C] =	sst s0  }
0x9: {  	[smem:$0x3F9D] =	sst s1  }
0xa: {  	[smem:$0x3F9E] =	sst s2  }
0xb: {  	[smem:$0x3F9F] =	sst s3  }
0xc: {  	[smem:$0x3FA0] =	sst s4  }
0xd: {  	[smem:$0x3FA1] =	sst s5  }
0xe: {  	[smem:$0x3FA2] =	sst s6  }
0xf: {  	[smem:$0x3FA3] =	sst s7  }
0x10: {  	[smem:$0x3FA4] =	sst s8  }
0x11: {  	[smem:$0x3FA5] =	sst s9;
	s0 =	simm.s32 @!p0 $0x0  }
0x12: {  	s1 =	sld [smem:$0x3F8B];
	s0 =	simm.s32 @p0 $0x1  }
0x13: {  	[smem:$0x3FA6] =	sst s0;
	s0 =	simm.s32 @!p1 $0x0  }
0x14: {  	s2 =	sld [smem:$0x3F8A];
	s0 =	simm.s32 @p1 $0x1  }
0x15: {  	[smem:$0x3FA7] =	sst s0;
	s0 =	simm.s32 @!p2 $0x0  }
0x16: {  	s3 =	sld [smem:$0x3FDB];
	s0 =	simm.s32 @p2 $0x1  }
0x17: {  	s4 =	simm.s32 $0x1BF5;
	[smem:$0x3FA9] =	sst s0  }
0x18: {  	s0 =	sld [smem:$0x3F8C];
	_ =	swait.ge [sflag:s4], $0x0  }
0x19: {  	s7 =	sld [smem:$0x3F8D]  }
0x1a: {  	s8 =	sadd.s32 $0xFFFFE003, lr  }
0x1b: {  	s9 =	sadd.s32 $0xFFFFFEF7, lr;
	s5 =	simm.s32 $0xFFFFFFFF;
	p2 =	slt.u32 s8, $0xFFFFF086  }
0x1c: {  	p1 =	slt.u32 s9, $0xF7A;
	s5 =	simm.s32 @!p2 $0x0  }
0x1d: {  	s5 =	simm.s32 @p1 $0x1;
	p0 =	seq.s32 s7, s2  }
0x1e: {  	s7 =	smul.u32 @!p0 $0xF7A, s2;
	p2 =	seq.s32 @!p0 s5, $0x0  }
0x1f: {  	s9 =	smul.u32 $0xF7A, s1;
	s8 =	simm.s32 @!p0 $0x1BF5;
	p2 =	por !p2, p0  }
0x20: {  	[sflag:s8] =	ssyncset.s32 @!p0 $0xFFFFF086;
	s6 =	sadd.s32 @!p0 s3, s7;
	s7 =	simm.s32 @!p0 $0x108  }
0x21: {  	s3 =	sadd.s32 s3, s9;
	s6 =	sadd.s32 @!p0 $0x88, s6;
	s7 =	simm.s32 @p2 $0x1082  }
0x22: {  	[simem:s7], [sflag:s8] =	dma.local @!p0 [hbm:s6], $0xF7A  }
0x23: {  	s9 =	sor.u32 $0xD0000000, s2;
	s6 =	simm.s32 $0x108;
	_ =	swait.ge @!p0 [sflag:s8], $0x0  }
0x24: {  	s3 =	sadd.s32 $0x88, s3;
	s6 =	simm.s32 @!p1 $0x1082;
	[sflag:s4] =	ssyncset.s32 $0xFFFFF086  }
0x25: {  	[simem:s6], [sflag:s4] =	dma.local [hbm:s3], $0xF7A  }
0x26: {  	[smem:$0x3F8D] =	sst s1;
	(tag) =	ssettag s2;
	_ =	strace s9  }
0x27: {  	s1 =	sld [smem:$0x3F9D]  }
0x28: {  	s2 =	sld [smem:$0x3F9E]  }
0x29: {  	s4 =	sld [smem:$0x3FA0]  }
0x2a: {  	p0 =	seq.s32 s5, $0x0;
	s5 =	sld [smem:$0x3FA1]  }
0x2b: {  	s6 =	sld [smem:$0x3FA2]  }
0x2c: {  	s7 =	sld [smem:$0x3FA3]  }
0x2d: {  	s3 =	simm.s32 $0x108;
	s8 =	sld [smem:$0x3FA4]  }
0x2e: {  	s3 =	simm.s32 @!p0 $0x1082;
	s9 =	sld [smem:$0x3FA5]  }
0x2f: {  	lr =	sadd.s32 s0, s3;
	s0 =	sld [smem:$0x3F9C]  }
0x30: {  	s3 =	sld [smem:$0x3F9F]  }
0x31: {  	[smem:$0x3FA8] =	sst s10  }
0x32: {  	s10 =	sld [smem:$0x3FA6];
	_ =	sdelay $0x3  }
0x33: {  	p0 =	seq.s32 s10, $0x1;
	s10 =	sld [smem:$0x3FA8];
	_ =	sdelay $0x3  }
0x34: {  	[smem:$0x3FA8] =	sst s10  }
0x35: {  	s10 =	sld [smem:$0x3FA7];
	_ =	sdelay $0x3  }
0x36: {  	p1 =	seq.s32 s10, $0x1;
	s10 =	sld [smem:$0x3FA8];
	_ =	sdelay $0x3  }
0x37: {  	[smem:$0x3FA8] =	sst s10  }
0x38: {  	s10 =	sld [smem:$0x3FA9]  }
0x39: {  	_ = 	snop;
	(pc) =	sbr.ind lr, $3  }
0x3a: {  	_ = 	snop  }
0x3b: {  	_ = 	snop  }
0x3c: {  	p2 =	seq.s32 s10, $0x1;
	s10 =	sld [smem:$0x3FA8]  }
0x3d: {  	_ =	shalt  }
0x3e: {  	_ =	shalt  }
0x3f: {  	_ =	shalt  }
0x40: {  	_ =	shalt  }
0x41: {  	_ =	shalt  }
0x42: {  	_ =	shalt  }
0x43: {  	_ =	shalt  }
0x44: {  	_ =	shalt  }
0x45: {  	_ =	shalt  }
0x46: {  	_ =	shalt  }
0x47: {  	_ =	shalt  }
0x48: {  	_ =	shalt  }
0x49: {  	_ =	shalt  }
0x4a: {  	_ =	shalt  }
0x4b: {  	_ =	shalt  }
0x4c: {  	_ =	shalt  }
0x4d: {  	_ =	shalt  }
0x4e: {  	_ =	shalt  }
0x4f: {  	_ =	shalt  }
0x50: {  	_ =	shalt  }
0x51: {  	_ =	shalt  }
0x52: {  	_ =	shalt  }
0x53: {  	_ =	shalt  }
0x54: {  	_ =	shalt  }
0x55: {  	_ =	shalt  }
0x56: {  	_ =	shalt  }
0x57: {  	_ =	shalt  }
0x58: {  	_ =	shalt  }
0x59: {  	_ =	shalt  }
0x5a: {  	_ =	shalt  }
0x5b: {  	_ =	shalt  }
0x5c: {  	_ =	shalt  }
0x5d: {  	_ =	shalt  }
0x5e: {  	_ =	shalt  }
0x5f: {  	_ =	shalt  }
0x60: {  	_ =	shalt  }
0x61: {  	_ =	shalt  }
0x62: {  	_ =	shalt  }
0x63: {  	_ =	shalt  }
0x64: {  	_ =	shalt  }
0x65: {  	_ =	shalt  }
0x66: {  	_ =	shalt  }
0x67: {  	_ =	shalt  }
0x68: {  	_ =	shalt  }
0x69: {  	_ =	shalt  }
0x6a: {  	_ =	shalt  }
0x6b: {  	_ =	shalt  }
0x6c: {  	_ =	shalt  }
0x6d: {  	_ =	shalt  }
0x6e: {  	_ =	shalt  }
0x6f: {  	_ =	shalt  }
0x70: {  	_ =	shalt  }
0x71: {  	_ =	shalt  }
0x72: {  	_ =	shalt  }
0x73: {  	_ =	shalt  }
0x74: {  	_ =	shalt  }
0x75: {  	_ =	shalt  }
0x76: {  	_ =	shalt  }
0x77: {  	_ =	shalt  }
0x78: {  	_ =	shalt  }
0x79: {  	_ =	shalt  }
0x7a: {  	_ =	shalt  }
0x7b: {  	_ =	shalt  }
0x7c: {  	_ =	shalt  }
0x7d: {  	_ =	shalt  }
0x7e: {  	_ =	shalt  }
0x7f: {  	_ =	shalt  }
0x80: {  	_ =	shalt  }
0x81: {  	_ =	shalt  }
0x82: {  	_ =	shalt  }
0x83: {  	_ =	shalt  }
0x84: {  	_ =	shalt  }
0x85: {  	_ =	shalt  }
0x86: {  	_ =	shalt  }
0x87: {  	_ =	shalt  }
.Lfunc_end0:
.L_simem_size_0:
called_computation.2_lowered:
.L_overlay_start_0:
0x88: {  	s2 =	sld [smem:$0x3FD9]  }
0x89: {  	s3 =	sld [smem:$0x3FFE];
	_ =	sdelay $0x1  }
0x8a: {  	s1 =	srdreg.scid  }
0x8b: {  	s0 =	sand.u32 $0x1, s1  }
0x8c: {  	s16 =	sshll.u32 s0, $0xA;
	s2 =	sadd.s32 s3, s2  }
0x8d: {  	s2 =	sadd.s32 s2, s16  }
0x8e: {  	[smem:$0x3FB4] =	sst s2  }
0x8f: {  	_ = 	snop  }
0x90: {  	(tm) =	ssettm $0x1  }
0x91: {  	s17 =	sld [smem:$0x3FFB];
	_ =	sdelay $0x3  }
0x92: {  	_ =	strace s17  }
0x93: {  	s2 =	sld [smem:$0x3FFC];
	_ =	sdelay $0x3  }
0x94: {  	_ =	strace s2  }
0x95: {  	s2 =	sld [smem:$0x3FFD];
	_ =	sdelay $0x3  }
0x96: {  	_ =	strace s2  }
0x97: {  	_ =	strace $0x8FFFFFFF  }
0x98: {  	s18 =	sld [smem:$0x3FDB];
	_ =	sdelay $0x1  }
0x99: {  	s19 =	simm.s32 $_scs_section_size  }
0x9a: {  	s4 =	simm.s32 $_size__tile_overlayer_lowered;
	s5 =	simm.s32 $_tile_overlayer_lowered  }
0x9b: {  	s22 =	simm.s32 $0x1BFF;
	s21 =	sshll.u32 s5, $0x1;
	s2 =	sadd.s32 s19, s18  }
0x9c: {  	s6 =	simm.s32 $0x0;
	s20 =	sshll.u32 s4, $0x1;
	s4 =	sadd.s32 s21, s2  }
0x9d: {  	[timem:s6], [sflag:s22] =	dma.local [hbm:s4], s20  }
0x9e: {  	_ =	swait.ge [sflag:s22], s20  }
0x9f: {  	s3 =	ssub.s32 $0x0, s20;
	[sflag:s22] =	ssyncset.done $0x0  }
0xa0: {  	[sflag:s22] =	ssyncadd.s32 s3;
	_ =	sdelay $0x1  }
0xa1: {  	s23 =	simm.s32 $0x1B8B  }
0xa2: {  	_ =	swait.ge [sflag:s23], $0x1  }
0xa3: {  	[sflag:s23] =	ssyncset.done $0x0  }
0xa4: {  	s25 =	simm.s32 $0x1B8E;
	s24 =	sld [smem:$0x3FFE];
	[sflag:s23] =	ssyncadd.s32 $0xFFFFFFFF  }
0xa5: {  	s26 =	simm.s32 $execute0_lowered;
	[smem:$0x3FD2] =	sst s25  }
0xa6: {  	s4 =	sshll.u32 s26, $0x1;
	_ =	strace $0x80000049;
	[dreg:$0x1] =	wrdreg $0xFFFFFFFF  }
0xa7: {  	s28 =	simm.s32 $_size_execute0_lowered;
	s2 =	sadd.s32 s2, s4;
	[dreg:$0x0] =	wrdreg $0x0  }
0xa8: {  	s4 =	sshll.u32 s28, $0x1;
	[dreg:$0x2] =	wrdreg s2  }
0xa9: {  	[dreg:$0x3] =	wrdreg s4  }
0xaa: {  	[dreg:$0x4] =	wrdreg $0xC0  }
0xab: {  	_ =	task [dreg:s6], $0x5FFFF  }
0xac: {  	[dreg:$0x1] =	wrdreg $0xFFFFFFFF  }
0xad: {  	[dreg:$0x0] =	wrdreg $0x60  }
0xae: {  	[dreg:$0x2] =	wrdreg s24  }
0xaf: {  	[dreg:$0x3] =	wrdreg $0xBB000  }
0xb0: {  	[dreg:$0x4] =	wrdreg $0xA  }
0xb1: {  	_ =	task.clear_ibuf [dreg:s6], $0x5FFFF;
	_ =	strace $0x90000049  }
0xb2: {  	s29 =	simm.s32 $0xA;
	_ =	strace $0x8000004B  }
0xb3: {  	_ =	swait.ge [sflag:s29], $0x1  }
0xb4: {  	[sflag:s29] =	ssyncadd.s32 $0xFFFFFFFF  }
0xb5: {  	_ =	strace $0x9000004B  }
0xb6: {  	_ =	sfence  }
0xb7: {  	s30 =	sld [smem:$0x0];
	_ =	sdelay $0x2  }
0xb8: {  	s31 =	sshll.u32 s1, $0xD;
	s1 =	sshrl.u32 s1, $0x2  }
0xb9: {  	s3 =	sand.u32 $0x4000, s31;
	s1 =	sadd.s32 s1, s30  }
0xba: {  	s0 =	sor.u32 s3, s0;
	s1 =	sshll.u32 s1, $0x11  }
0xbb: {  	s0 =	sor.u32 s1, s0  }
0xbc: {  	s0 =	sadd.s32 $0x8F2B, s0  }
0xbd: {  	[sflag:s0] =	ssyncadd.remote.s32 $0x1  }
0xbe: {  	_ =	sfence.sel $0xFFFF  }
0xbf: {  	[dreg:$0x0] =	wrdreg $0xFFFFFFFF;
	(pc) =	sbr.abs _section_cstart, $3  }
0xc0: {  	[dreg:$0x1] =	wrdreg $0xFFFFFFFF  }
0xc1: {  	_ =	task.clear_ibuf [dreg:s6], $0x2FFFF;
	_ =	strace $0x9FFFFFFF  }
0xc2: {  	(tm) =	ssettm $0x7FFFFFFF  }
0xc3: {  	_ =	shalt  }
tec
execute0_lowered:
.L_overlay_start_1:
0x0: {  	(tag) =	ssettag $0x1  }
0x1: {  	s0 =	rddreg [dreg:$0x0]  }
0x2: {  	s2 =	rddreg [dreg:$0x1]  }
0x3: {  	s3 =	simm.s32 $0x0;
	s1 =	srdreg.scid;
	s13 =	stileid.u32  }
0x4: {  	s28 =	simm.s32 $0x200;
	s31 =	simm.s32 $0x100;
	s29 =	simm.s32 $0x68  }
0x5: {  	s30 =	simm.s32 $0x3;
	[smem:$0x7FF] =	sst s3;
	s14 =	smul.u32 $0x27100, s13  }
0x6: {  	s1 =	sand.u32 $0x1, s1;
	s6 =	sadd.s32 $0x5000, s0;
	s16 =	smul.u32 $0x2710, s13  }
0x7: {  	_ =	strace $0x8000004A;
	[dreg:$0x3] =	wrdreg s6;
	s6 =	smul.u32 $0x270, s13  }
0x8: {  	s4 =	sshll.u32 s13, $0x1;
	s7 =	sadd.s32 $0x28E00, s0;
	s17 =	smul.u32 $0x1388, s1  }
0x9: {  	p0 =	sne.s32 s13, $0xF;
	s5 =	sor.u32 s1, s4;
	s18 =	smul.u32 $0x13880, s1  }
0xa: {  	s4 =	sadd.s32 $0x23E00, s0;
	s23 =	ssub.s32 $0x2, s1;
	s8 =	smul.u32 $0x1388, s5  }
0xb: {  	s0 =	sadd.s32 $0x50AE00, s0;
	s9 =	sshrl.u32 s23, $0x1;
	s5 =	smul.u32 $0x13880, s5  }
0xc: {  	s9 =	ssub.s32 s23, s9;
	s20 =	sadd.s32 s17, s16;
	s10 =	sshrl.u32 s8, $0x3  }
0xd: {  	s5 =	sadd.s32 s7, s5;
	s24 =	sadd.s32 $0x68, s8;
	s25 =	sadd.s32 $0xD0, s8  }
0xe: {  	s8 =	sadd.s32 $0x1380, s8;
	s19 =	smax.u32 s9, $0x1;
	s21 =	sadd.s32 $0x138, s20  }
0xf: {  	s22 =	sadd.s32 $0xD0, s20;
	s23 =	sadd.s32 $0x68, s20;
	[dreg:$0x5] =	wrdreg s5  }
0x10: {  	s10 =	sadd.s32 s4, s10;
	s11 =	sshrl.u32 s24, $0x3;
	[dreg:$0xd] =	wrdreg s19  }
0x11: {  	s5 =	sshll.u32 s24, $0x4;
	s12 =	sshrl.u32 s25, $0x3;
	[dreg:$0xe] =	wrdreg s21  }
0x12: {  	s24 =	smul.u32 $0x2700, s13;
	[dreg:$0x4] =	wrdreg s10;
	s11 =	sadd.s32 s4, s11  }
0x13: {  	s5 =	sadd.s32 s7, s5;
	s26 =	sadd.s32 s4, s12;
	[dreg:$0x6] =	wrdreg s11  }
0x14: {  	s10 =	sshll.u32 s25, $0x4;
	s12 =	sshrl.u32 s8, $0x3;
	[dreg:$0x7] =	wrdreg s5  }
0x15: {  	s8 =	sshll.u32 s8, $0x4;
	[dreg:$0x8] =	wrdreg s26;
	s11 =	smul.u32 $0x138800, s1  }
0x16: {  	s5 =	sadd.s32 s7, s10;
	s8 =	sadd.s32 s7, s8;
	s7 =	sadd.s32 s14, s7  }
0x17: {  	s1 =	smul.u32 $0x27100, s1;
	s10 =	simm.s32 $0xB700;
	[dreg:$0x9] =	wrdreg s5  }
0x18: {  	s5 =	sadd.s32 s4, s12;
	[dreg:$0xb] =	wrdreg s8;
	s17 =	sadd.s32 s18, s7  }
0x19: {  	s7 =	sshrl.u32 s23, $0x3;
	s23 =	simm.s32 $0x9E00;
	s8 =	simm.s32 $0x6  }
0x1a: {  	[dreg:$0xa] =	wrdreg s5;
	s15 =	sshrl.u32 s11, $0x3;
	s26 =	sadd.s32 s7, s4  }
0x1b: {  	s7 =	simm.s32 $0x5;
	s11 =	simm.s32 $0x0;
	s5 =	sadd.s32 s0, s15  }
0x1c: {  	s0 =	sadd.s32 s1, s0;
	[dreg:$0x10] =	wrdreg s26;
	s26 =	simm.s32 $0xB600  }
0x1d: {  	s1 =	simm.s32 $0x1;
	s5 =	sadd.s32 $0x26E00, s5;
	s21 =	sadd.s32 s24, s0  }
0x1e: {  	s24 =	simm.s32 $0x7;
	[dreg:$0xc] =	wrdreg s5;
	s5 =	sshrl.u32 s22, $0x3  }
0x1f: {  	s0 =	simm.s32 $0x6A00;
	s22 =	sadd.s32 $0x20, s6;
	s25 =	sadd.s32 s5, s4  }
0x20: {  	v0 =	vlaneseq.u32;
	s5 =	simm.s32 $0x4;
	[dreg:$0xf] =	wrdreg s25;
	s25 =	simm.s32 $0x30  }
.LBB2_1:
0x21: {  	s9 =	rddreg [dreg:$0x3]  }
0x22: {  	[tilespmem:s23], [sflag:$0x7] =	stream.linear.gather [hbm4b:s9+s3], $0x1800, $0x38;
	[tilespmem:$0x1F380] =	vst v63  }
0x23: {  	_ =	swait.ge [sflag:s24], $0x1800  }
0x24: {  	s12 =	sadd.s32 $0x0, s6;
	[sflag:s24] =	ssyncset.done $0x0  }
0x25: {  	v1 =	vor.u32 s12, v0;
	s18 =	sadd.s32 $0x20, s12;
	s12 =	sadd.s32 $0x10, s12;
	[sflag:s24] =	ssyncadd.s32 $0xFFFFE800  }
0x26: {  	v2 =	vor.u32 s12, v0;
	[tilespmem:$0xB600] =	vst v1  }
0x27: {  	v1 =	vor.u32 s18, v0;
	[tilespmem:$0xB610] =	vst v2  }
0x28: {  	[tilespmem:$0xB620] =	vst v1  }
0x29: {  	[spmem:s2] =	stream.indirect.scatter [tilespmem:s23], [sflag:$0x7], $0x80, s26, s25, $0xb8;
	[tilespmem:$0x1F380] =	vst v63  }
0x2a: {  	s12 =	simm.s32 $0x30;
	_ =	swait.ge [sflag:s24], $0x1800  }
.LBB2_2:
0x2b: {  	s18 =	sadd.s32 s12, s6;
	[sflag:s24] =	ssyncset.done $0x0;
	p1 =	sne.s32 s12, $0x240  }
.Ltmp0:
0x2c: {  	v1 =	vor.u32 s18, v0;
	s19 =	sadd.s32 $0x20, s18;
	[sflag:s24] =	ssyncadd.s32 $0xFFFFE800;
	(pc) =	sbr.rel @p1 .LBB2_2-.Ltmp0, $4  }
0x2d: {  	s12 =	sadd.s32 $0x30, s12;
	s18 =	sadd.s32 $0x10, s18;
	[tilespmem:$0xB600] =	vst v1;
	v1 =	vor.u32 s19, v0  }
0x2e: {  	v2 =	vor.u32 s18, v0;
	[tilespmem:$0xB620] =	vst v1  }
0x2f: {  	[tilespmem:$0xB610] =	vst v2;
	[spmem:s2] =	stream.indirect.scatter [tilespmem:s23], [sflag:$0x7], $0x80, s26, s25, $0xb8  }
0x30: {  	_ =	swait.ge [sflag:s24], $0x1800  }
0x31: {  	[sflag:s24] =	ssyncset.done $0x0;
	v1 =	vlaneseq.u32 @!p0  }
0x32: {  	[sflag:s24] =	ssyncadd.s32 $0xFFFFE800;
	v2 =	vor.u32 @!p0 $0x26E0, v1  }
0x33: {  	[tilespmem:$0xB600] =	vst @!p0 v2;
	v2 =	vor.u32 @!p0 $0x26F0, v1  }
0x34: {  	v1 =	vor.u32 @!p0 $0x2700, v1;
	[tilespmem:$0xB610] =	vst @!p0 v2  }
0x35: {  	s12 =	simm.s32 @!p0 $0x30;
	s18 =	simm.s32 @!p0 $0xB600;
	s19 =	simm.s32 @!p0 $0x9E00;
	[tilespmem:$0xB620] =	vst @!p0 v1  }
0x36: {  	[spmem:s2] =	stream.indirect.scatter @!p0 [tilespmem:s19], [sflag:$0x7], $0x80, s18, s12, $0xb8;
	[tilespmem:$0x1F380] =	vst v63  }
0x37: {  	s12 =	simm.s32 @!p0 $0x7  }
0x38: {  	_ =	swait.ge @!p0 [sflag:s12], $0x1800  }
0x39: {  	[sflag:s12] =	ssyncset.done @!p0 $0x0  }
0x3a: {  	[sflag:s12] =	ssyncadd.s32 @!p0 $0xFFFFE800  }
0x3b: {  	[bflag:$0x0] =	sbarrier.arrive $0xFFFF  }
0x3c: {  	s9 =	rddreg [dreg:$0x4]  }
0x3d: {  	s14 =	rddreg [dreg:$0x5]  }
0x3e: {  	s12 =	simm.s32 $0x0;
	s15 =	rddreg [dreg:$0x6]  }
0x3f: {  	[tilespmem:s12], [sflag:$0x1] =	stream.linear.gather [hbm4b:s9+s12], $0x68, $0x38;
	[tilespmem:$0x1F380] =	vst v63  }
0x40: {  	s16 =	rddreg [dreg:$0x7]  }
0x41: {  	[tilespmem:s28], [sflag:$0x1] =	stream.linear.gather [hbm4b:s14+s12], $0x3400, $0x38;
	[tilespmem:$0x1F380] =	vst v63  }
0x42: {  	s13 =	simm.s32 $0x80;
	s19 =	rddreg [dreg:$0x8]  }
0x43: {  	[tilespmem:s13], [sflag:$0x2] =	stream.linear.gather [hbm4b:s15+s12], $0x68, $0x38;
	[tilespmem:$0x1F380] =	vst v63  }
0x44: {  	s18 =	simm.s32 $0x3600;
	s20 =	rddreg [dreg:$0x9]  }
0x45: {  	[tilespmem:s18], [sflag:$0x2] =	stream.linear.gather [hbm4b:s16+s12], $0x3400, $0x38;
	[tilespmem:$0x1F380] =	vst v63  }
0x46: {  	s18 =	rddreg [dreg:$0xe]  }
0x47: {  	[tilespmem:s31], [sflag:$0x3] =	stream.linear.gather [hbm4b:s19+s12], $0x68, $0x38;
	[tilespmem:$0x1F380] =	vst v63  }
0x48: {  	s19 =	rddreg [dreg:$0xf]  }
0x49: {  	[tilespmem:s0], [sflag:$0x3] =	stream.linear.gather [hbm4b:s20+s12], $0x3400, $0x38;
	[tilespmem:$0x1F380] =	vst v63  }
0x4a: {  	s20 =	rddreg [dreg:$0x10]  }
.LBB2_4:
0x4b: {  	_ =	swait.ge [sflag:s1], $0x68  }
0x4c: {  	[sflag:s1] =	ssyncset.done $0x0  }
0x4d: {  	[sflag:s1] =	ssyncadd.s32 $0xFFFFFF98  }
0x4e: {  	_ =	swait.ge [sflag:s1], $0x3400  }
0x4f: {  	p1 =	seq.s32 s12, $0x0;
	[sflag:s1] =	ssyncset.done $0x0  }
0x50: {  	s16 =	simm.s32 @p1 $0x2;
	[sflag:s1] =	ssyncadd.s32 $0xFFFFCC00  }
0x51: {  	[spmem:s2] =	stream.indirect.scatter.add.f32 [tilespmem:s28], [sflag:$0x4], $0x80, s3, s29, $0xb8;
	[tilespmem:$0x1F380] =	vst v63  }
0x52: {  	_ =	swait.ge @p1 [sflag:s16], $0x68  }
0x53: {  	[sflag:s16] =	ssyncset.done @p1 $0x0  }
0x54: {  	[sflag:s16] =	ssyncadd.s32 @p1 $0xFFFFFF98  }
0x55: {  	_ =	swait.ge @p1 [sflag:s16], $0x3400  }
0x56: {  	s15 =	simm.s32 @p1 $0x80;
	[sflag:s16] =	ssyncset.done @p1 $0x0  }
0x57: {  	s14 =	simm.s32 @p1 $0x3600;
	[sflag:s16] =	ssyncadd.s32 @p1 $0xFFFFCC00;
	s16 =	simm.s32 @p1 $0x68  }
0x58: {  	[spmem:s2] =	stream.indirect.scatter.add.f32 @p1 [tilespmem:s14], [sflag:$0x5], $0x80, s15, s16, $0xb8;
	[tilespmem:$0x1F380] =	vst v63  }
0x59: {  	s14 =	simm.s32 @!p1 $0x5  }
0x5a: {  	_ =	swait.ge @!p1 [sflag:s14], $0x3400  }
0x5b: {  	s15 =	simm.s32 @!p1 $0x80;
	[sflag:s14] =	ssyncset.done @!p1 $0x0  }
0x5c: {  	s16 =	sadd.s32 @!p1 s12, s17;
	[sflag:s14] =	ssyncadd.s32 @!p1 $0xFFFFCC00;
	s14 =	simm.s32 @!p1 $0x0  }
0x5d: {  	[tilespmem:s15], [sflag:$0x2] =	stream.linear.gather @!p1 [hbm4b:s20+s14], $0x68, $0x38;
	[tilespmem:$0x1F380] =	vst v63  }
0x5e: {  	s9 =	simm.s32 @!p1 $0x3600;
	s13 =	sadd.s32 @!p1 $0x680, s16  }
0x5f: {  	[tilespmem:s9], [sflag:$0x2] =	stream.linear.gather @!p1 [hbm4b:s13+s14], $0x3400, $0x38;
	[tilespmem:$0x1F380] =	vst v63  }
0x60: {  	s13 =	simm.s32 @!p1 $0x2  }
0x61: {  	_ =	swait.ge @!p1 [sflag:s13], $0x68  }
0x62: {  	[sflag:s13] =	ssyncset.done @!p1 $0x0  }
0x63: {  	[sflag:s13] =	ssyncadd.s32 @!p1 $0xFFFFFF98  }
0x64: {  	_ =	swait.ge @!p1 [sflag:s13], $0x3400  }
0x65: {  	[sflag:s13] =	ssyncset.done @!p1 $0x0  }
0x66: {  	[sflag:s13] =	ssyncadd.s32 @!p1 $0xFFFFCC00;
	s13 =	simm.s32 @!p1 $0x68  }
0x67: {  	[spmem:s2] =	stream.indirect.scatter.add.f32 @!p1 [tilespmem:s9], [sflag:$0x5], $0x80, s15, s13, $0xb8;
	[tilespmem:$0x1F380] =	vst v63  }
0x68: {  	s9 =	simm.s32 @!p1 $0x6  }
0x69: {  	_ =	swait.ge @!p1 [sflag:s9], $0x3400  }
0x6a: {  	[sflag:s9] =	ssyncset.done @!p1 $0x0  }
0x6b: {  	[sflag:s9] =	ssyncadd.s32 @!p1 $0xFFFFCC00;
	s9 =	simm.s32 @!p1 $0x100  }
0x6c: {  	[tilespmem:s9], [sflag:$0x3] =	stream.linear.gather @!p1 [hbm4b:s19+s14], $0x68, $0x38;
	[tilespmem:$0x1F380] =	vst v63  }
0x6d: {  	s13 =	simm.s32 @!p1 $0x6A00;
	s9 =	sadd.s32 @!p1 $0xD00, s16  }
0x6e: {  	[tilespmem:s13], [sflag:$0x3] =	stream.linear.gather @!p1 [hbm4b:s9+s14], $0x3400, $0x38;
	[tilespmem:$0x1F380] =	vst v63  }
0x6f: {  	_ =	swait.ge [sflag:s30], $0x68  }
0x70: {  	[sflag:s30] =	ssyncset.done $0x0  }
0x71: {  	[sflag:s30] =	ssyncadd.s32 $0xFFFFFF98  }
0x72: {  	_ =	swait.ge [sflag:s30], $0x3400  }
0x73: {  	p1 =	seq.s32 s12, $0x12480;
	[sflag:s30] =	ssyncset.done $0x0  }
.Ltmp1:
0x74: {  	[sflag:s30] =	ssyncadd.s32 $0xFFFFCC00;
	(pc) =	sbr.rel @p1 .LBB2_6-.Ltmp1, $4  }
0x75: {  	[spmem:s2] =	stream.indirect.scatter.add.f32 [tilespmem:s0], [sflag:$0x6], $0x80, s31, s29, $0xb8;
	[tilespmem:$0x1F380] =	vst v63  }
0x76: {  	_ =	swait.ge [sflag:s5], $0x3400  }
0x77: {  	[sflag:s5] =	ssyncset.done $0x0  }
0x78: {  	[sflag:s5] =	ssyncadd.s32 $0xFFFFCC00  }
.Ltmp2:
0x79: {  	s9 =	sshrl.u32 s18, $0x3;
	s16 =	sadd.s32 s12, s17;
	(pc) =	sbr.rel .LBB2_4-.Ltmp2, $4  }
0x7a: {  	s12 =	sadd.s32 $0x1380, s12;
	s18 =	sadd.s32 $0x138, s18;
	s9 =	sadd.s32 s4, s9  }
0x7b: {  	[tilespmem:s3], [sflag:$0x1] =	stream.linear.gather [hbm4b:s9+s3], $0x68, $0x38;
	[tilespmem:$0x1F380] =	vst v63  }
0x7c: {  	s19 =	sadd.s32 $0x27, s19;
	s20 =	sadd.s32 $0x27, s20;
	s9 =	sadd.s32 $0x1380, s16  }
0x7d: {  	[tilespmem:s28], [sflag:$0x1] =	stream.linear.gather [hbm4b:s9+s3], $0x3400, $0x38;
	[tilespmem:$0x1F380] =	vst v63  }
.LBB2_6:
0x7e: {  	_ =	swait.ge [sflag:s7], $0x3400  }
0x7f: {  	[sflag:s7] =	ssyncset.done $0x0  }
0x80: {  	[sflag:s7] =	ssyncadd.s32 $0xFFFFCC00  }
0x81: {  	_ =	swait.ge [sflag:s8], $0x3400  }
0x82: {  	s9 =	simm.s32 $0x0;
	[sflag:s8] =	ssyncset.done $0x0  }
0x83: {  	s13 =	simm.s32 $0xB680;
	s12 =	rddreg [dreg:$0xa];
	[sflag:s8] =	ssyncadd.s32 $0xFFFFCC00  }
0x84: {  	[tilespmem:s13], [sflag:$0x7] =	stream.linear.gather [hbm4b:s12+s9], $0x8, $0x38;
	[tilespmem:$0x1F380] =	vst v63  }
0x85: {  	_ =	swait.ge [sflag:s24], $0x8  }
0x86: {  	[sflag:s24] =	ssyncset.done $0x0  }
0x87: {  	s15 =	rddreg [dreg:$0xb];
	[sflag:s24] =	ssyncadd.s32 $0xFFFFFFF8  }
0x88: {  	[tilespmem:s10], [sflag:$0x7] =	stream.linear.gather [hbm4b:s15+s9], $0x400, $0x38;
	[tilespmem:$0x1F380] =	vst v63  }
0x89: {  	_ =	swait.ge [sflag:s24], $0x400  }
0x8a: {  	[sflag:s24] =	ssyncset.done $0x0  }
0x8b: {  	s16 =	simm.s32 $0x8;
	[sflag:s24] =	ssyncadd.s32 $0xFFFFFC00  }
0x8c: {  	[spmem:s2] =	stream.indirect.scatter.add.f32 [tilespmem:s10], [sflag:$0x7], $0x80, s13, s16, $0xb8;
	[tilespmem:$0x1F380] =	vst v63  }
0x8d: {  	_ =	swait.ge [sflag:s24], $0x400  }
0x8e: {  	[sflag:s24] =	ssyncset.done $0x0  }
0x8f: {  	[sflag:s24] =	ssyncadd.s32 $0xFFFFFC00  }
0x90: {  	s18 =	sadd.s32 $0xFFFFFFE0, s22;
	v1 =	vor.u32 s22, v0;
	[bflag:$0x0] =	sbarrier.arrive $0xFFFF  }
0x91: {  	s19 =	sadd.s32 $0xFFFFFFF0, s22;
	v2 =	vor.u32 s18, v0;
	[tilespmem:$0xB620] =	vst v1  }
0x92: {  	v1 =	vor.u32 s19, v0;
	[tilespmem:$0xB600] =	vst v2  }
0x93: {  	[tilespmem:$0xB610] =	vst v1  }
0x94: {  	[tilespmem:s23], [sflag:$0x7] =	stream.indirect.gather [spmem:s2], $0x80, s26, s25, $0xb8;
	[tilespmem:$0x1F380] =	vst v63  }
0x95: {  	_ =	swait.ge [sflag:s24], $0x1800  }
0x96: {  	[sflag:s24] =	ssyncset.done $0x0  }
0x97: {  	s20 =	sadd.s32 $0x0, s21;
	[sflag:s24] =	ssyncadd.s32 $0xFFFFE800  }
0x98: {  	[hbm4b:s20+s3] =	stream.linear.scatter [tilespmem:s23], [sflag:$0x7], $0x1800, $0x38;
	[tilespmem:$0x1F380] =	vst v63  }
0x99: {  	s18 =	smov.u32 s22;
	s12 =	simm.s32 $0x300;
	_ =	swait.ge [sflag:s24], $0x1800  }
.LBB2_7:
0x9a: {  	p1 =	sne.s32 s12, $0x2400;
	[sflag:s24] =	ssyncset.done $0x0;
	s18 =	sadd.s32 $0x30, s18  }
0x9b: {  	s9 =	sadd.s32 $0xFFFFFFE0, s18;
	s13 =	sadd.s32 $0xFFFFFFF0, s18;
	v1 =	vor.u32 s18, v0;
	[sflag:s24] =	ssyncadd.s32 $0xFFFFE800  }
0x9c: {  	v2 =	vor.u32 s9, v0;
	v3 =	vor.u32 s13, v0;
	[tilespmem:$0xB620] =	vst v1;
	s9 =	smov.u32 s12;
	s12 =	sadd.s32 $0x300, s12  }
0x9d: {  	[tilespmem:$0xB600] =	vst v2  }
0x9e: {  	[tilespmem:$0xB610] =	vst v3  }
0x9f: {  	[tilespmem:s23], [sflag:$0x7] =	stream.indirect.gather [spmem:s2], $0x80, s26, s25, $0xb8;
	[tilespmem:$0x1F380] =	vst v63  }
.Ltmp3:
0xa0: {  	_ =	swait.ge [sflag:s24], $0x1800;
	(pc) =	sbr.rel @p1 .LBB2_7-.Ltmp3, $4  }
0xa1: {  	s9 =	sadd.s32 s9, s21;
	[sflag:s24] =	ssyncset.done $0x0  }
0xa2: {  	[sflag:s24] =	ssyncadd.s32 $0xFFFFE800  }
0xa3: {  	[hbm4b:s9+s3] =	stream.linear.scatter [tilespmem:s23], [sflag:$0x7], $0x1800, $0x38;
	[tilespmem:$0x1F380] =	vst v63  }
0xa4: {  	_ =	swait.ge [sflag:s24], $0x1800  }
0xa5: {  	[sflag:s24] =	ssyncset.done $0x0;
	v1 =	vlaneseq.u32 @!p0  }
0xa6: {  	[sflag:s24] =	ssyncadd.s32 $0xFFFFE800;
	v2 =	vor.u32 @!p0 $0x26E0, v1  }
0xa7: {  	[tilespmem:$0xB600] =	vst @!p0 v2;
	v2 =	vor.u32 @!p0 $0x26F0, v1  }
0xa8: {  	v1 =	vor.u32 @!p0 $0x2700, v1;
	[tilespmem:$0xB610] =	vst @!p0 v2  }
0xa9: {  	s9 =	simm.s32 @!p0 $0x30;
	s12 =	simm.s32 @!p0 $0xB600;
	s13 =	simm.s32 @!p0 $0x9E00;
	[tilespmem:$0xB620] =	vst @!p0 v1  }
0xaa: {  	[tilespmem:s13], [sflag:$0x7] =	stream.indirect.gather @!p0 [spmem:s2], $0x80, s12, s9, $0xb8;
	[tilespmem:$0x1F380] =	vst v63  }
0xab: {  	s9 =	simm.s32 @!p0 $0x7  }
0xac: {  	_ =	swait.ge @!p0 [sflag:s9], $0x1800  }
0xad: {  	[sflag:s9] =	ssyncset.done @!p0 $0x0  }
0xae: {  	s12 =	simm.s32 @!p0 $0x0;
	s14 =	rddreg [dreg:$0xc];
	[sflag:s9] =	ssyncadd.s32 @!p0 $0xFFFFE800  }
0xaf: {  	[hbm4b:s14+s12] =	stream.linear.scatter @!p0 [tilespmem:s13], [sflag:$0x7], $0x1800, $0x38;
	[tilespmem:$0x1F380] =	vst v63  }
0xb0: {  	_ =	swait.ge @!p0 [sflag:s9], $0x1800  }
0xb1: {  	s11 =	sadd.s32 $0x1, s11;
	s20 =	rddreg [dreg:$0xd]  }
0xb2: {  	p1 =	sne.s32 s11, s20  }
.Ltmp4:
0xb3: {  	_ = 	snop;
	(pc) =	sbr.rel @p1 .LBB2_1-.Ltmp4, $3  }
0xb4: {  	_ =	sdelay $0x1  }
0xb5: {  	[sflag:s9] =	ssyncset.done @!p0 $0x0  }
0xb6: {  	[sflag:s9] =	ssyncadd.s32 @!p0 $0xFFFFE800  }
0xb7: {  	_ =	sfence.sel $0x180000  }
0xb8: {  	[bflag:$0x0] =	sbarrier.arrive $0xFFFF  }
0xb9: {  	_ =	strace $0x9000004A  }
0xba: {  	s0 =	stileid.u32;
	[bflag:$0x2] =	sbarrier.arrive $0xFFFF  }
0xbb: {  	p0 =	sne.s32 s0, $0x0;
	s0 =	rddreg [dreg:$0x2]  }
0xbc: {  	s0 =	sadd.s32 @!p0 $0x100000, s0  }
0xbd: {  	[sflag:s0] =	ssyncadd.tile.s32 @!p0 $0x1;
	_ =	shalt  }
.Lfunc_end2:
_tile_overlayer_lowered:
.L_overlay_start_2:
0xbe: {  	(tag) =	ssettag $0x2  }
0xbf: {  	s0 =	rddreg [dreg:$0x0];
	s2 =	stileid.u32  }
0xc0: {  	s1 =	rddreg [dreg:$0x1];
	p0 =	sne.s32 s2, $0x0  }
0xc1: {  	s3 =	rddreg [dreg:$0x2];
	[bflag:$0x3] =	sbarrier.arrive $0xFFFF;
	s2 =	simm.s32 @!p0 $0x1C07  }
0xc2: {  	[timem:s3], [sflag:s2] =	dma.local @!p0 [hbm:s0], s1  }
0xc3: {  	s0 =	simm.s32 @!p0 $0x7  }
0xc4: {  	_ =	swait.ge @!p0 [sflag:s0], s1  }
0xc5: {  	s1 =	ssub.s32 @!p0 $0x0, s1;
	[sflag:s0] =	ssyncset.done @!p0 $0x0  }
0xc6: {  	[sflag:s0] =	ssyncadd.s32 @!p0 s1  }
0xc7: {  	[bflag:$0x3] =	sbarrier.arrive $0xFFFF  }
0xc8: {  	_ =	shalt  }

// kernel: kernel.9.cloned.1.call-start
scs
__scs_entry_jumppad:
0x0: {  	(pc) =	sbr.rel $0x88, $3  }
0x1: {  	(tag) =	ssettag $0x0;
	lr =	simm.s32 $0x1  }
0x2: {  	[smem:$0x3F8D] =	sst lr;
	_ =	strace $0xD0000000  }
0x3: {  	_ = 	snop  }
0x4: {  	_ = 	snop  }
0x5: {  	_ = 	snop  }
0x6: {  	_ = 	snop  }
0x7: {  	_ = 	snop  }
__scs_overlays_trampoline_lowered:
0x8: {  	[smem:$0x3F9C] =	sst s0  }
0x9: {  	[smem:$0x3F9D] =	sst s1  }
0xa: {  	[smem:$0x3F9E] =	sst s2  }
0xb: {  	[smem:$0x3F9F] =	sst s3  }
0xc: {  	[smem:$0x3FA0] =	sst s4  }
0xd: {  	[smem:$0x3FA1] =	sst s5  }
0xe: {  	[smem:$0x3FA2] =	sst s6  }
0xf: {  	[smem:$0x3FA3] =	sst s7  }
0x10: {  	[smem:$0x3FA4] =	sst s8  }
0x11: {  	[smem:$0x3FA5] =	sst s9;
	s0 =	simm.s32 @!p0 $0x0  }
0x12: {  	s1 =	sld [smem:$0x3F8B];
	s0 =	simm.s32 @p0 $0x1  }
0x13: {  	[smem:$0x3FA6] =	sst s0;
	s0 =	simm.s32 @!p1 $0x0  }
0x14: {  	s2 =	sld [smem:$0x3F8A];
	s0 =	simm.s32 @p1 $0x1  }
0x15: {  	[smem:$0x3FA7] =	sst s0;
	s0 =	simm.s32 @!p2 $0x0  }
0x16: {  	s3 =	sld [smem:$0x3FDB];
	s0 =	simm.s32 @p2 $0x1  }
0x17: {  	s4 =	simm.s32 $0x1BF5;
	[smem:$0x3FA9] =	sst s0  }
0x18: {  	s0 =	sld [smem:$0x3F8C];
	_ =	swait.ge [sflag:s4], $0x0  }
0x19: {  	s7 =	sld [smem:$0x3F8D]  }
0x1a: {  	s8 =	sadd.s32 $0xFFFFE003, lr  }
0x1b: {  	s9 =	sadd.s32 $0xFFFFFEF7, lr;
	s5 =	simm.s32 $0xFFFFFFFF;
	p2 =	slt.u32 s8, $0xFFFFF086  }
0x1c: {  	p1 =	slt.u32 s9, $0xF7A;
	s5 =	simm.s32 @!p2 $0x0  }
0x1d: {  	s5 =	simm.s32 @p1 $0x1;
	p0 =	seq.s32 s7, s2  }
0x1e: {  	s7 =	smul.u32 @!p0 $0xF7A, s2;
	p2 =	seq.s32 @!p0 s5, $0x0  }
0x1f: {  	s9 =	smul.u32 $0xF7A, s1;
	s8 =	simm.s32 @!p0 $0x1BF5;
	p2 =	por !p2, p0  }
0x20: {  	[sflag:s8] =	ssyncset.s32 @!p0 $0xFFFFF086;
	s6 =	sadd.s32 @!p0 s3, s7;
	s7 =	simm.s32 @!p0 $0x108  }
0x21: {  	s3 =	sadd.s32 s3, s9;
	s6 =	sadd.s32 @!p0 $0x88, s6;
	s7 =	simm.s32 @p2 $0x1082  }
0x22: {  	[simem:s7], [sflag:s8] =	dma.local @!p0 [hbm:s6], $0xF7A  }
0x23: {  	s9 =	sor.u32 $0xD0000000, s2;
	s6 =	simm.s32 $0x108;
	_ =	swait.ge @!p0 [sflag:s8], $0x0  }
0x24: {  	s3 =	sadd.s32 $0x88, s3;
	s6 =	simm.s32 @!p1 $0x1082;
	[sflag:s4] =	ssyncset.s32 $0xFFFFF086  }
0x25: {  	[simem:s6], [sflag:s4] =	dma.local [hbm:s3], $0xF7A  }
0x26: {  	[smem:$0x3F8D] =	sst s1;
	(tag) =	ssettag s2;
	_ =	strace s9  }
0x27: {  	s1 =	sld [smem:$0x3F9D]  }
0x28: {  	s2 =	sld [smem:$0x3F9E]  }
0x29: {  	s4 =	sld [smem:$0x3FA0]  }
0x2a: {  	p0 =	seq.s32 s5, $0x0;
	s5 =	sld [smem:$0x3FA1]  }
0x2b: {  	s6 =	sld [smem:$0x3FA2]  }
0x2c: {  	s7 =	sld [smem:$0x3FA3]  }
0x2d: {  	s3 =	simm.s32 $0x108;
	s8 =	sld [smem:$0x3FA4]  }
0x2e: {  	s3 =	simm.s32 @!p0 $0x1082;
	s9 =	sld [smem:$0x3FA5]  }
0x2f: {  	lr =	sadd.s32 s0, s3;
	s0 =	sld [smem:$0x3F9C]  }
0x30: {  	s3 =	sld [smem:$0x3F9F]  }
0x31: {  	[smem:$0x3FA8] =	sst s10  }
0x32: {  	s10 =	sld [smem:$0x3FA6];
	_ =	sdelay $0x3  }
0x33: {  	p0 =	seq.s32 s10, $0x1;
	s10 =	sld [smem:$0x3FA8];
	_ =	sdelay $0x3  }
0x34: {  	[smem:$0x3FA8] =	sst s10  }
0x35: {  	s10 =	sld [smem:$0x3FA7];
	_ =	sdelay $0x3  }
0x36: {  	p1 =	seq.s32 s10, $0x1;
	s10 =	sld [smem:$0x3FA8];
	_ =	sdelay $0x3  }
0x37: {  	[smem:$0x3FA8] =	sst s10  }
0x38: {  	s10 =	sld [smem:$0x3FA9]  }
0x39: {  	_ = 	snop;
	(pc) =	sbr.ind lr, $3  }
0x3a: {  	_ = 	snop  }
0x3b: {  	_ = 	snop  }
0x3c: {  	p2 =	seq.s32 s10, $0x1;
	s10 =	sld [smem:$0x3FA8]  }
0x3d: {  	_ =	shalt  }
0x3e: {  	_ =	shalt  }
0x3f: {  	_ =	shalt  }
0x40: {  	_ =	shalt  }
0x41: {  	_ =	shalt  }
0x42: {  	_ =	shalt  }
0x43: {  	_ =	shalt  }
0x44: {  	_ =	shalt  }
0x45: {  	_ =	shalt  }
0x46: {  	_ =	shalt  }
0x47: {  	_ =	shalt  }
0x48: {  	_ =	shalt  }
0x49: {  	_ =	shalt  }
0x4a: {  	_ =	shalt  }
0x4b: {  	_ =	shalt  }
0x4c: {  	_ =	shalt  }
0x4d: {  	_ =	shalt  }
0x4e: {  	_ =	shalt  }
0x4f: {  	_ =	shalt  }
0x50: {  	_ =	shalt  }
0x51: {  	_ =	shalt  }
0x52: {  	_ =	shalt  }
0x53: {  	_ =	shalt  }
0x54: {  	_ =	shalt  }
0x55: {  	_ =	shalt  }
0x56: {  	_ =	shalt  }
0x57: {  	_ =	shalt  }
0x58: {  	_ =	shalt  }
0x59: {  	_ =	shalt  }
0x5a: {  	_ =	shalt  }
0x5b: {  	_ =	shalt  }
0x5c: {  	_ =	shalt  }
0x5d: {  	_ =	shalt  }
0x5e: {  	_ =	shalt  }
0x5f: {  	_ =	shalt  }
0x60: {  	_ =	shalt  }
0x61: {  	_ =	shalt  }
0x62: {  	_ =	shalt  }
0x63: {  	_ =	shalt  }
0x64: {  	_ =	shalt  }
0x65: {  	_ =	shalt  }
0x66: {  	_ =	shalt  }
0x67: {  	_ =	shalt  }
0x68: {  	_ =	shalt  }
0x69: {  	_ =	shalt  }
0x6a: {  	_ =	shalt  }
0x6b: {  	_ =	shalt  }
0x6c: {  	_ =	shalt  }
0x6d: {  	_ =	shalt  }
0x6e: {  	_ =	shalt  }
0x6f: {  	_ =	shalt  }
0x70: {  	_ =	shalt  }
0x71: {  	_ =	shalt  }
0x72: {  	_ =	shalt  }
0x73: {  	_ =	shalt  }
0x74: {  	_ =	shalt  }
0x75: {  	_ =	shalt  }
0x76: {  	_ =	shalt  }
0x77: {  	_ =	shalt  }
0x78: {  	_ =	shalt  }
0x79: {  	_ =	shalt  }
0x7a: {  	_ =	shalt  }
0x7b: {  	_ =	shalt  }
0x7c: {  	_ =	shalt  }
0x7d: {  	_ =	shalt  }
0x7e: {  	_ =	shalt  }
0x7f: {  	_ =	shalt  }
0x80: {  	_ =	shalt  }
0x81: {  	_ =	shalt  }
0x82: {  	_ =	shalt  }
0x83: {  	_ =	shalt  }
0x84: {  	_ =	shalt  }
0x85: {  	_ =	shalt  }
0x86: {  	_ =	shalt  }
0x87: {  	_ =	shalt  }
.Lfunc_end0:
.L_simem_size_0:
called_computation_lowered:
.L_overlay_start_0:
0x88: {  	s2 =	sld [smem:$0x3FD9]  }
0x89: {  	s3 =	sld [smem:$0x3FFE];
	_ =	sdelay $0x1  }
0x8a: {  	s1 =	srdreg.scid  }
0x8b: {  	s0 =	sand.u32 $0x1, s1  }
0x8c: {  	s17 =	sshll.u32 s0, $0xA;
	s2 =	sadd.s32 s3, s2  }
0x8d: {  	s2 =	sadd.s32 s2, s17  }
0x8e: {  	[smem:$0x3FB4] =	sst s2  }
0x8f: {  	_ = 	snop  }
0x90: {  	s2 =	sld [smem:$0x3FC9]  }
0x91: {  	s18 =	sld [smem:$0x3FD0];
	(tm) =	ssettm $0x1  }
0x92: {  	s4 =	sld [smem:$0x3FFB];
	_ =	sdelay $0x3  }
0x93: {  	_ =	strace s4  }
0x94: {  	s4 =	sld [smem:$0x3FFC];
	_ =	sdelay $0x3  }
0x95: {  	_ =	strace s4  }
0x96: {  	s4 =	sld [smem:$0x3FFD];
	_ =	sdelay $0x3  }
0x97: {  	_ =	strace s4  }
0x98: {  	_ =	strace $0x8FFFFFFF  }
0x99: {  	s19 =	sld [smem:$0x3FDB];
	_ =	sdelay $0x1  }
0x9a: {  	s5 =	simm.s32 $_scs_section_size  }
0x9b: {  	s6 =	simm.s32 $_size__tile_overlayer_lowered;
	s7 =	simm.s32 $_tile_overlayer_lowered  }
0x9c: {  	s22 =	simm.s32 $0x1BFF;
	s21 =	sshll.u32 s7, $0x1;
	s4 =	sadd.s32 s5, s19  }
0x9d: {  	s8 =	simm.s32 $0x0;
	s20 =	sshll.u32 s6, $0x1;
	s6 =	sadd.s32 s21, s4  }
0x9e: {  	[timem:s8], [sflag:s22] =	dma.local [hbm:s6], s20  }
0x9f: {  	_ =	swait.ge [sflag:s22], s20  }
0xa0: {  	s5 =	ssub.s32 $0x0, s20;
	[sflag:s22] =	ssyncset.done $0x0  }
0xa1: {  	[sflag:s22] =	ssyncadd.s32 s5;
	_ =	sdelay $0x1  }
0xa2: {  	s23 =	simm.s32 $0x1B8B  }
0xa3: {  	_ =	swait.ge [sflag:s23], $0x1  }
0xa4: {  	[sflag:s23] =	ssyncset.done $0x0  }
0xa5: {  	s25 =	simm.s32 $0x1B8E;
	s24 =	sld [smem:$0x3FFE];
	[sflag:s23] =	ssyncadd.s32 $0xFFFFFFFF  }
0xa6: {  	s26 =	simm.s32 $execute0_lowered;
	[smem:$0x3FD2] =	sst s25  }
0xa7: {  	s6 =	sshll.u32 s26, $0x1;
	_ =	strace $0x80000046;
	[dreg:$0x1] =	wrdreg $0xFFFFFFFF  }
0xa8: {  	s28 =	simm.s32 $_size_execute0_lowered;
	s4 =	sadd.s32 s4, s6;
	[dreg:$0x0] =	wrdreg $0x0  }
0xa9: {  	s6 =	sshll.u32 s28, $0x1;
	[dreg:$0x2] =	wrdreg s4  }
0xaa: {  	[dreg:$0x3] =	wrdreg s6  }
0xab: {  	[dreg:$0x4] =	wrdreg $0xC0  }
0xac: {  	_ =	task [dreg:s8], $0x5FFFF  }
0xad: {  	[dreg:$0x1] =	wrdreg $0xFFFFFFFF  }
0xae: {  	[dreg:$0x0] =	wrdreg $0x60  }
0xaf: {  	[dreg:$0x2] =	wrdreg s2  }
0xb0: {  	[dreg:$0x3] =	wrdreg s24  }
0xb1: {  	[dreg:$0x4] =	wrdreg s18  }
0xb2: {  	[dreg:$0x5] =	wrdreg $0x9  }
0xb3: {  	_ =	task.clear_ibuf [dreg:s8], $0x6FFFF;
	_ =	strace $0x90000046  }
0xb4: {  	s29 =	simm.s32 $0x9;
	_ =	strace $0x80000048  }
0xb5: {  	_ =	swait.ge [sflag:s29], $0x1  }
0xb6: {  	[sflag:s29] =	ssyncadd.s32 $0xFFFFFFFF  }
0xb7: {  	_ =	strace $0x90000048  }
0xb8: {  	_ =	sfence  }
0xb9: {  	s30 =	sld [smem:$0x0];
	_ =	sdelay $0x2  }
0xba: {  	s31 =	sshll.u32 s1, $0xD;
	s1 =	sshrl.u32 s1, $0x2  }
0xbb: {  	s3 =	sand.u32 $0x4000, s31;
	s1 =	sadd.s32 s1, s30  }
0xbc: {  	s0 =	sor.u32 s3, s0;
	s1 =	sshll.u32 s1, $0x11  }
0xbd: {  	s0 =	sor.u32 s1, s0  }
0xbe: {  	s0 =	sadd.s32 $0x8F2B, s0  }
0xbf: {  	[sflag:s0] =	ssyncadd.remote.s32 $0x1  }
0xc0: {  	_ =	sfence.sel $0xFFFF  }
0xc1: {  	[dreg:$0x0] =	wrdreg $0xFFFFFFFF;
	(pc) =	sbr.abs _section_cstart, $3  }
0xc2: {  	[dreg:$0x1] =	wrdreg $0xFFFFFFFF  }
0xc3: {  	_ =	task.clear_ibuf [dreg:s8], $0x2FFFF;
	_ =	strace $0x9FFFFFFF  }
0xc4: {  	(tm) =	ssettm $0x7FFFFFFF  }
0xc5: {  	_ =	shalt  }
tec
execute0_lowered:
.L_overlay_start_1:
0x0: {  	(tag) =	ssettag $0x1  }
0x1: {  	s1 =	rddreg [dreg:$0x0];
	s2 =	srdreg.scid  }
0x2: {  	s0 =	stileid.u32;
	s4 =	rddreg [dreg:$0x1]  }
0x3: {  	s6 =	rddreg [dreg:$0x2];
	s3 =	simm.s32 $0x0;
	s10 =	simm.s32 $0x2780  }
0x4: {  	s11 =	simm.s32 $0x4F00;
	s5 =	sand.u32 $0x1, s2;
	s30 =	sshll.u32 s0, $0x1  }
0x5: {  	s12 =	simm.s32 $0x7680;
	s13 =	simm.s32 $0x9E00;
	s7 =	sor.u32 s5, s30  }
0x6: {  	s2 =	rddreg [dreg:$0x3];
	s5 =	ssub.s32 $0x2, s5;
	s7 =	smul.u32 $0x4E2, s7  }
0x7: {  	s14 =	simm.s32 $0x0;
	[smem:$0x7FF] =	sst s3;
	s31 =	sshrl.u32 s5, $0x1  }
0x8: {  	_ =	strace $0x80000047;
	s9 =	ssub.s32 s5, s31;
	s8 =	sadd.s32 s7, s4  }
0x9: {  	s5 =	sadd.s32 s6, s7;
	s4 =	sadd.s32 $0x5000, s8;
	s6 =	sadd.s32 $0xEE00, s8  }
0xa: {  	s7 =	sadd.s32 $0x18C00, s8;
	s8 =	smax.u32 s9, $0x1;
	s9 =	simm.s32 $0x1  }
.LBB2_1:
0xb: {  	[tilespmem:s3], [sflag:$0x1] =	stream.linear.gather [hbm4b:s1+s3], $0x2780, $0x38;
	[tilespmem:$0xC580] =	vst v63  }
0xc: {  	_ =	swait.ge [sflag:s9], $0x2780  }
0xd: {  	[sflag:s9] =	ssyncset.done $0x0  }
0xe: {  	[sflag:s9] =	ssyncadd.s32 $0xFFFFD880  }
0xf: {  	[tilespmem:s10], [sflag:$0x1] =	stream.linear.gather [hbm4b:s4+s3], $0x2710, $0x38;
	[tilespmem:$0xC580] =	vst v63  }
0x10: {  	_ =	swait.ge [sflag:s9], $0x2710  }
0x11: {  	[sflag:s9] =	ssyncset.done $0x0  }
0x12: {  	[sflag:s9] =	ssyncadd.s32 $0xFFFFD8F0  }
0x13: {  	[tilespmem:s11], [sflag:$0x1] =	stream.linear.gather [hbm4b:s5+s3], $0x2710, $0x38;
	[tilespmem:$0xC580] =	vst v63  }
0x14: {  	_ =	swait.ge [sflag:s9], $0x2710  }
0x15: {  	[sflag:s9] =	ssyncset.done $0x0  }
0x16: {  	s15 =	simm.s32 $0x0;
	[sflag:s9] =	ssyncadd.s32 $0xFFFFD8F0  }
0x17: {  	v1 =	vld [tilespmem:s15+$0x2780];
	_ =	sdelay $0x5  }
0x18: {  	v0 =	vld [tilespmem:s15+$0x4F00];
	_ =	sdelay $0x1  }
0x19: {  	v1 =	vld.idx.msk [tilespmem:v1+s3+$0x0], $0xffff;
	_ =	sdelay $0x3  }
0x1a: {  	s16 =	simm.s32 $0x10;
	s17 =	simm.s32 $0x80  }
.LBB2_2:
0x1b: {  	p0 =	sne.s32 s17, $0x9C00;
	v2 =	vld [tilespmem:s16+$0x2780];
	[tilespmem:s15+$0x7680] =	vst v1  }
0x1c: {  	v1 =	vld.idx.msk [tilespmem:v0+s3+$0x0], $0xffff;
	_ =	sdelay $0x5  }
0x1d: {  	v0 =	vld [tilespmem:s16+$0x4F00];
	[tilespmem:s15+$0x9E00] =	vst v1;
	s15 =	smov.u32 s16  }
0x1e: {  	v1 =	vld.idx.msk [tilespmem:v2+s3+$0x0], $0xffff  }
.Ltmp0:
0x1f: {  	(pc) =	sbr.rel @p0 .LBB2_2-.Ltmp0, $2  }
0x20: {  	_ =	sdelay $0x2  }
0x21: {  	s16 =	sshra.s32 s17, $0x2;
	s17 =	sadd.s32 $0x40, s17  }
0x22: {  	_ =	sdelay $0x1  }
0x23: {  	v2 =	vld [tilespmem:s16+$0x2780]  }
0x24: {  	[tilespmem:s15+$0x7680] =	vst v1  }
0x25: {  	v0 =	vld.idx.msk [tilespmem:v0+s3+$0x0], $0xffff;
	_ =	sdelay $0x3  }
0x26: {  	v1 =	vld [tilespmem:s16+$0x4F00]  }
0x27: {  	[tilespmem:s15+$0x9E00] =	vst v0  }
0x28: {  	v0 =	vld.idx.msk [tilespmem:v2+s3+$0x0], $0xffff;
	_ =	sdelay $0x4  }
0x29: {  	[tilespmem:s16+$0x7680] =	vst v0  }
0x2a: {  	v0 =	vld.idx.msk [tilespmem:v1+s3+$0x0], $0xffff;
	_ =	sdelay $0x4  }
0x2b: {  	[tilespmem:s16+$0x9E00] =	vst v0  }
0x2c: {  	[hbm4b:s6+s3] =	stream.linear.scatter [tilespmem:s12], [sflag:$0x1], $0x2710, $0x38;
	[tilespmem:$0xC580] =	vst v63  }
0x2d: {  	s14 =	sadd.s32 $0x1, s14;
	_ =	swait.ge [sflag:s9], $0x2710  }
0x2e: {  	p0 =	sne.s32 s14, s8;
	[sflag:s9] =	ssyncset.done $0x0  }
.Ltmp1:
0x2f: {  	[sflag:s9] =	ssyncadd.s32 $0xFFFFD8F0;
	(pc) =	sbr.rel @p0 .LBB2_1-.Ltmp1, $4  }
0x30: {  	[hbm4b:s7+s3] =	stream.linear.scatter [tilespmem:s13], [sflag:$0x1], $0x2710, $0x38;
	[tilespmem:$0xC580] =	vst v63  }
0x31: {  	_ =	swait.ge [sflag:s9], $0x2710  }
0x32: {  	[sflag:s9] =	ssyncset.done $0x0  }
0x33: {  	[sflag:s9] =	ssyncadd.s32 $0xFFFFD8F0  }
0x34: {  	_ =	sfence.sel $0x180000  }
0x35: {  	[bflag:$0x0] =	sbarrier.arrive $0xFFFF  }
0x36: {  	p0 =	sne.s32 s0, $0x0;
	_ =	strace $0x90000047  }
0x37: {  	s0 =	sadd.s32 @!p0 $0x100000, s2;
	[bflag:$0x2] =	sbarrier.arrive $0xFFFF  }
0x38: {  	[sflag:s0] =	ssyncadd.tile.s32 @!p0 $0x1;
	_ =	shalt  }
.Lfunc_end2:
_tile_overlayer_lowered:
.L_overlay_start_2:
0x39: {  	(tag) =	ssettag $0x2  }
0x3a: {  	s0 =	rddreg [dreg:$0x0];
	s2 =	stileid.u32  }
0x3b: {  	s1 =	rddreg [dreg:$0x1];
	p0 =	sne.s32 s2, $0x0  }
0x3c: {  	s3 =	rddreg [dreg:$0x2];
	[bflag:$0x3] =	sbarrier.arrive $0xFFFF;
	s2 =	simm.s32 @!p0 $0x1C01  }
0x3d: {  	[timem:s3], [sflag:s2] =	dma.local @!p0 [hbm:s0], s1  }
0x3e: {  	s0 =	simm.s32 @!p0 $0x1  }
0x3f: {  	_ =	swait.ge @!p0 [sflag:s0], s1  }
0x40: {  	s1 =	ssub.s32 @!p0 $0x0, s1;
	[sflag:s0] =	ssyncset.done @!p0 $0x0  }
0x41: {  	[sflag:s0] =	ssyncadd.s32 @!p0 s1  }
0x42: {  	[bflag:$0x3] =	sbarrier.arrive $0xFFFF  }
0x43: {  	_ =	shalt  }

</sc_bundles>
